<compile_context>
chip_gen: v7x
topology: tpu7x:2x2x1
jax: 0.10.2.dev20260603
libtpu: 0.0.44.dev20260713+nightly
codegen_flags: <defaults>
</compile_context>

<pallas_src>
import functools

import jax
import jax.numpy as jnp
from jax import lax
from jax.experimental import pallas as pl
from jax.experimental.pallas import tpu as pltpu
from jax.experimental.pallas import tpu_sc as plsc

N = 10000
E = 320000
D_IN = 128
D_HID = 256
D_OUT = 128

NC = 2
NS = 16
ROWS_PER_TILE = 640
NPAD = NS * ROWS_PER_TILE
CHUNK = 80
RB = 400


def _sc_mesh():
    return plsc.VectorSubcoreMesh(core_axis_name="c", subcore_axis_name="s")


HR = NPAD // 128
HRPT = 8
DEG_CHUNK = 2000


@functools.partial(
    pl.kernel,
    mesh=_sc_mesh(),
    compiler_params=pltpu.CompilerParams(needs_layout_passes=False),
    out_type=jax.ShapeDtypeStruct((NC, HR, 128), jnp.float32),
    scratch_types=[
        pltpu.VMEM((DEG_CHUNK,), jnp.int32),
        pltpu.VMEM((HR, 128), jnp.float32),
        pltpu.VMEM((HR,), jnp.int32),
        pltpu.VMEM((HRPT, 128), jnp.float32),
        pltpu.VMEM_SHARED((HR, 128), jnp.float32),
    ],
)
def _deg(dst_hbm, out_hbm, idx_v, hist_v, rowid_v, ob_v, acc_sh):
    c = lax.axis_index("c")
    s = lax.axis_index("s")

    def zrow(j, carry):
        def zcol(l, carry2):
            hist_v[j, pl.ds(l * 16, 16)] = jnp.zeros((16,), jnp.float32)
            return carry2
        return lax.fori_loop(0, 128 // 16, zcol, carry)

    lax.fori_loop(0, HR, zrow, 0)
    for j in range(HR // 16):
        rowid_v[pl.ds(j * 16, 16)] = (
            lax.iota(jnp.int32, 16) + jnp.full((16,), j * 16, jnp.int32))

    @pl.when(s == 0)
    def _():
        pltpu.sync_copy(hist_v, acc_sh)
    plsc.subcore_barrier()

    epw = E // (NC * NS)
    base = (c * NS + s) * epw
    ones16 = jnp.full((16,), 1.0, jnp.float32)

    def chunk_step(k, carry):
        pltpu.sync_copy(dst_hbm.at[pl.ds(base + k * DEG_CHUNK, DEG_CHUNK)],
                        idx_v)

        def vstep(j, carry2):
            v = idx_v[pl.ds(j * 16, 16)]
            row = lax.shift_right_logical(v, 7)
            col = jnp.bitwise_and(v, 127)
            plsc.addupdate_scatter(hist_v, [row, col], ones16)
            return carry2

        return lax.fori_loop(0, DEG_CHUNK // 16, vstep, carry)

    lax.fori_loop(0, epw // DEG_CHUNK, chunk_step, 0)
    pltpu.sync_copy(hist_v, acc_sh.at[rowid_v], add=True)
    plsc.subcore_barrier()

    @pl.when(s < HR // HRPT)
    def _():
        pltpu.sync_copy(acc_sh.at[pl.ds(s * HRPT, HRPT)], ob_v)

        @pl.when(c == 0)
        def _():
            pltpu.sync_copy(ob_v, out_hbm.at[0, pl.ds(s * HRPT, HRPT)])

        @pl.when(c == 1)
        def _():
            pltpu.sync_copy(ob_v, out_hbm.at[1, pl.ds(s * HRPT, HRPT)])


def _make_conv(F2):
    ept = E // NS
    nchunk = ept // CHUNK
    zr = 64
    nz = ROWS_PER_TILE // zr

    @functools.partial(
        pl.kernel,
        mesh=_sc_mesh(),
        out_type=[
            jax.ShapeDtypeStruct((NPAD, F2), jnp.float32),
            jax.ShapeDtypeStruct((NPAD, F2), jnp.float32),
        ],
        scratch_types=[
            pltpu.VMEM((CHUNK,), jnp.int32),
            pltpu.VMEM((CHUNK,), jnp.int32),
            pltpu.VMEM((CHUNK, F2), jnp.float32),
            pltpu.VMEM((zr, F2), jnp.float32),
            pltpu.SemaphoreType.DMA,
            pltpu.VMEM_SHARED((NPAD, F2), jnp.float32),
        ],
    )
    def conv(src_hbm, dst_hbm, hs0_hbm, hs1_hbm, out0_hbm, out1_hbm,
             si_v, di_v, rows_v, zb_v, sem, acc_sh):
        c = lax.axis_index("c")
        s = lax.axis_index("s")

        def zrow(j, carry):
            def zcol(l, carry2):
                zb_v[j, pl.ds(l * 16, 16)] = jnp.zeros((16,), jnp.float32)
                return carry2
            return lax.fori_loop(0, F2 // 16, zcol, carry)

        lax.fori_loop(0, zr, zrow, 0)
        row0 = s * ROWS_PER_TILE
        for t in range(nz):
            pltpu.sync_copy(zb_v, acc_sh.at[pl.ds(row0 + t * zr, zr)])
        plsc.subcore_barrier()

        def pass_edges(hs_hbm):
            base = s * ept

            def step(i, carry):
                off = base + i * CHUNK
                pltpu.sync_copy(src_hbm.at[pl.ds(off, CHUNK)], si_v)
                pltpu.sync_copy(dst_hbm.at[pl.ds(off, CHUNK)], di_v)
                pltpu.async_copy(hs_hbm.at[si_v], rows_v, sem).wait()
                pltpu.sync_copy(rows_v, acc_sh.at[di_v], add=True)
                return carry

            lax.fori_loop(0, nchunk, step, 0)

        @pl.when(c == 0)
        def _():
            pass_edges(hs0_hbm)

        @pl.when(c == 1)
        def _():
            pass_edges(hs1_hbm)

        plsc.subcore_barrier()
        for t in range(nz):
            pltpu.sync_copy(acc_sh.at[pl.ds(row0 + t * zr, zr)], zb_v)

            @pl.when(c == 0)
            def _():
                pltpu.sync_copy(zb_v, out0_hbm.at[pl.ds(row0 + t * zr, zr)])

            @pl.when(c == 1)
            def _():
                pltpu.sync_copy(zb_v, out1_hbm.at[pl.ds(row0 + t * zr, zr)])

    return conv


_conv_hid = _make_conv(D_HID // 2)


def _make_conv_es(F):
    ept = E // (NC * NS)
    nchunk = ept // CHUNK
    zr = 64
    nz = ROWS_PER_TILE // zr

    @functools.partial(
        pl.kernel,
        mesh=_sc_mesh(),
        out_type=[
            jax.ShapeDtypeStruct((NPAD, F), jnp.float32),
            jax.ShapeDtypeStruct((NPAD, F), jnp.float32),
        ],
        scratch_types=[
            pltpu.VMEM((CHUNK,), jnp.int32),
            pltpu.VMEM((CHUNK,), jnp.int32),
            pltpu.VMEM((CHUNK, F), jnp.float32),
            pltpu.VMEM((zr, F), jnp.float32),
            pltpu.SemaphoreType.DMA,
            pltpu.VMEM_SHARED((NPAD, F), jnp.float32),
        ],
    )
    def conv(src_hbm, dst_hbm, hs_hbm, out0_hbm, out1_hbm,
             si_v, di_v, rows_v, zb_v, sem, acc_sh):
        c = lax.axis_index("c")
        s = lax.axis_index("s")

        def zrow(j, carry):
            def zcol(l, carry2):
                zb_v[j, pl.ds(l * 16, 16)] = jnp.zeros((16,), jnp.float32)
                return carry2
            return lax.fori_loop(0, F // 16, zcol, carry)

        lax.fori_loop(0, zr, zrow, 0)
        row0 = s * ROWS_PER_TILE
        for t in range(nz):
            pltpu.sync_copy(zb_v, acc_sh.at[pl.ds(row0 + t * zr, zr)])
        plsc.subcore_barrier()

        base = (c * NS + s) * ept

        def step(i, carry):
            off = base + i * CHUNK
            pltpu.sync_copy(src_hbm.at[pl.ds(off, CHUNK)], si_v)
            pltpu.sync_copy(dst_hbm.at[pl.ds(off, CHUNK)], di_v)
            pltpu.async_copy(hs_hbm.at[si_v], rows_v, sem).wait()
            pltpu.sync_copy(rows_v, acc_sh.at[di_v], add=True)
            return carry

        lax.fori_loop(0, nchunk, step, 0)
        plsc.subcore_barrier()
        for t in range(nz):
            pltpu.sync_copy(acc_sh.at[pl.ds(row0 + t * zr, zr)], zb_v)

            @pl.when(c == 0)
            def _():
                pltpu.sync_copy(zb_v, out0_hbm.at[pl.ds(row0 + t * zr, zr)])

            @pl.when(c == 1)
            def _():
                pltpu.sync_copy(zb_v, out1_hbm.at[pl.ds(row0 + t * zr, zr)])

    return conv


_conv_out = _make_conv_es(D_OUT)


def _mm1_body(degp_ref, x_ref, w_ref, hs0_ref, hs1_ref, dinv_ref):
    deg = degp_ref[:, 0] + degp_ref[:, 1] + 1.0
    dinv = lax.rsqrt(deg)
    h = jnp.dot(x_ref[...], w_ref[...], preferred_element_type=jnp.float32)
    hs = h * dinv[:, None]
    hs0_ref[...] = hs[:, : D_HID // 2]
    hs1_ref[...] = hs[:, D_HID // 2:]
    dinv_ref[...] = dinv[:, None]


_mm1 = pl.pallas_call(
    _mm1_body,
    grid=(N // RB,),
    in_specs=[
        pl.BlockSpec((RB, 2), lambda i: (i, 0)),
        pl.BlockSpec((RB, D_IN), lambda i: (i, 0)),
        pl.BlockSpec((D_IN, D_HID), lambda i: (0, 0)),
    ],
    out_specs=[
        pl.BlockSpec((RB, D_HID // 2), lambda i: (i, 0)),
        pl.BlockSpec((RB, D_HID // 2), lambda i: (i, 0)),
        pl.BlockSpec((RB, 1), lambda i: (i, 0)),
    ],
    out_shape=[
        jax.ShapeDtypeStruct((N, D_HID // 2), jnp.float32),
        jax.ShapeDtypeStruct((N, D_HID // 2), jnp.float32),
        jax.ShapeDtypeStruct((N, 1), jnp.float32),
    ],
)


def _mm2_body(acc0_ref, acc1_ref, hs0_ref, hs1_ref, dinv_ref, b1_ref, w2_ref,
              o_ref):
    dinv = dinv_ref[...]
    pre = jnp.concatenate(
        [acc0_ref[...] + hs0_ref[...], acc1_ref[...] + hs1_ref[...]], axis=1)
    act = jnp.maximum(pre * dinv + b1_ref[...], 0.0)
    o_ref[...] = jnp.dot(act, w2_ref[...],
                         preferred_element_type=jnp.float32) * dinv


_mm2 = pl.pallas_call(
    _mm2_body,
    grid=(N // RB,),
    in_specs=[
        pl.BlockSpec((RB, D_HID // 2), lambda i: (i, 0)),
        pl.BlockSpec((RB, D_HID // 2), lambda i: (i, 0)),
        pl.BlockSpec((RB, D_HID // 2), lambda i: (i, 0)),
        pl.BlockSpec((RB, D_HID // 2), lambda i: (i, 0)),
        pl.BlockSpec((RB, 1), lambda i: (i, 0)),
        pl.BlockSpec((1, D_HID), lambda i: (0, 0)),
        pl.BlockSpec((D_HID, D_OUT), lambda i: (0, 0)),
    ],
    out_specs=pl.BlockSpec((RB, D_OUT), lambda i: (i, 0)),
    out_shape=jax.ShapeDtypeStruct((N, D_OUT), jnp.float32),
)


def _mm3_body(acc0_ref, acc1_ref, hs2_ref, dinv_ref, b2_ref, out_ref):
    pre = acc0_ref[...] + acc1_ref[...] + hs2_ref[...]
    out_ref[...] = pre * dinv_ref[...] + b2_ref[...]


_mm3 = pl.pallas_call(
    _mm3_body,
    grid=(N // RB,),
    in_specs=[
        pl.BlockSpec((RB, D_OUT), lambda i: (i, 0)),
        pl.BlockSpec((RB, D_OUT), lambda i: (i, 0)),
        pl.BlockSpec((RB, D_OUT), lambda i: (i, 0)),
        pl.BlockSpec((RB, 1), lambda i: (i, 0)),
        pl.BlockSpec((1, D_OUT), lambda i: (0, 0)),
    ],
    out_specs=pl.BlockSpec((RB, D_OUT), lambda i: (i, 0)),
    out_shape=jax.ShapeDtypeStruct((N, D_OUT), jnp.float32),
)


def kernel(x, edge_index, conv1_weight, conv1_bias, conv2_weight, conv2_bias):
    src = edge_index[0]
    dst = edge_index[1]
    deg_parts = _deg(dst)
    degp = deg_parts.reshape(NC, NPAD)[:, :N].T
    hs1a, hs1b, dinv = _mm1(degp, x, conv1_weight)
    acc1a, acc1b = _conv_hid(src, dst, hs1a, hs1b)
    hs2 = _mm2(acc1a, acc1b, hs1a, hs1b, dinv,
               conv1_bias.reshape(1, -1), conv2_weight)
    acc2a, acc2b = _conv_out(src, dst, hs2)
    return _mm3(acc2a, acc2b, hs2, dinv, conv2_bias.reshape(1, -1))

# --- scband reference (transcript-rebuilt; emitter-appended) ---
"""Pipeline reference for scband-meta-encoder2-2353642078844 (READ-ONLY COPY).

The authoritative reference and input builder live on the scoring server;
editing this copy changes nothing except your own understanding.
"""

import jax, jax.numpy as jnp
import numpy as np

N = 10000
E = 320000
D_IN = 128
D_HID = 256
D_OUT = 128


def _glorot(key, shape):
    std = float(np.sqrt(2.0 / (shape[0] + shape[1])))
    return jax.random.normal(key, shape, dtype=jnp.float32) * std


def gcn_conv(x, src, dst, weight, bias, num_nodes):
    # symmetric-normalized GCN conv with self-loops already appended to src/dst
    deg = jnp.zeros((num_nodes,), dtype=x.dtype).at[dst].add(1.0)
    deg_inv_sqrt = jnp.where(deg > 0, deg ** -0.5, 0.0)
    norm = deg_inv_sqrt[src] * deg_inv_sqrt[dst]
    h = x @ weight
    msgs = jnp.take(h, src, axis=0) * norm[:, None]
    out = jnp.zeros((num_nodes, h.shape[1]), dtype=x.dtype).at[dst].add(msgs)
    return out + bias


def setup_inputs(seed: int = 0) -> dict:
    key = jax.random.key(seed)
    k1, k2, k3, k4 = jax.random.split(key, 4)
    x = jax.random.normal(k1, (N, D_IN), dtype=jnp.float32)
    edge_index = jax.random.randint(k2, (2, E), 0, N, dtype=jnp.int32)
    conv1_weight = _glorot(k3, (D_IN, D_HID))
    conv1_bias = jnp.zeros((D_HID,), dtype=jnp.float32)
    conv2_weight = _glorot(k4, (D_HID, D_OUT))
    conv2_bias = jnp.zeros((D_OUT,), dtype=jnp.float32)
    return {"x": x, "edge_index": edge_index, "conv1_weight": conv1_weight,
            "conv1_bias": conv1_bias, "conv2_weight": conv2_weight,
            "conv2_bias": conv2_bias}


def reference(x, edge_index, conv1_weight, conv1_bias, conv2_weight, conv2_bias):
    # MetaEncoder2 with args.model == 'GAE':
    #   x = relu(MetaGCNConv1(x, edge_index, w1, b1))
    #   return MetaGCNConv2(x, edge_index, w2, b2)
    num_nodes = x.shape[0]
    loop = jnp.arange(num_nodes, dtype=edge_index.dtype)
    src = jnp.concatenate([edge_index[0], loop])
    dst = jnp.concatenate([edge_index[1], loop])
    h = jax.nn.relu(gcn_conv(x, src, dst, conv1_weight, conv1_bias, num_nodes))
    return gcn_conv(h, src, dst, conv2_weight, conv2_bias, num_nodes)

if __name__ == "__main__":
    import jax
    _d = setup_inputs()
    print(jax.jit(kernel)(*tuple(_d.values())))

</pallas_src>

<mosaic_0001>
#map = affine_map<(d0, d1) -> (0)>
#map1 = affine_map<(d0, d1) -> (0, 0, 0)>
module attributes {stable_mosaic.version = 14 : i64} {
  func.func @_deg(%arg0: i32, %arg1: i32, %arg2: memref<320000xi32, #tpu.memory_space<hbm>>, %arg3: memref<2x80x128xf32, #tpu.memory_space<hbm>>, %arg4: memref<2000xi32, #tpu.memory_space<vmem>>, %arg5: memref<80x128xf32, #tpu.memory_space<vmem>>, %arg6: memref<80xi32, #tpu.memory_space<vmem>>, %arg7: memref<8x128xf32, #tpu.memory_space<vmem>>, %arg8: memref<80x128xf32, #tpu.memory_space<vmem_shared>>) attributes {dimension_semantics = [#tpu.dimension_semantics<core_parallel>, #tpu.dimension_semantics<subcore_parallel>], iteration_bounds = array<i64: 2, 16>, scalar_prefetch = 0 : i64, scratch_operands = 5 : i64, tpu.core_type = #tpu.core_type<sc_vector_subcore>, window_params = [{transform_indices = #map}, {transform_indices = #map1}]} {
    %scan3A = arith.constant 0 : i32
    %scan3A_0 = arith.constant 0 : i32
    %scan3A_1 = arith.constant 80 : i32
    %scan3A_2 = arith.addi %scan3A_0, %scan3A_1 : i32
    %scan3A_3 = arith.constant 1 : i32
    scf.for %scan3A_50 = %scan3A_0 to %scan3A_2 step %scan3A_3  : i32 {
      %scan3A_51 = arith.constant 0 : i32
      %scan3A_52 = arith.constant 8 : i32
      %scan3A_53 = arith.addi %scan3A_51, %scan3A_52 : i32
      %scan3A_54 = arith.constant 1 : i32
      scf.for %scan3A_56 = %scan3A_51 to %scan3A_53 step %scan3A_54  : i32 {
        %broadcast_in_dim3A_57 = arith.constant 0.000000e+00 : f32
        %broadcast_in_dim3A_58 = vector.broadcast %broadcast_in_dim3A_57 : f32 to vector<16xf32>
        %mul3A_59 = arith.constant 16 : i32
        %mul3A_60 = arith.muli %scan3A_56, %mul3A_59 : i32
        %swap3A_61 = arith.index_cast %scan3A_50 : i32 to index
        %swap3A_62 = arith.index_cast %mul3A_60 : i32 to index
        %swap3A_63 = tpu.vector_load %arg5[%swap3A_61, %swap3A_62] {strides = array<i32>} : memref<80x128xf32, #tpu.memory_space<vmem>>, vector<16xf32>,
        tpu.vector_store %arg5[%swap3A_61, %swap3A_62], %broadcast_in_dim3A_58 {strides = array<i32>} : memref<80x128xf32, #tpu.memory_space<vmem>>, vector<16xf32>,
      }
      %scan3A_55 = arith.constant 8 : i32
    }
    %scan3A_4 = arith.constant 80 : i32
    %iota3A = tpu.iota {dimensions = array<i32: 0>} : vector<16xi32>
    %broadcast_in_dim3A = arith.constant 0 : i32
    %broadcast_in_dim3A_5 = vector.broadcast %broadcast_in_dim3A : i32 to vector<16xi32>
    %add3A = arith.addi %iota3A, %broadcast_in_dim3A_5 : vector<16xi32>
    %swap3A = arith.constant 0 : index
    %swap3A_6 = tpu.vector_load %arg6[%swap3A] {strides = array<i32>} : memref<80xi32, #tpu.memory_space<vmem>>, vector<16xi32>,
    tpu.vector_store %arg6[%swap3A], %add3A {strides = array<i32>} : memref<80xi32, #tpu.memory_space<vmem>>, vector<16xi32>,
    %iota3A_7 = tpu.iota {dimensions = array<i32: 0>} : vector<16xi32>
    %broadcast_in_dim3A_8 = arith.constant 16 : i32
    %broadcast_in_dim3A_9 = vector.broadcast %broadcast_in_dim3A_8 : i32 to vector<16xi32>
    %add3A_10 = arith.addi %iota3A_7, %broadcast_in_dim3A_9 : vector<16xi32>
    %swap3A_11 = arith.constant 16 : index
    %swap3A_12 = tpu.vector_load %arg6[%swap3A_11] {strides = array<i32>} : memref<80xi32, #tpu.memory_space<vmem>>, vector<16xi32>,
    tpu.vector_store %arg6[%swap3A_11], %add3A_10 {strides = array<i32>} : memref<80xi32, #tpu.memory_space<vmem>>, vector<16xi32>,
    %iota3A_13 = tpu.iota {dimensions = array<i32: 0>} : vector<16xi32>
    %broadcast_in_dim3A_14 = arith.constant 32 : i32
    %broadcast_in_dim3A_15 = vector.broadcast %broadcast_in_dim3A_14 : i32 to vector<16xi32>
    %add3A_16 = arith.addi %iota3A_13, %broadcast_in_dim3A_15 : vector<16xi32>
    %swap3A_17 = arith.constant 32 : index
    %swap3A_18 = tpu.vector_load %arg6[%swap3A_17] {strides = array<i32>} : memref<80xi32, #tpu.memory_space<vmem>>, vector<16xi32>,
    tpu.vector_store %arg6[%swap3A_17], %add3A_16 {strides = array<i32>} : memref<80xi32, #tpu.memory_space<vmem>>, vector<16xi32>,
    %iota3A_19 = tpu.iota {dimensions = array<i32: 0>} : vector<16xi32>
    %broadcast_in_dim3A_20 = arith.constant 48 : i32
    %broadcast_in_dim3A_21 = vector.broadcast %broadcast_in_dim3A_20 : i32 to vector<16xi32>
    %add3A_22 = arith.addi %iota3A_19, %broadcast_in_dim3A_21 : vector<16xi32>
    %swap3A_23 = arith.constant 48 : index
    %swap3A_24 = tpu.vector_load %arg6[%swap3A_23] {strides = array<i32>} : memref<80xi32, #tpu.memory_space<vmem>>, vector<16xi32>,
    tpu.vector_store %arg6[%swap3A_23], %add3A_22 {strides = array<i32>} : memref<80xi32, #tpu.memory_space<vmem>>, vector<16xi32>,
    %iota3A_25 = tpu.iota {dimensions = array<i32: 0>} : vector<16xi32>
    %broadcast_in_dim3A_26 = arith.constant 64 : i32
    %broadcast_in_dim3A_27 = vector.broadcast %broadcast_in_dim3A_26 : i32 to vector<16xi32>
    %add3A_28 = arith.addi %iota3A_25, %broadcast_in_dim3A_27 : vector<16xi32>
    %swap3A_29 = arith.constant 64 : index
    %swap3A_30 = tpu.vector_load %arg6[%swap3A_29] {strides = array<i32>} : memref<80xi32, #tpu.memory_space<vmem>>, vector<16xi32>,
    tpu.vector_store %arg6[%swap3A_29], %add3A_28 {strides = array<i32>} : memref<80xi32, #tpu.memory_space<vmem>>, vector<16xi32>,
    %eq3A = arith.constant 0 : i32
    %eq3A_31 = arith.cmpi eq, %arg1, %eq3A : i32
    %convert_element_type3A = arith.extui %eq3A_31 : i1 to i32
    %cond3A = arith.constant 0 : i32
    %cond3A_32 = arith.cmpi ne, %convert_element_type3A, %cond3A : i32
    scf.if %cond3A_32 {
      "tpu.region"() ({
        %run_scoped3A = tpu.sem_alloc : memref<!tpu.dma_semaphore, #tpu.memory_space<semaphore_mem>>
        tpu.enqueue_dma source(%arg5 : memref<80x128xf32, #tpu.memory_space<vmem>>) target(%arg8 : memref<80x128xf32, #tpu.memory_space<vmem_shared>>) target_semaphore(%run_scoped3A : memref<!tpu.dma_semaphore, #tpu.memory_space<semaphore_mem>>)
        tpu.wait_dma2 semaphore(%run_scoped3A : memref<!tpu.dma_semaphore, #tpu.memory_space<semaphore_mem>>) src(%arg5 : memref<80x128xf32, #tpu.memory_space<vmem>>) dst(%arg8 : memref<80x128xf32, #tpu.memory_space<vmem_shared>>)
        tpu.yield
      }) : () -> ()
    } else {
    }
    %barrier3A = arith.constant 0 : index
    tpu.barrier barrier_id(%barrier3A)
    %mul3A = arith.constant 16 : i32
    %mul3A_33 = arith.muli %arg0, %mul3A : i32
    %add3A_34 = arith.addi %mul3A_33, %arg1 : i32
    %mul3A_35 = arith.constant 10000 : i32
    %mul3A_36 = arith.muli %add3A_34, %mul3A_35 : i32
    %broadcast_in_dim3A_37 = arith.constant 1.000000e+00 : f32
    %broadcast_in_dim3A_38 = vector.broadcast %broadcast_in_dim3A_37 : f32 to vector<16xf32>
    %scan3A_39 = arith.constant 0 : i32
    %scan3A_40 = arith.constant 0 : i32
    %scan3A_41 = arith.constant 5 : i32
    %scan3A_42 = arith.addi %scan3A_40, %scan3A_41 : i32
    %scan3A_43 = arith.constant 1 : i32
    scf.for %scan3A_50 = %scan3A_40 to %scan3A_42 step %scan3A_43  : i32 {
      %mul3A_51 = arith.constant 2000 : i32
      %mul3A_52 = arith.muli %scan3A_50, %mul3A_51 : i32
      %add3A_53 = arith.addi %mul3A_36, %mul3A_52 : i32
      "tpu.region"() ({
        %run_scoped3A = tpu.sem_alloc : memref<!tpu.dma_semaphore, #tpu.memory_space<semaphore_mem>>
        %dma_start3A = tpu.memref_slice %arg2[%add3A_53] : memref<320000xi32, #tpu.memory_space<hbm>> -> memref<2000xi32, #tpu.memory_space<hbm>>
        %dma_start3A_59 = tpu.memref_slice %arg2[%add3A_53] : memref<320000xi32, #tpu.memory_space<hbm>> -> memref<2000xi32, #tpu.memory_space<hbm>>
        tpu.enqueue_dma source(%dma_start3A_59 : memref<2000xi32, #tpu.memory_space<hbm>>) target(%arg4 : memref<2000xi32, #tpu.memory_space<vmem>>) target_semaphore(%run_scoped3A : memref<!tpu.dma_semaphore, #tpu.memory_space<semaphore_mem>>)
        %dma_wait3A = tpu.memref_slice %arg2[%add3A_53] : memref<320000xi32, #tpu.memory_space<hbm>> -> memref<2000xi32, #tpu.memory_space<hbm>>
        %dma_wait3A_60 = tpu.memref_slice %arg2[%add3A_53] : memref<320000xi32, #tpu.memory_space<hbm>> -> memref<2000xi32, #tpu.memory_space<hbm>>
        tpu.wait_dma2 semaphore(%run_scoped3A : memref<!tpu.dma_semaphore, #tpu.memory_space<semaphore_mem>>) src(%dma_wait3A_60 : memref<2000xi32, #tpu.memory_space<hbm>>) dst(%arg4 : memref<2000xi32, #tpu.memory_space<vmem>>)
        tpu.yield
      }) : () -> ()
      %scan3A_54 = arith.constant 0 : i32
      %scan3A_55 = arith.constant 125 : i32
      %scan3A_56 = arith.addi %scan3A_54, %scan3A_55 : i32
      %scan3A_57 = arith.constant 1 : i32
      scf.for %scan3A_59 = %scan3A_54 to %scan3A_56 step %scan3A_57  : i32 {
        %mul3A_60 = arith.constant 16 : i32
        %mul3A_61 = arith.muli %scan3A_59, %mul3A_60 : i32
        %get3A = arith.index_cast %mul3A_61 : i32 to index
        %get3A_62 = tpu.vector_load %arg4[%get3A] {strides = array<i32>} : memref<2000xi32, #tpu.memory_space<vmem>>, vector<16xi32>,
        %shift_right_logical3A = arith.constant 7 : i32
        %shift_right_logical3A_63 = vector.broadcast %shift_right_logical3A : i32 to vector<16xi32>
        %shift_right_logical3A_64 = arith.shrui %get3A_62, %shift_right_logical3A_63 : vector<16xi32>
        %and3A = arith.constant 127 : i32
        %and3A_65 = vector.broadcast %and3A : i32 to vector<16xi32>
        %and3A_66 = arith.andi %get3A_62, %and3A_65 : vector<16xi32>
        tpu.vector_store_idx %arg5[%shift_right_logical3A_64, %and3A_66], %broadcast_in_dim3A_38 {add = true} : memref<80x128xf32, #tpu.memory_space<vmem>>[vector<16xi32>, vector<16xi32>], vector<16xf32>,
      }
      %scan3A_58 = arith.constant 125 : i32
    }
    %scan3A_44 = arith.constant 5 : i32
    "tpu.region"() ({
      %run_scoped3A = tpu.sem_alloc : memref<!tpu.dma_semaphore, #tpu.memory_space<semaphore_mem>>
      %dma_start3A = arith.constant 0 : i32
      %dma_start3A_50 = arith.constant 0 : i32
      %dma_start3A_51 = tpu.memref_slice %arg8[%dma_start3A, %dma_start3A_50] : memref<80x128xf32, #tpu.memory_space<vmem_shared>> -> memref<80x128xf32, #tpu.memory_space<vmem_shared>>
      tpu.enqueue_indirect_dma source(%arg5 : memref<80x128xf32, #tpu.memory_space<vmem>>) target(%dma_start3A_51 : memref<80x128xf32, #tpu.memory_space<vmem_shared>>) offsets(%arg6 : memref<80xi32, #tpu.memory_space<vmem>>) semaphore(%run_scoped3A : memref<!tpu.dma_semaphore, #tpu.memory_space<semaphore_mem>>) {add = true}
      %dma_wait3A = arith.constant 0 : i32
      %dma_wait3A_52 = arith.constant 0 : i32
      %dma_wait3A_53 = tpu.memref_slice %arg8[%dma_wait3A, %dma_wait3A_52] : memref<80x128xf32, #tpu.memory_space<vmem_shared>> -> memref<80x128xf32, #tpu.memory_space<vmem_shared>>
      tpu.wait_indirect_dma semaphore(%run_scoped3A : memref<!tpu.dma_semaphore, #tpu.memory_space<semaphore_mem>>) src(%arg5 : memref<80x128xf32, #tpu.memory_space<vmem>>) dst(%dma_wait3A_53 : memref<80x128xf32, #tpu.memory_space<vmem_shared>>)
      tpu.yield
    }) : () -> ()
    %barrier3A_45 = arith.constant 0 : index
    tpu.barrier barrier_id(%barrier3A_45)
    %lt3A = arith.constant 10 : i32
    %lt3A_46 = arith.cmpi slt, %arg1, %lt3A : i32
    %convert_element_type3A_47 = arith.extui %lt3A_46 : i1 to i32
    %cond3A_48 = arith.constant 0 : i32
    %cond3A_49 = arith.cmpi ne, %convert_element_type3A_47, %cond3A_48 : i32
    scf.if %cond3A_49 {
      %mul3A_50 = arith.constant 8 : i32
      %mul3A_51 = arith.muli %arg1, %mul3A_50 : i32
      "tpu.region"() ({
        %run_scoped3A = tpu.sem_alloc : memref<!tpu.dma_semaphore, #tpu.memory_space<semaphore_mem>>
        %dma_start3A = arith.constant 0 : i32
        %dma_start3A_62 = tpu.memref_slice %arg8[%mul3A_51, %dma_start3A] : memref<80x128xf32, #tpu.memory_space<vmem_shared>> -> memref<8x128xf32, #tpu.memory_space<vmem_shared>>
        %dma_start3A_63 = arith.constant 0 : i32
        %dma_start3A_64 = tpu.memref_slice %arg8[%mul3A_51, %dma_start3A_63] : memref<80x128xf32, #tpu.memory_space<vmem_shared>> -> memref<8x128xf32, #tpu.memory_space<vmem_shared>>
        tpu.enqueue_dma source(%dma_start3A_64 : memref<8x128xf32, #tpu.memory_space<vmem_shared>>) target(%arg7 : memref<8x128xf32, #tpu.memory_space<vmem>>) target_semaphore(%run_scoped3A : memref<!tpu.dma_semaphore, #tpu.memory_space<semaphore_mem>>)
        %dma_wait3A = arith.constant 0 : i32
        %dma_wait3A_65 = tpu.memref_slice %arg8[%mul3A_51, %dma_wait3A] : memref<80x128xf32, #tpu.memory_space<vmem_shared>> -> memref<8x128xf32, #tpu.memory_space<vmem_shared>>
        %dma_wait3A_66 = arith.constant 0 : i32
        %dma_wait3A_67 = tpu.memref_slice %arg8[%mul3A_51, %dma_wait3A_66] : memref<80x128xf32, #tpu.memory_space<vmem_shared>> -> memref<8x128xf32, #tpu.memory_space<vmem_shared>>
        tpu.wait_dma2 semaphore(%run_scoped3A : memref<!tpu.dma_semaphore, #tpu.memory_space<semaphore_mem>>) src(%dma_wait3A_67 : memref<8x128xf32, #tpu.memory_space<vmem_shared>>) dst(%arg7 : memref<8x128xf32, #tpu.memory_space<vmem>>)
        tpu.yield
      }) : () -> ()
      %eq3A_52 = arith.constant 0 : i32
      %eq3A_53 = arith.cmpi eq, %arg0, %eq3A_52 : i32
      %convert_element_type3A_54 = arith.extui %eq3A_53 : i1 to i32
      %cond3A_55 = arith.constant 0 : i32
      %cond3A_56 = arith.cmpi ne, %convert_element_type3A_54, %cond3A_55 : i32
      scf.if %cond3A_56 {
        %mul3A_62 = arith.constant 8 : i32
        %mul3A_63 = arith.muli %arg1, %mul3A_62 : i32
        %run_scoped3A = arith.constant 0 : i32
        "tpu.region"() ({
          %run_scoped3A_64 = tpu.sem_alloc : memref<!tpu.dma_semaphore, #tpu.memory_space<semaphore_mem>>
          %dma_start3A = arith.constant 0 : i32
          %dma_start3A_65 = tpu.memref_slice %arg3[%run_scoped3A, %mul3A_63, %dma_start3A] : memref<2x80x128xf32, #tpu.memory_space<hbm>> -> memref<1x8x128xf32, #tpu.memory_space<hbm>>
          %dma_start3A_66 = tpu.memref_squeeze %dma_start3A_65 : memref<1x8x128xf32, #tpu.memory_space<hbm>> -> memref<8x128xf32, #tpu.memory_space<hbm>>
          %dma_start3A_67 = arith.constant 0 : i32
          %dma_start3A_68 = tpu.memref_slice %arg3[%run_scoped3A, %mul3A_63, %dma_start3A_67] : memref<2x80x128xf32, #tpu.memory_space<hbm>> -> memref<1x8x128xf32, #tpu.memory_space<hbm>>
          %dma_start3A_69 = tpu.memref_squeeze %dma_start3A_68 : memref<1x8x128xf32, #tpu.memory_space<hbm>> -> memref<8x128xf32, #tpu.memory_space<hbm>>
          tpu.enqueue_dma source(%arg7 : memref<8x128xf32, #tpu.memory_space<vmem>>) target(%dma_start3A_69 : memref<8x128xf32, #tpu.memory_space<hbm>>) target_semaphore(%run_scoped3A_64 : memref<!tpu.dma_semaphore, #tpu.memory_space<semaphore_mem>>)
          %dma_wait3A = arith.constant 0 : i32
          %dma_wait3A_70 = tpu.memref_slice %arg3[%run_scoped3A, %mul3A_63, %dma_wait3A] : memref<2x80x128xf32, #tpu.memory_space<hbm>> -> memref<1x8x128xf32, #tpu.memory_space<hbm>>
          %dma_wait3A_71 = tpu.memref_squeeze %dma_wait3A_70 : memref<1x8x128xf32, #tpu.memory_space<hbm>> -> memref<8x128xf32, #tpu.memory_space<hbm>>
          %dma_wait3A_72 = arith.constant 0 : i32
          %dma_wait3A_73 = tpu.memref_slice %arg3[%run_scoped3A, %mul3A_63, %dma_wait3A_72] : memref<2x80x128xf32, #tpu.memory_space<hbm>> -> memref<1x8x128xf32, #tpu.memory_space<hbm>>
          %dma_wait3A_74 = tpu.memref_squeeze %dma_wait3A_73 : memref<1x8x128xf32, #tpu.memory_space<hbm>> -> memref<8x128xf32, #tpu.memory_space<hbm>>
          tpu.wait_dma2 semaphore(%run_scoped3A_64 : memref<!tpu.dma_semaphore, #tpu.memory_space<semaphore_mem>>) src(%arg7 : memref<8x128xf32, #tpu.memory_space<vmem>>) dst(%dma_wait3A_74 : memref<8x128xf32, #tpu.memory_space<hbm>>)
          tpu.yield
        }) : () -> ()
      } else {
      }
      %eq3A_57 = arith.constant 1 : i32
      %eq3A_58 = arith.cmpi eq, %arg0, %eq3A_57 : i32
      %convert_element_type3A_59 = arith.extui %eq3A_58 : i1 to i32
      %cond3A_60 = arith.constant 0 : i32
      %cond3A_61 = arith.cmpi ne, %convert_element_type3A_59, %cond3A_60 : i32
      scf.if %cond3A_61 {
        %mul3A_62 = arith.constant 8 : i32
        %mul3A_63 = arith.muli %arg1, %mul3A_62 : i32
        %run_scoped3A = arith.constant 1 : i32
        "tpu.region"() ({
          %run_scoped3A_64 = tpu.sem_alloc : memref<!tpu.dma_semaphore, #tpu.memory_space<semaphore_mem>>
          %dma_start3A = arith.constant 0 : i32
          %dma_start3A_65 = tpu.memref_slice %arg3[%run_scoped3A, %mul3A_63, %dma_start3A] : memref<2x80x128xf32, #tpu.memory_space<hbm>> -> memref<1x8x128xf32, #tpu.memory_space<hbm>>
          %dma_start3A_66 = tpu.memref_squeeze %dma_start3A_65 : memref<1x8x128xf32, #tpu.memory_space<hbm>> -> memref<8x128xf32, #tpu.memory_space<hbm>>
          %dma_start3A_67 = arith.constant 0 : i32
          %dma_start3A_68 = tpu.memref_slice %arg3[%run_scoped3A, %mul3A_63, %dma_start3A_67] : memref<2x80x128xf32, #tpu.memory_space<hbm>> -> memref<1x8x128xf32, #tpu.memory_space<hbm>>
          %dma_start3A_69 = tpu.memref_squeeze %dma_start3A_68 : memref<1x8x128xf32, #tpu.memory_space<hbm>> -> memref<8x128xf32, #tpu.memory_space<hbm>>
          tpu.enqueue_dma source(%arg7 : memref<8x128xf32, #tpu.memory_space<vmem>>) target(%dma_start3A_69 : memref<8x128xf32, #tpu.memory_space<hbm>>) target_semaphore(%run_scoped3A_64 : memref<!tpu.dma_semaphore, #tpu.memory_space<semaphore_mem>>)
          %dma_wait3A = arith.constant 0 : i32
          %dma_wait3A_70 = tpu.memref_slice %arg3[%run_scoped3A, %mul3A_63, %dma_wait3A] : memref<2x80x128xf32, #tpu.memory_space<hbm>> -> memref<1x8x128xf32, #tpu.memory_space<hbm>>
          %dma_wait3A_71 = tpu.memref_squeeze %dma_wait3A_70 : memref<1x8x128xf32, #tpu.memory_space<hbm>> -> memref<8x128xf32, #tpu.memory_space<hbm>>
          %dma_wait3A_72 = arith.constant 0 : i32
          %dma_wait3A_73 = tpu.memref_slice %arg3[%run_scoped3A, %mul3A_63, %dma_wait3A_72] : memref<2x80x128xf32, #tpu.memory_space<hbm>> -> memref<1x8x128xf32, #tpu.memory_space<hbm>>
          %dma_wait3A_74 = tpu.memref_squeeze %dma_wait3A_73 : memref<1x8x128xf32, #tpu.memory_space<hbm>> -> memref<8x128xf32, #tpu.memory_space<hbm>>
          tpu.wait_dma2 semaphore(%run_scoped3A_64 : memref<!tpu.dma_semaphore, #tpu.memory_space<semaphore_mem>>) src(%arg7 : memref<8x128xf32, #tpu.memory_space<vmem>>) dst(%dma_wait3A_74 : memref<8x128xf32, #tpu.memory_space<hbm>>)
          tpu.yield
        }) : () -> ()
      } else {
      }
    } else {
    }
    return
  }
}

#map = affine_map<(d0, d1) -> (0)>
#map1 = affine_map<(d0, d1) -> (0, 0)>
module attributes {stable_mosaic.version = 14 : i64} {
  func.func @conv(%arg0: i32, %arg1: i32, %arg2: memref<320000xi32, #tpu.memory_space<hbm>>, %arg3: memref<320000xi32, #tpu.memory_space<hbm>>, %arg4: memref<10000x128xf32, #tpu.memory_space<hbm>>, %arg5: memref<10240x128xf32, #tpu.memory_space<hbm>>, %arg6: memref<10240x128xf32, #tpu.memory_space<hbm>>, %arg7: memref<80xi32, #tpu.memory_space<vmem>>, %arg8: memref<80xi32, #tpu.memory_space<vmem>>, %arg9: memref<80x128xf32, #tpu.memory_space<vmem>>, %arg10: memref<64x128xf32, #tpu.memory_space<vmem>>, %arg11: memref<!tpu.dma_semaphore, #tpu.memory_space<semaphore_mem>>, %arg12: memref<10240x128xf32, #tpu.memory_space<vmem_shared>>) attributes {dimension_semantics = [#tpu.dimension_semantics<core_parallel>, #tpu.dimension_semantics<subcore_parallel>], iteration_bounds = array<i64: 2, 16>, scalar_prefetch = 0 : i64, scratch_operands = 6 : i64, tpu.core_type = #tpu.core_type<sc_vector_subcore>, window_params = [{transform_indices = #map}, {transform_indices = #map}, {transform_indices = #map1}, {transform_indices = #map1}, {transform_indices = #map1}]} {
    %scan3A = arith.constant 0 : i32
    %scan3A_0 = arith.constant 0 : i32
    %scan3A_1 = arith.constant 64 : i32
    %scan3A_2 = arith.addi %scan3A_0, %scan3A_1 : i32
    %scan3A_3 = arith.constant 1 : i32
    scf.for %scan3A_154 = %scan3A_0 to %scan3A_2 step %scan3A_3  : i32 {
      %scan3A_155 = arith.constant 0 : i32
      %scan3A_156 = arith.constant 8 : i32
      %scan3A_157 = arith.addi %scan3A_155, %scan3A_156 : i32
      %scan3A_158 = arith.constant 1 : i32
      scf.for %scan3A_160 = %scan3A_155 to %scan3A_157 step %scan3A_158  : i32 {
        %broadcast_in_dim3A = arith.constant 0.000000e+00 : f32
        %broadcast_in_dim3A_161 = vector.broadcast %broadcast_in_dim3A : f32 to vector<16xf32>
        %mul3A_162 = arith.constant 16 : i32
        %mul3A_163 = arith.muli %scan3A_160, %mul3A_162 : i32
        %swap3A = arith.index_cast %scan3A_154 : i32 to index
        %swap3A_164 = arith.index_cast %mul3A_163 : i32 to index
        %swap3A_165 = tpu.vector_load %arg10[%swap3A, %swap3A_164] {strides = array<i32>} : memref<64x128xf32, #tpu.memory_space<vmem>>, vector<1x16xf32>,
        %swap3A_166 = vector.shape_cast %swap3A_165 : vector<1x16xf32> to vector<16xf32>
        %swap3A_167 = vector.shape_cast %broadcast_in_dim3A_161 : vector<16xf32> to vector<1x16xf32>
        tpu.vector_store %arg10[%swap3A, %swap3A_164], %swap3A_167 {strides = array<i32>} : memref<64x128xf32, #tpu.memory_space<vmem>>, vector<1x16xf32>,
      }
      %scan3A_159 = arith.constant 8 : i32
    }
    %scan3A_4 = arith.constant 64 : i32
    %mul3A = arith.constant 640 : i32
    %mul3A_5 = arith.muli %arg1, %mul3A : i32
    %add3A = arith.constant 0 : i32
    %add3A_6 = arith.addi %mul3A_5, %add3A : i32
    "tpu.region"() ({
      %run_scoped3A = tpu.sem_alloc : memref<!tpu.dma_semaphore, #tpu.memory_space<semaphore_mem>>
      %dma_start3A = arith.constant 0 : i32
      %dma_start3A_154 = tpu.memref_slice %arg12[%add3A_6, %dma_start3A] : memref<10240x128xf32, #tpu.memory_space<vmem_shared>> -> memref<64x128xf32, #tpu.memory_space<vmem_shared>>
      %dma_start3A_155 = arith.constant 0 : i32
      %dma_start3A_156 = tpu.memref_slice %arg12[%add3A_6, %dma_start3A_155] : memref<10240x128xf32, #tpu.memory_space<vmem_shared>> -> memref<64x128xf32, #tpu.memory_space<vmem_shared>>
      tpu.enqueue_dma source(%arg10 : memref<64x128xf32, #tpu.memory_space<vmem>>) target(%dma_start3A_156 : memref<64x128xf32, #tpu.memory_space<vmem_shared>>) target_semaphore(%run_scoped3A : memref<!tpu.dma_semaphore, #tpu.memory_space<semaphore_mem>>)
      %dma_wait3A = arith.constant 0 : i32
      %dma_wait3A_157 = tpu.memref_slice %arg12[%add3A_6, %dma_wait3A] : memref<10240x128xf32, #tpu.memory_space<vmem_shared>> -> memref<64x128xf32, #tpu.memory_space<vmem_shared>>
      %dma_wait3A_158 = arith.constant 0 : i32
      %dma_wait3A_159 = tpu.memref_slice %arg12[%add3A_6, %dma_wait3A_158] : memref<10240x128xf32, #tpu.memory_space<vmem_shared>> -> memref<64x128xf32, #tpu.memory_space<vmem_shared>>
      tpu.wait_dma2 semaphore(%run_scoped3A : memref<!tpu.dma_semaphore, #tpu.memory_space<semaphore_mem>>) src(%arg10 : memref<64x128xf32, #tpu.memory_space<vmem>>) dst(%dma_wait3A_159 : memref<64x128xf32, #tpu.memory_space<vmem_shared>>)
      tpu.yield
    }) : () -> ()
    %add3A_7 = arith.constant 64 : i32
    %add3A_8 = arith.addi %mul3A_5, %add3A_7 : i32
    "tpu.region"() ({
      %run_scoped3A = tpu.sem_alloc : memref<!tpu.dma_semaphore, #tpu.memory_space<semaphore_mem>>
      %dma_start3A = arith.constant 0 : i32
      %dma_start3A_154 = tpu.memref_slice %arg12[%add3A_8, %dma_start3A] : memref<10240x128xf32, #tpu.memory_space<vmem_shared>> -> memref<64x128xf32, #tpu.memory_space<vmem_shared>>
      %dma_start3A_155 = arith.constant 0 : i32
      %dma_start3A_156 = tpu.memref_slice %arg12[%add3A_8, %dma_start3A_155] : memref<10240x128xf32, #tpu.memory_space<vmem_shared>> -> memref<64x128xf32, #tpu.memory_space<vmem_shared>>
      tpu.enqueue_dma source(%arg10 : memref<64x128xf32, #tpu.memory_space<vmem>>) target(%dma_start3A_156 : memref<64x128xf32, #tpu.memory_space<vmem_shared>>) target_semaphore(%run_scoped3A : memref<!tpu.dma_semaphore, #tpu.memory_space<semaphore_mem>>)
      %dma_wait3A = arith.constant 0 : i32
      %dma_wait3A_157 = tpu.memref_slice %arg12[%add3A_8, %dma_wait3A] : memref<10240x128xf32, #tpu.memory_space<vmem_shared>> -> memref<64x128xf32, #tpu.memory_space<vmem_shared>>
      %dma_wait3A_158 = arith.constant 0 : i32
      %dma_wait3A_159 = tpu.memref_slice %arg12[%add3A_8, %dma_wait3A_158] : memref<10240x128xf32, #tpu.memory_space<vmem_shared>> -> memref<64x128xf32, #tpu.memory_space<vmem_shared>>
      tpu.wait_dma2 semaphore(%run_scoped3A : memref<!tpu.dma_semaphore, #tpu.memory_space<semaphore_mem>>) src(%arg10 : memref<64x128xf32, #tpu.memory_space<vmem>>) dst(%dma_wait3A_159 : memref<64x128xf32, #tpu.memory_space<vmem_shared>>)
      tpu.yield
    }) : () -> ()
    %add3A_9 = arith.constant 128 : i32
    %add3A_10 = arith.addi %mul3A_5, %add3A_9 : i32
    "tpu.region"() ({
      %run_scoped3A = tpu.sem_alloc : memref<!tpu.dma_semaphore, #tpu.memory_space<semaphore_mem>>
      %dma_start3A = arith.constant 0 : i32
      %dma_start3A_154 = tpu.memref_slice %arg12[%add3A_10, %dma_start3A] : memref<10240x128xf32, #tpu.memory_space<vmem_shared>> -> memref<64x128xf32, #tpu.memory_space<vmem_shared>>
      %dma_start3A_155 = arith.constant 0 : i32
      %dma_start3A_156 = tpu.memref_slice %arg12[%add3A_10, %dma_start3A_155] : memref<10240x128xf32, #tpu.memory_space<vmem_shared>> -> memref<64x128xf32, #tpu.memory_space<vmem_shared>>
      tpu.enqueue_dma source(%arg10 : memref<64x128xf32, #tpu.memory_space<vmem>>) target(%dma_start3A_156 : memref<64x128xf32, #tpu.memory_space<vmem_shared>>) target_semaphore(%run_scoped3A : memref<!tpu.dma_semaphore, #tpu.memory_space<semaphore_mem>>)
      %dma_wait3A = arith.constant 0 : i32
      %dma_wait3A_157 = tpu.memref_slice %arg12[%add3A_10, %dma_wait3A] : memref<10240x128xf32, #tpu.memory_space<vmem_shared>> -> memref<64x128xf32, #tpu.memory_space<vmem_shared>>
      %dma_wait3A_158 = arith.constant 0 : i32
      %dma_wait3A_159 = tpu.memref_slice %arg12[%add3A_10, %dma_wait3A_158] : memref<10240x128xf32, #tpu.memory_space<vmem_shared>> -> memref<64x128xf32, #tpu.memory_space<vmem_shared>>
      tpu.wait_dma2 semaphore(%run_scoped3A : memref<!tpu.dma_semaphore, #tpu.memory_space<semaphore_mem>>) src(%arg10 : memref<64x128xf32, #tpu.memory_space<vmem>>) dst(%dma_wait3A_159 : memref<64x128xf32, #tpu.memory_space<vmem_shared>>)
      tpu.yield
    }) : () -> ()
    %add3A_11 = arith.constant 192 : i32
    %add3A_12 = arith.addi %mul3A_5, %add3A_11 : i32
    "tpu.region"() ({
      %run_scoped3A = tpu.sem_alloc : memref<!tpu.dma_semaphore, #tpu.memory_space<semaphore_mem>>
      %dma_start3A = arith.constant 0 : i32
      %dma_start3A_154 = tpu.memref_slice %arg12[%add3A_12, %dma_start3A] : memref<10240x128xf32, #tpu.memory_space<vmem_shared>> -> memref<64x128xf32, #tpu.memory_space<vmem_shared>>
      %dma_start3A_155 = arith.constant 0 : i32
      %dma_start3A_156 = tpu.memref_slice %arg12[%add3A_12, %dma_start3A_155] : memref<10240x128xf32, #tpu.memory_space<vmem_shared>> -> memref<64x128xf32, #tpu.memory_space<vmem_shared>>
      tpu.enqueue_dma source(%arg10 : memref<64x128xf32, #tpu.memory_space<vmem>>) target(%dma_start3A_156 : memref<64x128xf32, #tpu.memory_space<vmem_shared>>) target_semaphore(%run_scoped3A : memref<!tpu.dma_semaphore, #tpu.memory_space<semaphore_mem>>)
      %dma_wait3A = arith.constant 0 : i32
      %dma_wait3A_157 = tpu.memref_slice %arg12[%add3A_12, %dma_wait3A] : memref<10240x128xf32, #tpu.memory_space<vmem_shared>> -> memref<64x128xf32, #tpu.memory_space<vmem_shared>>
      %dma_wait3A_158 = arith.constant 0 : i32
      %dma_wait3A_159 = tpu.memref_slice %arg12[%add3A_12, %dma_wait3A_158] : memref<10240x128xf32, #tpu.memory_space<vmem_shared>> -> memref<64x128xf32, #tpu.memory_space<vmem_shared>>
      tpu.wait_dma2 semaphore(%run_scoped3A : memref<!tpu.dma_semaphore, #tpu.memory_space<semaphore_mem>>) src(%arg10 : memref<64x128xf32, #tpu.memory_space<vmem>>) dst(%dma_wait3A_159 : memref<64x128xf32, #tpu.memory_space<vmem_shared>>)
      tpu.yield
    }) : () -> ()
    %add3A_13 = arith.constant 256 : i32
    %add3A_14 = arith.addi %mul3A_5, %add3A_13 : i32
    "tpu.region"() ({
      %run_scoped3A = tpu.sem_alloc : memref<!tpu.dma_semaphore, #tpu.memory_space<semaphore_mem>>
      %dma_start3A = arith.constant 0 : i32
      %dma_start3A_154 = tpu.memref_slice %arg12[%add3A_14, %dma_start3A] : memref<10240x128xf32, #tpu.memory_space<vmem_shared>> -> memref<64x128xf32, #tpu.memory_space<vmem_shared>>
      %dma_start3A_155 = arith.constant 0 : i32
      %dma_start3A_156 = tpu.memref_slice %arg12[%add3A_14, %dma_start3A_155] : memref<10240x128xf32, #tpu.memory_space<vmem_shared>> -> memref<64x128xf32, #tpu.memory_space<vmem_shared>>
      tpu.enqueue_dma source(%arg10 : memref<64x128xf32, #tpu.memory_space<vmem>>) target(%dma_start3A_156 : memref<64x128xf32, #tpu.memory_space<vmem_shared>>) target_semaphore(%run_scoped3A : memref<!tpu.dma_semaphore, #tpu.memory_space<semaphore_mem>>)
      %dma_wait3A = arith.constant 0 : i32
      %dma_wait3A_157 = tpu.memref_slice %arg12[%add3A_14, %dma_wait3A] : memref<10240x128xf32, #tpu.memory_space<vmem_shared>> -> memref<64x128xf32, #tpu.memory_space<vmem_shared>>
      %dma_wait3A_158 = arith.constant 0 : i32
      %dma_wait3A_159 = tpu.memref_slice %arg12[%add3A_14, %dma_wait3A_158] : memref<10240x128xf32, #tpu.memory_space<vmem_shared>> -> memref<64x128xf32, #tpu.memory_space<vmem_shared>>
      tpu.wait_dma2 semaphore(%run_scoped3A : memref<!tpu.dma_semaphore, #tpu.memory_space<semaphore_mem>>) src(%arg10 : memref<64x128xf32, #tpu.memory_space<vmem>>) dst(%dma_wait3A_159 : memref<64x128xf32, #tpu.memory_space<vmem_shared>>)
      tpu.yield
    }) : () -> ()
    %add3A_15 = arith.constant 320 : i32
    %add3A_16 = arith.addi %mul3A_5, %add3A_15 : i32
    "tpu.region"() ({
      %run_scoped3A = tpu.sem_alloc : memref<!tpu.dma_semaphore, #tpu.memory_space<semaphore_mem>>
      %dma_start3A = arith.constant 0 : i32
      %dma_start3A_154 = tpu.memref_slice %arg12[%add3A_16, %dma_start3A] : memref<10240x128xf32, #tpu.memory_space<vmem_shared>> -> memref<64x128xf32, #tpu.memory_space<vmem_shared>>
      %dma_start3A_155 = arith.constant 0 : i32
      %dma_start3A_156 = tpu.memref_slice %arg12[%add3A_16, %dma_start3A_155] : memref<10240x128xf32, #tpu.memory_space<vmem_shared>> -> memref<64x128xf32, #tpu.memory_space<vmem_shared>>
      tpu.enqueue_dma source(%arg10 : memref<64x128xf32, #tpu.memory_space<vmem>>) target(%dma_start3A_156 : memref<64x128xf32, #tpu.memory_space<vmem_shared>>) target_semaphore(%run_scoped3A : memref<!tpu.dma_semaphore, #tpu.memory_space<semaphore_mem>>)
      %dma_wait3A = arith.constant 0 : i32
      %dma_wait3A_157 = tpu.memref_slice %arg12[%add3A_16, %dma_wait3A] : memref<10240x128xf32, #tpu.memory_space<vmem_shared>> -> memref<64x128xf32, #tpu.memory_space<vmem_shared>>
      %dma_wait3A_158 = arith.constant 0 : i32
      %dma_wait3A_159 = tpu.memref_slice %arg12[%add3A_16, %dma_wait3A_158] : memref<10240x128xf32, #tpu.memory_space<vmem_shared>> -> memref<64x128xf32, #tpu.memory_space<vmem_shared>>
      tpu.wait_dma2 semaphore(%run_scoped3A : memref<!tpu.dma_semaphore, #tpu.memory_space<semaphore_mem>>) src(%arg10 : memref<64x128xf32, #tpu.memory_space<vmem>>) dst(%dma_wait3A_159 : memref<64x128xf32, #tpu.memory_space<vmem_shared>>)
      tpu.yield
    }) : () -> ()
    %add3A_17 = arith.constant 384 : i32
    %add3A_18 = arith.addi %mul3A_5, %add3A_17 : i32
    "tpu.region"() ({
      %run_scoped3A = tpu.sem_alloc : memref<!tpu.dma_semaphore, #tpu.memory_space<semaphore_mem>>
      %dma_start3A = arith.constant 0 : i32
      %dma_start3A_154 = tpu.memref_slice %arg12[%add3A_18, %dma_start3A] : memref<10240x128xf32, #tpu.memory_space<vmem_shared>> -> memref<64x128xf32, #tpu.memory_space<vmem_shared>>
      %dma_start3A_155 = arith.constant 0 : i32
      %dma_start3A_156 = tpu.memref_slice %arg12[%add3A_18, %dma_start3A_155] : memref<10240x128xf32, #tpu.memory_space<vmem_shared>> -> memref<64x128xf32, #tpu.memory_space<vmem_shared>>
      tpu.enqueue_dma source(%arg10 : memref<64x128xf32, #tpu.memory_space<vmem>>) target(%dma_start3A_156 : memref<64x128xf32, #tpu.memory_space<vmem_shared>>) target_semaphore(%run_scoped3A : memref<!tpu.dma_semaphore, #tpu.memory_space<semaphore_mem>>)
      %dma_wait3A = arith.constant 0 : i32
      %dma_wait3A_157 = tpu.memref_slice %arg12[%add3A_18, %dma_wait3A] : memref<10240x128xf32, #tpu.memory_space<vmem_shared>> -> memref<64x128xf32, #tpu.memory_space<vmem_shared>>
      %dma_wait3A_158 = arith.constant 0 : i32
      %dma_wait3A_159 = tpu.memref_slice %arg12[%add3A_18, %dma_wait3A_158] : memref<10240x128xf32, #tpu.memory_space<vmem_shared>> -> memref<64x128xf32, #tpu.memory_space<vmem_shared>>
      tpu.wait_dma2 semaphore(%run_scoped3A : memref<!tpu.dma_semaphore, #tpu.memory_space<semaphore_mem>>) src(%arg10 : memref<64x128xf32, #tpu.memory_space<vmem>>) dst(%dma_wait3A_159 : memref<64x128xf32, #tpu.memory_space<vmem_shared>>)
      tpu.yield
    }) : () -> ()
    %add3A_19 = arith.constant 448 : i32
    %add3A_20 = arith.addi %mul3A_5, %add3A_19 : i32
    "tpu.region"() ({
      %run_scoped3A = tpu.sem_alloc : memref<!tpu.dma_semaphore, #tpu.memory_space<semaphore_mem>>
      %dma_start3A = arith.constant 0 : i32
      %dma_start3A_154 = tpu.memref_slice %arg12[%add3A_20, %dma_start3A] : memref<10240x128xf32, #tpu.memory_space<vmem_shared>> -> memref<64x128xf32, #tpu.memory_space<vmem_shared>>
      %dma_start3A_155 = arith.constant 0 : i32
      %dma_start3A_156 = tpu.memref_slice %arg12[%add3A_20, %dma_start3A_155] : memref<10240x128xf32, #tpu.memory_space<vmem_shared>> -> memref<64x128xf32, #tpu.memory_space<vmem_shared>>
      tpu.enqueue_dma source(%arg10 : memref<64x128xf32, #tpu.memory_space<vmem>>) target(%dma_start3A_156 : memref<64x128xf32, #tpu.memory_space<vmem_shared>>) target_semaphore(%run_scoped3A : memref<!tpu.dma_semaphore, #tpu.memory_space<semaphore_mem>>)
      %dma_wait3A = arith.constant 0 : i32
      %dma_wait3A_157 = tpu.memref_slice %arg12[%add3A_20, %dma_wait3A] : memref<10240x128xf32, #tpu.memory_space<vmem_shared>> -> memref<64x128xf32, #tpu.memory_space<vmem_shared>>
      %dma_wait3A_158 = arith.constant 0 : i32
      %dma_wait3A_159 = tpu.memref_slice %arg12[%add3A_20, %dma_wait3A_158] : memref<10240x128xf32, #tpu.memory_space<vmem_shared>> -> memref<64x128xf32, #tpu.memory_space<vmem_shared>>
      tpu.wait_dma2 semaphore(%run_scoped3A : memref<!tpu.dma_semaphore, #tpu.memory_space<semaphore_mem>>) src(%arg10 : memref<64x128xf32, #tpu.memory_space<vmem>>) dst(%dma_wait3A_159 : memref<64x128xf32, #tpu.memory_space<vmem_shared>>)
      tpu.yield
    }) : () -> ()
    %add3A_21 = arith.constant 512 : i32
    %add3A_22 = arith.addi %mul3A_5, %add3A_21 : i32
    "tpu.region"() ({
      %run_scoped3A = tpu.sem_alloc : memref<!tpu.dma_semaphore, #tpu.memory_space<semaphore_mem>>
      %dma_start3A = arith.constant 0 : i32
      %dma_start3A_154 = tpu.memref_slice %arg12[%add3A_22, %dma_start3A] : memref<10240x128xf32, #tpu.memory_space<vmem_shared>> -> memref<64x128xf32, #tpu.memory_space<vmem_shared>>
      %dma_start3A_155 = arith.constant 0 : i32
      %dma_start3A_156 = tpu.memref_slice %arg12[%add3A_22, %dma_start3A_155] : memref<10240x128xf32, #tpu.memory_space<vmem_shared>> -> memref<64x128xf32, #tpu.memory_space<vmem_shared>>
      tpu.enqueue_dma source(%arg10 : memref<64x128xf32, #tpu.memory_space<vmem>>) target(%dma_start3A_156 : memref<64x128xf32, #tpu.memory_space<vmem_shared>>) target_semaphore(%run_scoped3A : memref<!tpu.dma_semaphore, #tpu.memory_space<semaphore_mem>>)
      %dma_wait3A = arith.constant 0 : i32
      %dma_wait3A_157 = tpu.memref_slice %arg12[%add3A_22, %dma_wait3A] : memref<10240x128xf32, #tpu.memory_space<vmem_shared>> -> memref<64x128xf32, #tpu.memory_space<vmem_shared>>
      %dma_wait3A_158 = arith.constant 0 : i32
      %dma_wait3A_159 = tpu.memref_slice %arg12[%add3A_22, %dma_wait3A_158] : memref<10240x128xf32, #tpu.memory_space<vmem_shared>> -> memref<64x128xf32, #tpu.memory_space<vmem_shared>>
      tpu.wait_dma2 semaphore(%run_scoped3A : memref<!tpu.dma_semaphore, #tpu.memory_space<semaphore_mem>>) src(%arg10 : memref<64x128xf32, #tpu.memory_space<vmem>>) dst(%dma_wait3A_159 : memref<64x128xf32, #tpu.memory_space<vmem_shared>>)
      tpu.yield
    }) : () -> ()
    %add3A_23 = arith.constant 576 : i32
    %add3A_24 = arith.addi %mul3A_5, %add3A_23 : i32
    "tpu.region"() ({
      %run_scoped3A = tpu.sem_alloc : memref<!tpu.dma_semaphore, #tpu.memory_space<semaphore_mem>>
      %dma_start3A = arith.constant 0 : i32
      %dma_start3A_154 = tpu.memref_slice %arg12[%add3A_24, %dma_start3A] : memref<10240x128xf32, #tpu.memory_space<vmem_shared>> -> memref<64x128xf32, #tpu.memory_space<vmem_shared>>
      %dma_start3A_155 = arith.constant 0 : i32
      %dma_start3A_156 = tpu.memref_slice %arg12[%add3A_24, %dma_start3A_155] : memref<10240x128xf32, #tpu.memory_space<vmem_shared>> -> memref<64x128xf32, #tpu.memory_space<vmem_shared>>
      tpu.enqueue_dma source(%arg10 : memref<64x128xf32, #tpu.memory_space<vmem>>) target(%dma_start3A_156 : memref<64x128xf32, #tpu.memory_space<vmem_shared>>) target_semaphore(%run_scoped3A : memref<!tpu.dma_semaphore, #tpu.memory_space<semaphore_mem>>)
      %dma_wait3A = arith.constant 0 : i32
      %dma_wait3A_157 = tpu.memref_slice %arg12[%add3A_24, %dma_wait3A] : memref<10240x128xf32, #tpu.memory_space<vmem_shared>> -> memref<64x128xf32, #tpu.memory_space<vmem_shared>>
      %dma_wait3A_158 = arith.constant 0 : i32
      %dma_wait3A_159 = tpu.memref_slice %arg12[%add3A_24, %dma_wait3A_158] : memref<10240x128xf32, #tpu.memory_space<vmem_shared>> -> memref<64x128xf32, #tpu.memory_space<vmem_shared>>
      tpu.wait_dma2 semaphore(%run_scoped3A : memref<!tpu.dma_semaphore, #tpu.memory_space<semaphore_mem>>) src(%arg10 : memref<64x128xf32, #tpu.memory_space<vmem>>) dst(%dma_wait3A_159 : memref<64x128xf32, #tpu.memory_space<vmem_shared>>)
      tpu.yield
    }) : () -> ()
    %barrier3A = arith.constant 0 : index
    tpu.barrier barrier_id(%barrier3A)
    %mul3A_25 = arith.constant 16 : i32
    %mul3A_26 = arith.muli %arg0, %mul3A_25 : i32
    %add3A_27 = arith.addi %mul3A_26, %arg1 : i32
    %mul3A_28 = arith.constant 10000 : i32
    %mul3A_29 = arith.muli %add3A_27, %mul3A_28 : i32
    %scan3A_30 = arith.constant 0 : i32
    %scan3A_31 = arith.constant 0 : i32
    %scan3A_32 = arith.constant 125 : i32
    %scan3A_33 = arith.addi %scan3A_31, %scan3A_32 : i32
    %scan3A_34 = arith.constant 1 : i32
    scf.for %scan3A_154 = %scan3A_31 to %scan3A_33 step %scan3A_34  : i32 {
      %mul3A_155 = arith.constant 80 : i32
      %mul3A_156 = arith.muli %scan3A_154, %mul3A_155 : i32
      %add3A_157 = arith.addi %mul3A_29, %mul3A_156 : i32
      "tpu.region"() ({
        %run_scoped3A = tpu.sem_alloc : memref<!tpu.dma_semaphore, #tpu.memory_space<semaphore_mem>>
        %dma_start3A_162 = tpu.memref_slice %arg2[%add3A_157] : memref<320000xi32, #tpu.memory_space<hbm>> -> memref<80xi32, #tpu.memory_space<hbm>>
        %dma_start3A_163 = tpu.memref_slice %arg2[%add3A_157] : memref<320000xi32, #tpu.memory_space<hbm>> -> memref<80xi32, #tpu.memory_space<hbm>>
        tpu.enqueue_dma source(%dma_start3A_163 : memref<80xi32, #tpu.memory_space<hbm>>) target(%arg7 : memref<80xi32, #tpu.memory_space<vmem>>) target_semaphore(%run_scoped3A : memref<!tpu.dma_semaphore, #tpu.memory_space<semaphore_mem>>)
        %dma_wait3A_164 = tpu.memref_slice %arg2[%add3A_157] : memref<320000xi32, #tpu.memory_space<hbm>> -> memref<80xi32, #tpu.memory_space<hbm>>
        %dma_wait3A_165 = tpu.memref_slice %arg2[%add3A_157] : memref<320000xi32, #tpu.memory_space<hbm>> -> memref<80xi32, #tpu.memory_space<hbm>>
        tpu.wait_dma2 semaphore(%run_scoped3A : memref<!tpu.dma_semaphore, #tpu.memory_space<semaphore_mem>>) src(%dma_wait3A_165 : memref<80xi32, #tpu.memory_space<hbm>>) dst(%arg7 : memref<80xi32, #tpu.memory_space<vmem>>)
        tpu.yield
      }) : () -> ()
      "tpu.region"() ({
        %run_scoped3A = tpu.sem_alloc : memref<!tpu.dma_semaphore, #tpu.memory_space<semaphore_mem>>
        %dma_start3A_162 = tpu.memref_slice %arg3[%add3A_157] : memref<320000xi32, #tpu.memory_space<hbm>> -> memref<80xi32, #tpu.memory_space<hbm>>
        %dma_start3A_163 = tpu.memref_slice %arg3[%add3A_157] : memref<320000xi32, #tpu.memory_space<hbm>> -> memref<80xi32, #tpu.memory_space<hbm>>
        tpu.enqueue_dma source(%dma_start3A_163 : memref<80xi32, #tpu.memory_space<hbm>>) target(%arg8 : memref<80xi32, #tpu.memory_space<vmem>>) target_semaphore(%run_scoped3A : memref<!tpu.dma_semaphore, #tpu.memory_space<semaphore_mem>>)
        %dma_wait3A_164 = tpu.memref_slice %arg3[%add3A_157] : memref<320000xi32, #tpu.memory_space<hbm>> -> memref<80xi32, #tpu.memory_space<hbm>>
        %dma_wait3A_165 = tpu.memref_slice %arg3[%add3A_157] : memref<320000xi32, #tpu.memory_space<hbm>> -> memref<80xi32, #tpu.memory_space<hbm>>
        tpu.wait_dma2 semaphore(%run_scoped3A : memref<!tpu.dma_semaphore, #tpu.memory_space<semaphore_mem>>) src(%dma_wait3A_165 : memref<80xi32, #tpu.memory_space<hbm>>) dst(%arg8 : memref<80xi32, #tpu.memory_space<vmem>>)
        tpu.yield
      }) : () -> ()
      %dma_start3A = arith.constant 0 : i32
      %dma_start3A_158 = arith.constant 0 : i32
      %dma_start3A_159 = tpu.memref_slice %arg4[%dma_start3A, %dma_start3A_158] : memref<10000x128xf32, #tpu.memory_space<hbm>> -> memref<10000x128xf32, #tpu.memory_space<hbm>>
      tpu.enqueue_indirect_dma source(%dma_start3A_159 : memref<10000x128xf32, #tpu.memory_space<hbm>>) target(%arg9 : memref<80x128xf32, #tpu.memory_space<vmem>>) offsets(%arg7 : memref<80xi32, #tpu.memory_space<vmem>>) semaphore(%arg11 : memref<!tpu.dma_semaphore, #tpu.memory_space<semaphore_mem>>)
      %dma_wait3A = arith.constant 0 : i32
      %dma_wait3A_160 = arith.constant 0 : i32
      %dma_wait3A_161 = tpu.memref_slice %arg4[%dma_wait3A, %dma_wait3A_160] : memref<10000x128xf32, #tpu.memory_space<hbm>> -> memref<10000x128xf32, #tpu.memory_space<hbm>>
      tpu.wait_indirect_dma semaphore(%arg11 : memref<!tpu.dma_semaphore, #tpu.memory_space<semaphore_mem>>) src(%dma_wait3A_161 : memref<10000x128xf32, #tpu.memory_space<hbm>>) dst(%arg9 : memref<80x128xf32, #tpu.memory_space<vmem>>)
      "tpu.region"() ({
        %run_scoped3A = tpu.sem_alloc : memref<!tpu.dma_semaphore, #tpu.memory_space<semaphore_mem>>
        %dma_start3A_162 = arith.constant 0 : i32
        %dma_start3A_163 = arith.constant 0 : i32
        %dma_start3A_164 = tpu.memref_slice %arg12[%dma_start3A_162, %dma_start3A_163] : memref<10240x128xf32, #tpu.memory_space<vmem_shared>> -> memref<10240x128xf32, #tpu.memory_space<vmem_shared>>
        tpu.enqueue_indirect_dma source(%arg9 : memref<80x128xf32, #tpu.memory_space<vmem>>) target(%dma_start3A_164 : memref<10240x128xf32, #tpu.memory_space<vmem_shared>>) offsets(%arg8 : memref<80xi32, #tpu.memory_space<vmem>>) semaphore(%run_scoped3A : memref<!tpu.dma_semaphore, #tpu.memory_space<semaphore_mem>>) {add = true}
        %dma_wait3A_165 = arith.constant 0 : i32
        %dma_wait3A_166 = arith.constant 0 : i32
        %dma_wait3A_167 = tpu.memref_slice %arg12[%dma_wait3A_165, %dma_wait3A_166] : memref<10240x128xf32, #tpu.memory_space<vmem_shared>> -> memref<10240x128xf32, #tpu.memory_space<vmem_shared>>
        tpu.wait_indirect_dma semaphore(%run_scoped3A : memref<!tpu.dma_semaphore, #tpu.memory_space<semaphore_mem>>) src(%arg9 : memref<80x128xf32, #tpu.memory_space<vmem>>) dst(%dma_wait3A_167 : memref<10240x128xf32, #tpu.memory_space<vmem_shared>>)
        tpu.yield
      }) : () -> ()
    }
    %scan3A_35 = arith.constant 125 : i32
    %barrier3A_36 = arith.constant 0 : index
    tpu.barrier barrier_id(%barrier3A_36)
    %add3A_37 = arith.constant 0 : i32
    %add3A_38 = arith.addi %mul3A_5, %add3A_37 : i32
    "tpu.region"() ({
      %run_scoped3A = tpu.sem_alloc : memref<!tpu.dma_semaphore, #tpu.memory_space<semaphore_mem>>
      %dma_start3A = arith.constant 0 : i32
      %dma_start3A_154 = tpu.memref_slice %arg12[%add3A_38, %dma_start3A] : memref<10240x128xf32, #tpu.memory_space<vmem_shared>> -> memref<64x128xf32, #tpu.memory_space<vmem_shared>>
      %dma_start3A_155 = arith.constant 0 : i32
      %dma_start3A_156 = tpu.memref_slice %arg12[%add3A_38, %dma_start3A_155] : memref<10240x128xf32, #tpu.memory_space<vmem_shared>> -> memref<64x128xf32, #tpu.memory_space<vmem_shared>>
      tpu.enqueue_dma source(%dma_start3A_156 : memref<64x128xf32, #tpu.memory_space<vmem_shared>>) target(%arg10 : memref<64x128xf32, #tpu.memory_space<vmem>>) target_semaphore(%run_scoped3A : memref<!tpu.dma_semaphore, #tpu.memory_space<semaphore_mem>>)
      %dma_wait3A = arith.constant 0 : i32
      %dma_wait3A_157 = tpu.memref_slice %arg12[%add3A_38, %dma_wait3A] : memref<10240x128xf32, #tpu.memory_space<vmem_shared>> -> memref<64x128xf32, #tpu.memory_space<vmem_shared>>
      %dma_wait3A_158 = arith.constant 0 : i32
      %dma_wait3A_159 = tpu.memref_slice %arg12[%add3A_38, %dma_wait3A_158] : memref<10240x128xf32, #tpu.memory_space<vmem_shared>> -> memref<64x128xf32, #tpu.memory_space<vmem_shared>>
      tpu.wait_dma2 semaphore(%run_scoped3A : memref<!tpu.dma_semaphore, #tpu.memory_space<semaphore_mem>>) src(%dma_wait3A_159 : memref<64x128xf32, #tpu.memory_space<vmem_shared>>) dst(%arg10 : memref<64x128xf32, #tpu.memory_space<vmem>>)
      tpu.yield
    }) : () -> ()
    %eq3A = arith.constant 0 : i32
    %eq3A_39 = arith.cmpi eq, %arg0, %eq3A : i32
    %convert_element_type3A = arith.extui %eq3A_39 : i1 to i32
    %cond3A = arith.constant 0 : i32
    %cond3A_40 = arith.cmpi ne, %convert_element_type3A, %cond3A : i32
    scf.if %cond3A_40 {
      %add3A_154 = arith.constant 0 : i32
      %add3A_155 = arith.addi %mul3A_5, %add3A_154 : i32
      "tpu.region"() ({
        %run_scoped3A = tpu.sem_alloc : memref<!tpu.dma_semaphore, #tpu.memory_space<semaphore_mem>>
        %dma_start3A = arith.constant 0 : i32
        %dma_start3A_156 = tpu.memref_slice %arg5[%add3A_155, %dma_start3A] : memref<10240x128xf32, #tpu.memory_space<hbm>> -> memref<64x128xf32, #tpu.memory_space<hbm>>
        %dma_start3A_157 = arith.constant 0 : i32
        %dma_start3A_158 = tpu.memref_slice %arg5[%add3A_155, %dma_start3A_157] : memref<10240x128xf32, #tpu.memory_space<hbm>> -> memref<64x128xf32, #tpu.memory_space<hbm>>
        tpu.enqueue_dma source(%arg10 : memref<64x128xf32, #tpu.memory_space<vmem>>) target(%dma_start3A_158 : memref<64x128xf32, #tpu.memory_space<hbm>>) target_semaphore(%run_scoped3A : memref<!tpu.dma_semaphore, #tpu.memory_space<semaphore_mem>>)
        %dma_wait3A = arith.constant 0 : i32
        %dma_wait3A_159 = tpu.memref_slice %arg5[%add3A_155, %dma_wait3A] : memref<10240x128xf32, #tpu.memory_space<hbm>> -> memref<64x128xf32, #tpu.memory_space<hbm>>
        %dma_wait3A_160 = arith.constant 0 : i32
        %dma_wait3A_161 = tpu.memref_slice %arg5[%add3A_155, %dma_wait3A_160] : memref<10240x128xf32, #tpu.memory_space<hbm>> -> memref<64x128xf32, #tpu.memory_space<hbm>>
        tpu.wait_dma2 semaphore(%run_scoped3A : memref<!tpu.dma_semaphore, #tpu.memory_space<semaphore_mem>>) src(%arg10 : memref<64x128xf32, #tpu.memory_space<vmem>>) dst(%dma_wait3A_161 : memref<64x128xf32, #tpu.memory_space<hbm>>)
        tpu.yield
      }) : () -> ()
    } else {
    }
    %eq3A_41 = arith.constant 1 : i32
    %eq3A_42 = arith.cmpi eq, %arg0, %eq3A_41 : i32
    %convert_element_type3A_43 = arith.extui %eq3A_42 : i1 to i32
    %cond3A_44 = arith.constant 0 : i32
    %cond3A_45 = arith.cmpi ne, %convert_element_type3A_43, %cond3A_44 : i32
    scf.if %cond3A_45 {
      %add3A_154 = arith.constant 0 : i32
      %add3A_155 = arith.addi %mul3A_5, %add3A_154 : i32
      "tpu.region"() ({
        %run_scoped3A = tpu.sem_alloc : memref<!tpu.dma_semaphore, #tpu.memory_space<semaphore_mem>>
        %dma_start3A = arith.constant 0 : i32
        %dma_start3A_156 = tpu.memref_slice %arg6[%add3A_155, %dma_start3A] : memref<10240x128xf32, #tpu.memory_space<hbm>> -> memref<64x128xf32, #tpu.memory_space<hbm>>
        %dma_start3A_157 = arith.constant 0 : i32
        %dma_start3A_158 = tpu.memref_slice %arg6[%add3A_155, %dma_start3A_157] : memref<10240x128xf32, #tpu.memory_space<hbm>> -> memref<64x128xf32, #tpu.memory_space<hbm>>
        tpu.enqueue_dma source(%arg10 : memref<64x128xf32, #tpu.memory_space<vmem>>) target(%dma_start3A_158 : memref<64x128xf32, #tpu.memory_space<hbm>>) target_semaphore(%run_scoped3A : memref<!tpu.dma_semaphore, #tpu.memory_space<semaphore_mem>>)
        %dma_wait3A = arith.constant 0 : i32
        %dma_wait3A_159 = tpu.memref_slice %arg6[%add3A_155, %dma_wait3A] : memref<10240x128xf32, #tpu.memory_space<hbm>> -> memref<64x128xf32, #tpu.memory_space<hbm>>
        %dma_wait3A_160 = arith.constant 0 : i32
        %dma_wait3A_161 = tpu.memref_slice %arg6[%add3A_155, %dma_wait3A_160] : memref<10240x128xf32, #tpu.memory_space<hbm>> -> memref<64x128xf32, #tpu.memory_space<hbm>>
        tpu.wait_dma2 semaphore(%run_scoped3A : memref<!tpu.dma_semaphore, #tpu.memory_space<semaphore_mem>>) src(%arg10 : memref<64x128xf32, #tpu.memory_space<vmem>>) dst(%dma_wait3A_161 : memref<64x128xf32, #tpu.memory_space<hbm>>)
        tpu.yield
      }) : () -> ()
    } else {
    }
    %add3A_46 = arith.constant 64 : i32
    %add3A_47 = arith.addi %mul3A_5, %add3A_46 : i32
    "tpu.region"() ({
      %run_scoped3A = tpu.sem_alloc : memref<!tpu.dma_semaphore, #tpu.memory_space<semaphore_mem>>
      %dma_start3A = arith.constant 0 : i32
      %dma_start3A_154 = tpu.memref_slice %arg12[%add3A_47, %dma_start3A] : memref<10240x128xf32, #tpu.memory_space<vmem_shared>> -> memref<64x128xf32, #tpu.memory_space<vmem_shared>>
      %dma_start3A_155 = arith.constant 0 : i32
      %dma_start3A_156 = tpu.memref_slice %arg12[%add3A_47, %dma_start3A_155] : memref<10240x128xf32, #tpu.memory_space<vmem_shared>> -> memref<64x128xf32, #tpu.memory_space<vmem_shared>>
      tpu.enqueue_dma source(%dma_start3A_156 : memref<64x128xf32, #tpu.memory_space<vmem_shared>>) target(%arg10 : memref<64x128xf32, #tpu.memory_space<vmem>>) target_semaphore(%run_scoped3A : memref<!tpu.dma_semaphore, #tpu.memory_space<semaphore_mem>>)
      %dma_wait3A = arith.constant 0 : i32
      %dma_wait3A_157 = tpu.memref_slice %arg12[%add3A_47, %dma_wait3A] : memref<10240x128xf32, #tpu.memory_space<vmem_shared>> -> memref<64x128xf32, #tpu.memory_space<vmem_shared>>
      %dma_wait3A_158 = arith.constant 0 : i32
      %dma_wait3A_159 = tpu.memref_slice %arg12[%add3A_47, %dma_wait3A_158] : memref<10240x128xf32, #tpu.memory_space<vmem_shared>> -> memref<64x128xf32, #tpu.memory_space<vmem_shared>>
      tpu.wait_dma2 semaphore(%run_scoped3A : memref<!tpu.dma_semaphore, #tpu.memory_space<semaphore_mem>>) src(%dma_wait3A_159 : memref<64x128xf32, #tpu.memory_space<vmem_shared>>) dst(%arg10 : memref<64x128xf32, #tpu.memory_space<vmem>>)
      tpu.yield
    }) : () -> ()
    %eq3A_48 = arith.constant 0 : i32
    %eq3A_49 = arith.cmpi eq, %arg0, %eq3A_48 : i32
    %convert_element_type3A_50 = arith.extui %eq3A_49 : i1 to i32
    %cond3A_51 = arith.constant 0 : i32
    %cond3A_52 = arith.cmpi ne, %convert_element_type3A_50, %cond3A_51 : i32
    scf.if %cond3A_52 {
      %add3A_154 = arith.constant 64 : i32
      %add3A_155 = arith.addi %mul3A_5, %add3A_154 : i32
      "tpu.region"() ({
        %run_scoped3A = tpu.sem_alloc : memref<!tpu.dma_semaphore, #tpu.memory_space<semaphore_mem>>
        %dma_start3A = arith.constant 0 : i32
        %dma_start3A_156 = tpu.memref_slice %arg5[%add3A_155, %dma_start3A] : memref<10240x128xf32, #tpu.memory_space<hbm>> -> memref<64x128xf32, #tpu.memory_space<hbm>>
        %dma_start3A_157 = arith.constant 0 : i32
        %dma_start3A_158 = tpu.memref_slice %arg5[%add3A_155, %dma_start3A_157] : memref<10240x128xf32, #tpu.memory_space<hbm>> -> memref<64x128xf32, #tpu.memory_space<hbm>>
        tpu.enqueue_dma source(%arg10 : memref<64x128xf32, #tpu.memory_space<vmem>>) target(%dma_start3A_158 : memref<64x128xf32, #tpu.memory_space<hbm>>) target_semaphore(%run_scoped3A : memref<!tpu.dma_semaphore, #tpu.memory_space<semaphore_mem>>)
        %dma_wait3A = arith.constant 0 : i32
        %dma_wait3A_159 = tpu.memref_slice %arg5[%add3A_155, %dma_wait3A] : memref<10240x128xf32, #tpu.memory_space<hbm>> -> memref<64x128xf32, #tpu.memory_space<hbm>>
        %dma_wait3A_160 = arith.constant 0 : i32
        %dma_wait3A_161 = tpu.memref_slice %arg5[%add3A_155, %dma_wait3A_160] : memref<10240x128xf32, #tpu.memory_space<hbm>> -> memref<64x128xf32, #tpu.memory_space<hbm>>
        tpu.wait_dma2 semaphore(%run_scoped3A : memref<!tpu.dma_semaphore, #tpu.memory_space<semaphore_mem>>) src(%arg10 : memref<64x128xf32, #tpu.memory_space<vmem>>) dst(%dma_wait3A_161 : memref<64x128xf32, #tpu.memory_space<hbm>>)
        tpu.yield
      }) : () -> ()
    } else {
    }
    %eq3A_53 = arith.constant 1 : i32
    %eq3A_54 = arith.cmpi eq, %arg0, %eq3A_53 : i32
    %convert_element_type3A_55 = arith.extui %eq3A_54 : i1 to i32
    %cond3A_56 = arith.constant 0 : i32
    %cond3A_57 = arith.cmpi ne, %convert_element_type3A_55, %cond3A_56 : i32
    scf.if %cond3A_57 {
      %add3A_154 = arith.constant 64 : i32
      %add3A_155 = arith.addi %mul3A_5, %add3A_154 : i32
      "tpu.region"() ({
        %run_scoped3A = tpu.sem_alloc : memref<!tpu.dma_semaphore, #tpu.memory_space<semaphore_mem>>
        %dma_start3A = arith.constant 0 : i32
        %dma_start3A_156 = tpu.memref_slice %arg6[%add3A_155, %dma_start3A] : memref<10240x128xf32, #tpu.memory_space<hbm>> -> memref<64x128xf32, #tpu.memory_space<hbm>>
        %dma_start3A_157 = arith.constant 0 : i32
        %dma_start3A_158 = tpu.memref_slice %arg6[%add3A_155, %dma_start3A_157] : memref<10240x128xf32, #tpu.memory_space<hbm>> -> memref<64x128xf32, #tpu.memory_space<hbm>>
        tpu.enqueue_dma source(%arg10 : memref<64x128xf32, #tpu.memory_space<vmem>>) target(%dma_start3A_158 : memref<64x128xf32, #tpu.memory_space<hbm>>) target_semaphore(%run_scoped3A : memref<!tpu.dma_semaphore, #tpu.memory_space<semaphore_mem>>)
        %dma_wait3A = arith.constant 0 : i32
        %dma_wait3A_159 = tpu.memref_slice %arg6[%add3A_155, %dma_wait3A] : memref<10240x128xf32, #tpu.memory_space<hbm>> -> memref<64x128xf32, #tpu.memory_space<hbm>>
        %dma_wait3A_160 = arith.constant 0 : i32
        %dma_wait3A_161 = tpu.memref_slice %arg6[%add3A_155, %dma_wait3A_160] : memref<10240x128xf32, #tpu.memory_space<hbm>> -> memref<64x128xf32, #tpu.memory_space<hbm>>
        tpu.wait_dma2 semaphore(%run_scoped3A : memref<!tpu.dma_semaphore, #tpu.memory_space<semaphore_mem>>) src(%arg10 : memref<64x128xf32, #tpu.memory_space<vmem>>) dst(%dma_wait3A_161 : memref<64x128xf32, #tpu.memory_space<hbm>>)
        tpu.yield
      }) : () -> ()
    } else {
    }
    %add3A_58 = arith.constant 128 : i32
    %add3A_59 = arith.addi %mul3A_5, %add3A_58 : i32
    "tpu.region"() ({
      %run_scoped3A = tpu.sem_alloc : memref<!tpu.dma_semaphore, #tpu.memory_space<semaphore_mem>>
      %dma_start3A = arith.constant 0 : i32
      %dma_start3A_154 = tpu.memref_slice %arg12[%add3A_59, %dma_start3A] : memref<10240x128xf32, #tpu.memory_space<vmem_shared>> -> memref<64x128xf32, #tpu.memory_space<vmem_shared>>
      %dma_start3A_155 = arith.constant 0 : i32
      %dma_start3A_156 = tpu.memref_slice %arg12[%add3A_59, %dma_start3A_155] : memref<10240x128xf32, #tpu.memory_space<vmem_shared>> -> memref<64x128xf32, #tpu.memory_space<vmem_shared>>
      tpu.enqueue_dma source(%dma_start3A_156 : memref<64x128xf32, #tpu.memory_space<vmem_shared>>) target(%arg10 : memref<64x128xf32, #tpu.memory_space<vmem>>) target_semaphore(%run_scoped3A : memref<!tpu.dma_semaphore, #tpu.memory_space<semaphore_mem>>)
      %dma_wait3A = arith.constant 0 : i32
      %dma_wait3A_157 = tpu.memref_slice %arg12[%add3A_59, %dma_wait3A] : memref<10240x128xf32, #tpu.memory_space<vmem_shared>> -> memref<64x128xf32, #tpu.memory_space<vmem_shared>>
      %dma_wait3A_158 = arith.constant 0 : i32
      %dma_wait3A_159 = tpu.memref_slice %arg12[%add3A_59, %dma_wait3A_158] : memref<10240x128xf32, #tpu.memory_space<vmem_shared>> -> memref<64x128xf32, #tpu.memory_space<vmem_shared>>
      tpu.wait_dma2 semaphore(%run_scoped3A : memref<!tpu.dma_semaphore, #tpu.memory_space<semaphore_mem>>) src(%dma_wait3A_159 : memref<64x128xf32, #tpu.memory_space<vmem_shared>>) dst(%arg10 : memref<64x128xf32, #tpu.memory_space<vmem>>)
      tpu.yield
    }) : () -> ()
    %eq3A_60 = arith.constant 0 : i32
    %eq3A_61 = arith.cmpi eq, %arg0, %eq3A_60 : i32
    %convert_element_type3A_62 = arith.extui %eq3A_61 : i1 to i32
    %cond3A_63 = arith.constant 0 : i32
    %cond3A_64 = arith.cmpi ne, %convert_element_type3A_62, %cond3A_63 : i32
    scf.if %cond3A_64 {
      %add3A_154 = arith.constant 128 : i32
      %add3A_155 = arith.addi %mul3A_5, %add3A_154 : i32
      "tpu.region"() ({
        %run_scoped3A = tpu.sem_alloc : memref<!tpu.dma_semaphore, #tpu.memory_space<semaphore_mem>>
        %dma_start3A = arith.constant 0 : i32
        %dma_start3A_156 = tpu.memref_slice %arg5[%add3A_155, %dma_start3A] : memref<10240x128xf32, #tpu.memory_space<hbm>> -> memref<64x128xf32, #tpu.memory_space<hbm>>
        %dma_start3A_157 = arith.constant 0 : i32
        %dma_start3A_158 = tpu.memref_slice %arg5[%add3A_155, %dma_start3A_157] : memref<10240x128xf32, #tpu.memory_space<hbm>> -> memref<64x128xf32, #tpu.memory_space<hbm>>
        tpu.enqueue_dma source(%arg10 : memref<64x128xf32, #tpu.memory_space<vmem>>) target(%dma_start3A_158 : memref<64x128xf32, #tpu.memory_space<hbm>>) target_semaphore(%run_scoped3A : memref<!tpu.dma_semaphore, #tpu.memory_space<semaphore_mem>>)
        %dma_wait3A = arith.constant 0 : i32
        %dma_wait3A_159 = tpu.memref_slice %arg5[%add3A_155, %dma_wait3A] : memref<10240x128xf32, #tpu.memory_space<hbm>> -> memref<64x128xf32, #tpu.memory_space<hbm>>
        %dma_wait3A_160 = arith.constant 0 : i32
        %dma_wait3A_161 = tpu.memref_slice %arg5[%add3A_155, %dma_wait3A_160] : memref<10240x128xf32, #tpu.memory_space<hbm>> -> memref<64x128xf32, #tpu.memory_space<hbm>>
        tpu.wait_dma2 semaphore(%run_scoped3A : memref<!tpu.dma_semaphore, #tpu.memory_space<semaphore_mem>>) src(%arg10 : memref<64x128xf32, #tpu.memory_space<vmem>>) dst(%dma_wait3A_161 : memref<64x128xf32, #tpu.memory_space<hbm>>)
        tpu.yield
      }) : () -> ()
    } else {
    }
    %eq3A_65 = arith.constant 1 : i32
    %eq3A_66 = arith.cmpi eq, %arg0, %eq3A_65 : i32
    %convert_element_type3A_67 = arith.extui %eq3A_66 : i1 to i32
    %cond3A_68 = arith.constant 0 : i32
    %cond3A_69 = arith.cmpi ne, %convert_element_type3A_67, %cond3A_68 : i32
    scf.if %cond3A_69 {
      %add3A_154 = arith.constant 128 : i32
      %add3A_155 = arith.addi %mul3A_5, %add3A_154 : i32
      "tpu.region"() ({
        %run_scoped3A = tpu.sem_alloc : memref<!tpu.dma_semaphore, #tpu.memory_space<semaphore_mem>>
        %dma_start3A = arith.constant 0 : i32
        %dma_start3A_156 = tpu.memref_slice %arg6[%add3A_155, %dma_start3A] : memref<10240x128xf32, #tpu.memory_space<hbm>> -> memref<64x128xf32, #tpu.memory_space<hbm>>
        %dma_start3A_157 = arith.constant 0 : i32
        %dma_start3A_158 = tpu.memref_slice %arg6[%add3A_155, %dma_start3A_157] : memref<10240x128xf32, #tpu.memory_space<hbm>> -> memref<64x128xf32, #tpu.memory_space<hbm>>
        tpu.enqueue_dma source(%arg10 : memref<64x128xf32, #tpu.memory_space<vmem>>) target(%dma_start3A_158 : memref<64x128xf32, #tpu.memory_space<hbm>>) target_semaphore(%run_scoped3A : memref<!tpu.dma_semaphore, #tpu.memory_space<semaphore_mem>>)
        %dma_wait3A = arith.constant 0 : i32
        %dma_wait3A_159 = tpu.memref_slice %arg6[%add3A_155, %dma_wait3A] : memref<10240x128xf32, #tpu.memory_space<hbm>> -> memref<64x128xf32, #tpu.memory_space<hbm>>
        %dma_wait3A_160 = arith.constant 0 : i32
        %dma_wait3A_161 = tpu.memref_slice %arg6[%add3A_155, %dma_wait3A_160] : memref<10240x128xf32, #tpu.memory_space<hbm>> -> memref<64x128xf32, #tpu.memory_space<hbm>>
        tpu.wait_dma2 semaphore(%run_scoped3A : memref<!tpu.dma_semaphore, #tpu.memory_space<semaphore_mem>>) src(%arg10 : memref<64x128xf32, #tpu.memory_space<vmem>>) dst(%dma_wait3A_161 : memref<64x128xf32, #tpu.memory_space<hbm>>)
        tpu.yield
      }) : () -> ()
    } else {
    }
    %add3A_70 = arith.constant 192 : i32
    %add3A_71 = arith.addi %mul3A_5, %add3A_70 : i32
    "tpu.region"() ({
      %run_scoped3A = tpu.sem_alloc : memref<!tpu.dma_semaphore, #tpu.memory_space<semaphore_mem>>
      %dma_start3A = arith.constant 0 : i32
      %dma_start3A_154 = tpu.memref_slice %arg12[%add3A_71, %dma_start3A] : memref<10240x128xf32, #tpu.memory_space<vmem_shared>> -> memref<64x128xf32, #tpu.memory_space<vmem_shared>>
      %dma_start3A_155 = arith.constant 0 : i32
      %dma_start3A_156 = tpu.memref_slice %arg12[%add3A_71, %dma_start3A_155] : memref<10240x128xf32, #tpu.memory_space<vmem_shared>> -> memref<64x128xf32, #tpu.memory_space<vmem_shared>>
      tpu.enqueue_dma source(%dma_start3A_156 : memref<64x128xf32, #tpu.memory_space<vmem_shared>>) target(%arg10 : memref<64x128xf32, #tpu.memory_space<vmem>>) target_semaphore(%run_scoped3A : memref<!tpu.dma_semaphore, #tpu.memory_space<semaphore_mem>>)
      %dma_wait3A = arith.constant 0 : i32
      %dma_wait3A_157 = tpu.memref_slice %arg12[%add3A_71, %dma_wait3A] : memref<10240x128xf32, #tpu.memory_space<vmem_shared>> -> memref<64x128xf32, #tpu.memory_space<vmem_shared>>
      %dma_wait3A_158 = arith.constant 0 : i32
      %dma_wait3A_159 = tpu.memref_slice %arg12[%add3A_71, %dma_wait3A_158] : memref<10240x128xf32, #tpu.memory_space<vmem_shared>> -> memref<64x128xf32, #tpu.memory_space<vmem_shared>>
      tpu.wait_dma2 semaphore(%run_scoped3A : memref<!tpu.dma_semaphore, #tpu.memory_space<semaphore_mem>>) src(%dma_wait3A_159 : memref<64x128xf32, #tpu.memory_space<vmem_shared>>) dst(%arg10 : memref<64x128xf32, #tpu.memory_space<vmem>>)
      tpu.yield
    }) : () -> ()
    %eq3A_72 = arith.constant 0 : i32
    %eq3A_73 = arith.cmpi eq, %arg0, %eq3A_72 : i32
    %convert_element_type3A_74 = arith.extui %eq3A_73 : i1 to i32
    %cond3A_75 = arith.constant 0 : i32
    %cond3A_76 = arith.cmpi ne, %convert_element_type3A_74, %cond3A_75 : i32
    scf.if %cond3A_76 {
      %add3A_154 = arith.constant 192 : i32
      %add3A_155 = arith.addi %mul3A_5, %add3A_154 : i32
      "tpu.region"() ({
        %run_scoped3A = tpu.sem_alloc : memref<!tpu.dma_semaphore, #tpu.memory_space<semaphore_mem>>
        %dma_start3A = arith.constant 0 : i32
        %dma_start3A_156 = tpu.memref_slice %arg5[%add3A_155, %dma_start3A] : memref<10240x128xf32, #tpu.memory_space<hbm>> -> memref<64x128xf32, #tpu.memory_space<hbm>>
        %dma_start3A_157 = arith.constant 0 : i32
        %dma_start3A_158 = tpu.memref_slice %arg5[%add3A_155, %dma_start3A_157] : memref<10240x128xf32, #tpu.memory_space<hbm>> -> memref<64x128xf32, #tpu.memory_space<hbm>>
        tpu.enqueue_dma source(%arg10 : memref<64x128xf32, #tpu.memory_space<vmem>>) target(%dma_start3A_158 : memref<64x128xf32, #tpu.memory_space<hbm>>) target_semaphore(%run_scoped3A : memref<!tpu.dma_semaphore, #tpu.memory_space<semaphore_mem>>)
        %dma_wait3A = arith.constant 0 : i32
        %dma_wait3A_159 = tpu.memref_slice %arg5[%add3A_155, %dma_wait3A] : memref<10240x128xf32, #tpu.memory_space<hbm>> -> memref<64x128xf32, #tpu.memory_space<hbm>>
        %dma_wait3A_160 = arith.constant 0 : i32
        %dma_wait3A_161 = tpu.memref_slice %arg5[%add3A_155, %dma_wait3A_160] : memref<10240x128xf32, #tpu.memory_space<hbm>> -> memref<64x128xf32, #tpu.memory_space<hbm>>
        tpu.wait_dma2 semaphore(%run_scoped3A : memref<!tpu.dma_semaphore, #tpu.memory_space<semaphore_mem>>) src(%arg10 : memref<64x128xf32, #tpu.memory_space<vmem>>) dst(%dma_wait3A_161 : memref<64x128xf32, #tpu.memory_space<hbm>>)
        tpu.yield
      }) : () -> ()
    } else {
    }
    %eq3A_77 = arith.constant 1 : i32
    %eq3A_78 = arith.cmpi eq, %arg0, %eq3A_77 : i32
    %convert_element_type3A_79 = arith.extui %eq3A_78 : i1 to i32
    %cond3A_80 = arith.constant 0 : i32
    %cond3A_81 = arith.cmpi ne, %convert_element_type3A_79, %cond3A_80 : i32
    scf.if %cond3A_81 {
      %add3A_154 = arith.constant 192 : i32
      %add3A_155 = arith.addi %mul3A_5, %add3A_154 : i32
      "tpu.region"() ({
        %run_scoped3A = tpu.sem_alloc : memref<!tpu.dma_semaphore, #tpu.memory_space<semaphore_mem>>
        %dma_start3A = arith.constant 0 : i32
        %dma_start3A_156 = tpu.memref_slice %arg6[%add3A_155, %dma_start3A] : memref<10240x128xf32, #tpu.memory_space<hbm>> -> memref<64x128xf32, #tpu.memory_space<hbm>>
        %dma_start3A_157 = arith.constant 0 : i32
        %dma_start3A_158 = tpu.memref_slice %arg6[%add3A_155, %dma_start3A_157] : memref<10240x128xf32, #tpu.memory_space<hbm>> -> memref<64x128xf32, #tpu.memory_space<hbm>>
        tpu.enqueue_dma source(%arg10 : memref<64x128xf32, #tpu.memory_space<vmem>>) target(%dma_start3A_158 : memref<64x128xf32, #tpu.memory_space<hbm>>) target_semaphore(%run_scoped3A : memref<!tpu.dma_semaphore, #tpu.memory_space<semaphore_mem>>)
        %dma_wait3A = arith.constant 0 : i32
        %dma_wait3A_159 = tpu.memref_slice %arg6[%add3A_155, %dma_wait3A] : memref<10240x128xf32, #tpu.memory_space<hbm>> -> memref<64x128xf32, #tpu.memory_space<hbm>>
        %dma_wait3A_160 = arith.constant 0 : i32
        %dma_wait3A_161 = tpu.memref_slice %arg6[%add3A_155, %dma_wait3A_160] : memref<10240x128xf32, #tpu.memory_space<hbm>> -> memref<64x128xf32, #tpu.memory_space<hbm>>
        tpu.wait_dma2 semaphore(%run_scoped3A : memref<!tpu.dma_semaphore, #tpu.memory_space<semaphore_mem>>) src(%arg10 : memref<64x128xf32, #tpu.memory_space<vmem>>) dst(%dma_wait3A_161 : memref<64x128xf32, #tpu.memory_space<hbm>>)
        tpu.yield
      }) : () -> ()
    } else {
    }
    %add3A_82 = arith.constant 256 : i32
    %add3A_83 = arith.addi %mul3A_5, %add3A_82 : i32
    "tpu.region"() ({
      %run_scoped3A = tpu.sem_alloc : memref<!tpu.dma_semaphore, #tpu.memory_space<semaphore_mem>>
      %dma_start3A = arith.constant 0 : i32
      %dma_start3A_154 = tpu.memref_slice %arg12[%add3A_83, %dma_start3A] : memref<10240x128xf32, #tpu.memory_space<vmem_shared>> -> memref<64x128xf32, #tpu.memory_space<vmem_shared>>
      %dma_start3A_155 = arith.constant 0 : i32
      %dma_start3A_156 = tpu.memref_slice %arg12[%add3A_83, %dma_start3A_155] : memref<10240x128xf32, #tpu.memory_space<vmem_shared>> -> memref<64x128xf32, #tpu.memory_space<vmem_shared>>
      tpu.enqueue_dma source(%dma_start3A_156 : memref<64x128xf32, #tpu.memory_space<vmem_shared>>) target(%arg10 : memref<64x128xf32, #tpu.memory_space<vmem>>) target_semaphore(%run_scoped3A : memref<!tpu.dma_semaphore, #tpu.memory_space<semaphore_mem>>)
      %dma_wait3A = arith.constant 0 : i32
      %dma_wait3A_157 = tpu.memref_slice %arg12[%add3A_83, %dma_wait3A] : memref<10240x128xf32, #tpu.memory_space<vmem_shared>> -> memref<64x128xf32, #tpu.memory_space<vmem_shared>>
      %dma_wait3A_158 = arith.constant 0 : i32
      %dma_wait3A_159 = tpu.memref_slice %arg12[%add3A_83, %dma_wait3A_158] : memref<10240x128xf32, #tpu.memory_space<vmem_shared>> -> memref<64x128xf32, #tpu.memory_space<vmem_shared>>
      tpu.wait_dma2 semaphore(%run_scoped3A : memref<!tpu.dma_semaphore, #tpu.memory_space<semaphore_mem>>) src(%dma_wait3A_159 : memref<64x128xf32, #tpu.memory_space<vmem_shared>>) dst(%arg10 : memref<64x128xf32, #tpu.memory_space<vmem>>)
      tpu.yield
    }) : () -> ()
    %eq3A_84 = arith.constant 0 : i32
    %eq3A_85 = arith.cmpi eq, %arg0, %eq3A_84 : i32
    %convert_element_type3A_86 = arith.extui %eq3A_85 : i1 to i32
    %cond3A_87 = arith.constant 0 : i32
    %cond3A_88 = arith.cmpi ne, %convert_element_type3A_86, %cond3A_87 : i32
    scf.if %cond3A_88 {
      %add3A_154 = arith.constant 256 : i32
      %add3A_155 = arith.addi %mul3A_5, %add3A_154 : i32
      "tpu.region"() ({
        %run_scoped3A = tpu.sem_alloc : memref<!tpu.dma_semaphore, #tpu.memory_space<semaphore_mem>>
        %dma_start3A = arith.constant 0 : i32
        %dma_start3A_156 = tpu.memref_slice %arg5[%add3A_155, %dma_start3A] : memref<10240x128xf32, #tpu.memory_space<hbm>> -> memref<64x128xf32, #tpu.memory_space<hbm>>
        %dma_start3A_157 = arith.constant 0 : i32
        %dma_start3A_158 = tpu.memref_slice %arg5[%add3A_155, %dma_start3A_157] : memref<10240x128xf32, #tpu.memory_space<hbm>> -> memref<64x128xf32, #tpu.memory_space<hbm>>
        tpu.enqueue_dma source(%arg10 : memref<64x128xf32, #tpu.memory_space<vmem>>) target(%dma_start3A_158 : memref<64x128xf32, #tpu.memory_space<hbm>>) target_semaphore(%run_scoped3A : memref<!tpu.dma_semaphore, #tpu.memory_space<semaphore_mem>>)
        %dma_wait3A = arith.constant 0 : i32
        %dma_wait3A_159 = tpu.memref_slice %arg5[%add3A_155, %dma_wait3A] : memref<10240x128xf32, #tpu.memory_space<hbm>> -> memref<64x128xf32, #tpu.memory_space<hbm>>
        %dma_wait3A_160 = arith.constant 0 : i32
        %dma_wait3A_161 = tpu.memref_slice %arg5[%add3A_155, %dma_wait3A_160] : memref<10240x128xf32, #tpu.memory_space<hbm>> -> memref<64x128xf32, #tpu.memory_space<hbm>>
        tpu.wait_dma2 semaphore(%run_scoped3A : memref<!tpu.dma_semaphore, #tpu.memory_space<semaphore_mem>>) src(%arg10 : memref<64x128xf32, #tpu.memory_space<vmem>>) dst(%dma_wait3A_161 : memref<64x128xf32, #tpu.memory_space<hbm>>)
        tpu.yield
      }) : () -> ()
    } else {
    }
    %eq3A_89 = arith.constant 1 : i32
    %eq3A_90 = arith.cmpi eq, %arg0, %eq3A_89 : i32
    %convert_element_type3A_91 = arith.extui %eq3A_90 : i1 to i32
    %cond3A_92 = arith.constant 0 : i32
    %cond3A_93 = arith.cmpi ne, %convert_element_type3A_91, %cond3A_92 : i32
    scf.if %cond3A_93 {
      %add3A_154 = arith.constant 256 : i32
      %add3A_155 = arith.addi %mul3A_5, %add3A_154 : i32
      "tpu.region"() ({
        %run_scoped3A = tpu.sem_alloc : memref<!tpu.dma_semaphore, #tpu.memory_space<semaphore_mem>>
        %dma_start3A = arith.constant 0 : i32
        %dma_start3A_156 = tpu.memref_slice %arg6[%add3A_155, %dma_start3A] : memref<10240x128xf32, #tpu.memory_space<hbm>> -> memref<64x128xf32, #tpu.memory_space<hbm>>
        %dma_start3A_157 = arith.constant 0 : i32
        %dma_start3A_158 = tpu.memref_slice %arg6[%add3A_155, %dma_start3A_157] : memref<10240x128xf32, #tpu.memory_space<hbm>> -> memref<64x128xf32, #tpu.memory_space<hbm>>
        tpu.enqueue_dma source(%arg10 : memref<64x128xf32, #tpu.memory_space<vmem>>) target(%dma_start3A_158 : memref<64x128xf32, #tpu.memory_space<hbm>>) target_semaphore(%run_scoped3A : memref<!tpu.dma_semaphore, #tpu.memory_space<semaphore_mem>>)
        %dma_wait3A = arith.constant 0 : i32
        %dma_wait3A_159 = tpu.memref_slice %arg6[%add3A_155, %dma_wait3A] : memref<10240x128xf32, #tpu.memory_space<hbm>> -> memref<64x128xf32, #tpu.memory_space<hbm>>
        %dma_wait3A_160 = arith.constant 0 : i32
        %dma_wait3A_161 = tpu.memref_slice %arg6[%add3A_155, %dma_wait3A_160] : memref<10240x128xf32, #tpu.memory_space<hbm>> -> memref<64x128xf32, #tpu.memory_space<hbm>>
        tpu.wait_dma2 semaphore(%run_scoped3A : memref<!tpu.dma_semaphore, #tpu.memory_space<semaphore_mem>>) src(%arg10 : memref<64x128xf32, #tpu.memory_space<vmem>>) dst(%dma_wait3A_161 : memref<64x128xf32, #tpu.memory_space<hbm>>)
        tpu.yield
      }) : () -> ()
    } else {
    }
    %add3A_94 = arith.constant 320 : i32
    %add3A_95 = arith.addi %mul3A_5, %add3A_94 : i32
    "tpu.region"() ({
      %run_scoped3A = tpu.sem_alloc : memref<!tpu.dma_semaphore, #tpu.memory_space<semaphore_mem>>
      %dma_start3A = arith.constant 0 : i32
      %dma_start3A_154 = tpu.memref_slice %arg12[%add3A_95, %dma_start3A] : memref<10240x128xf32, #tpu.memory_space<vmem_shared>> -> memref<64x128xf32, #tpu.memory_space<vmem_shared>>
      %dma_start3A_155 = arith.constant 0 : i32
      %dma_start3A_156 = tpu.memref_slice %arg12[%add3A_95, %dma_start3A_155] : memref<10240x128xf32, #tpu.memory_space<vmem_shared>> -> memref<64x128xf32, #tpu.memory_space<vmem_shared>>
      tpu.enqueue_dma source(%dma_start3A_156 : memref<64x128xf32, #tpu.memory_space<vmem_shared>>) target(%arg10 : memref<64x128xf32, #tpu.memory_space<vmem>>) target_semaphore(%run_scoped3A : memref<!tpu.dma_semaphore, #tpu.memory_space<semaphore_mem>>)
      %dma_wait3A = arith.constant 0 : i32
      %dma_wait3A_157 = tpu.memref_slice %arg12[%add3A_95, %dma_wait3A] : memref<10240x128xf32, #tpu.memory_space<vmem_shared>> -> memref<64x128xf32, #tpu.memory_space<vmem_shared>>
      %dma_wait3A_158 = arith.constant 0 : i32
      %dma_wait3A_159 = tpu.memref_slice %arg12[%add3A_95, %dma_wait3A_158] : memref<10240x128xf32, #tpu.memory_space<vmem_shared>> -> memref<64x128xf32, #tpu.memory_space<vmem_shared>>
      tpu.wait_dma2 semaphore(%run_scoped3A : memref<!tpu.dma_semaphore, #tpu.memory_space<semaphore_mem>>) src(%dma_wait3A_159 : memref<64x128xf32, #tpu.memory_space<vmem_shared>>) dst(%arg10 : memref<64x128xf32, #tpu.memory_space<vmem>>)
      tpu.yield
    }) : () -> ()
    %eq3A_96 = arith.constant 0 : i32
    %eq3A_97 = arith.cmpi eq, %arg0, %eq3A_96 : i32
    %convert_element_type3A_98 = arith.extui %eq3A_97 : i1 to i32
    %cond3A_99 = arith.constant 0 : i32
    %cond3A_100 = arith.cmpi ne, %convert_element_type3A_98, %cond3A_99 : i32
    scf.if %cond3A_100 {
      %add3A_154 = arith.constant 320 : i32
      %add3A_155 = arith.addi %mul3A_5, %add3A_154 : i32
      "tpu.region"() ({
        %run_scoped3A = tpu.sem_alloc : memref<!tpu.dma_semaphore, #tpu.memory_space<semaphore_mem>>
        %dma_start3A = arith.constant 0 : i32
        %dma_start3A_156 = tpu.memref_slice %arg5[%add3A_155, %dma_start3A] : memref<10240x128xf32, #tpu.memory_space<hbm>> -> memref<64x128xf32, #tpu.memory_space<hbm>>
        %dma_start3A_157 = arith.constant 0 : i32
        %dma_start3A_158 = tpu.memref_slice %arg5[%add3A_155, %dma_start3A_157] : memref<10240x128xf32, #tpu.memory_space<hbm>> -> memref<64x128xf32, #tpu.memory_space<hbm>>
        tpu.enqueue_dma source(%arg10 : memref<64x128xf32, #tpu.memory_space<vmem>>) target(%dma_start3A_158 : memref<64x128xf32, #tpu.memory_space<hbm>>) target_semaphore(%run_scoped3A : memref<!tpu.dma_semaphore, #tpu.memory_space<semaphore_mem>>)
        %dma_wait3A = arith.constant 0 : i32
        %dma_wait3A_159 = tpu.memref_slice %arg5[%add3A_155, %dma_wait3A] : memref<10240x128xf32, #tpu.memory_space<hbm>> -> memref<64x128xf32, #tpu.memory_space<hbm>>
        %dma_wait3A_160 = arith.constant 0 : i32
        %dma_wait3A_161 = tpu.memref_slice %arg5[%add3A_155, %dma_wait3A_160] : memref<10240x128xf32, #tpu.memory_space<hbm>> -> memref<64x128xf32, #tpu.memory_space<hbm>>
        tpu.wait_dma2 semaphore(%run_scoped3A : memref<!tpu.dma_semaphore, #tpu.memory_space<semaphore_mem>>) src(%arg10 : memref<64x128xf32, #tpu.memory_space<vmem>>) dst(%dma_wait3A_161 : memref<64x128xf32, #tpu.memory_space<hbm>>)
        tpu.yield
      }) : () -> ()
    } else {
    }
    %eq3A_101 = arith.constant 1 : i32
    %eq3A_102 = arith.cmpi eq, %arg0, %eq3A_101 : i32
    %convert_element_type3A_103 = arith.extui %eq3A_102 : i1 to i32
    %cond3A_104 = arith.constant 0 : i32
    %cond3A_105 = arith.cmpi ne, %convert_element_type3A_103, %cond3A_104 : i32
    scf.if %cond3A_105 {
      %add3A_154 = arith.constant 320 : i32
      %add3A_155 = arith.addi %mul3A_5, %add3A_154 : i32
      "tpu.region"() ({
        %run_scoped3A = tpu.sem_alloc : memref<!tpu.dma_semaphore, #tpu.memory_space<semaphore_mem>>
        %dma_start3A = arith.constant 0 : i32
        %dma_start3A_156 = tpu.memref_slice %arg6[%add3A_155, %dma_start3A] : memref<10240x128xf32, #tpu.memory_space<hbm>> -> memref<64x128xf32, #tpu.memory_space<hbm>>
        %dma_start3A_157 = arith.constant 0 : i32
        %dma_start3A_158 = tpu.memref_slice %arg6[%add3A_155, %dma_start3A_157] : memref<10240x128xf32, #tpu.memory_space<hbm>> -> memref<64x128xf32, #tpu.memory_space<hbm>>
        tpu.enqueue_dma source(%arg10 : memref<64x128xf32, #tpu.memory_space<vmem>>) target(%dma_start3A_158 : memref<64x128xf32, #tpu.memory_space<hbm>>) target_semaphore(%run_scoped3A : memref<!tpu.dma_semaphore, #tpu.memory_space<semaphore_mem>>)
        %dma_wait3A = arith.constant 0 : i32
        %dma_wait3A_159 = tpu.memref_slice %arg6[%add3A_155, %dma_wait3A] : memref<10240x128xf32, #tpu.memory_space<hbm>> -> memref<64x128xf32, #tpu.memory_space<hbm>>
        %dma_wait3A_160 = arith.constant 0 : i32
        %dma_wait3A_161 = tpu.memref_slice %arg6[%add3A_155, %dma_wait3A_160] : memref<10240x128xf32, #tpu.memory_space<hbm>> -> memref<64x128xf32, #tpu.memory_space<hbm>>
        tpu.wait_dma2 semaphore(%run_scoped3A : memref<!tpu.dma_semaphore, #tpu.memory_space<semaphore_mem>>) src(%arg10 : memref<64x128xf32, #tpu.memory_space<vmem>>) dst(%dma_wait3A_161 : memref<64x128xf32, #tpu.memory_space<hbm>>)
        tpu.yield
      }) : () -> ()
    } else {
    }
    %add3A_106 = arith.constant 384 : i32
    %add3A_107 = arith.addi %mul3A_5, %add3A_106 : i32
    "tpu.region"() ({
      %run_scoped3A = tpu.sem_alloc : memref<!tpu.dma_semaphore, #tpu.memory_space<semaphore_mem>>
      %dma_start3A = arith.constant 0 : i32
      %dma_start3A_154 = tpu.memref_slice %arg12[%add3A_107, %dma_start3A] : memref<10240x128xf32, #tpu.memory_space<vmem_shared>> -> memref<64x128xf32, #tpu.memory_space<vmem_shared>>
      %dma_start3A_155 = arith.constant 0 : i32
      %dma_start3A_156 = tpu.memref_slice %arg12[%add3A_107, %dma_start3A_155] : memref<10240x128xf32, #tpu.memory_space<vmem_shared>> -> memref<64x128xf32, #tpu.memory_space<vmem_shared>>
      tpu.enqueue_dma source(%dma_start3A_156 : memref<64x128xf32, #tpu.memory_space<vmem_shared>>) target(%arg10 : memref<64x128xf32, #tpu.memory_space<vmem>>) target_semaphore(%run_scoped3A : memref<!tpu.dma_semaphore, #tpu.memory_space<semaphore_mem>>)
      %dma_wait3A = arith.constant 0 : i32
      %dma_wait3A_157 = tpu.memref_slice %arg12[%add3A_107, %dma_wait3A] : memref<10240x128xf32, #tpu.memory_space<vmem_shared>> -> memref<64x128xf32, #tpu.memory_space<vmem_shared>>
      %dma_wait3A_158 = arith.constant 0 : i32
      %dma_wait3A_159 = tpu.memref_slice %arg12[%add3A_107, %dma_wait3A_158] : memref<10240x128xf32, #tpu.memory_space<vmem_shared>> -> memref<64x128xf32, #tpu.memory_space<vmem_shared>>
      tpu.wait_dma2 semaphore(%run_scoped3A : memref<!tpu.dma_semaphore, #tpu.memory_space<semaphore_mem>>) src(%dma_wait3A_159 : memref<64x128xf32, #tpu.memory_space<vmem_shared>>) dst(%arg10 : memref<64x128xf32, #tpu.memory_space<vmem>>)
      tpu.yield
    }) : () -> ()
    %eq3A_108 = arith.constant 0 : i32
    %eq3A_109 = arith.cmpi eq, %arg0, %eq3A_108 : i32
    %convert_element_type3A_110 = arith.extui %eq3A_109 : i1 to i32
    %cond3A_111 = arith.constant 0 : i32
    %cond3A_112 = arith.cmpi ne, %convert_element_type3A_110, %cond3A_111 : i32
    scf.if %cond3A_112 {
      %add3A_154 = arith.constant 384 : i32
      %add3A_155 = arith.addi %mul3A_5, %add3A_154 : i32
      "tpu.region"() ({
        %run_scoped3A = tpu.sem_alloc : memref<!tpu.dma_semaphore, #tpu.memory_space<semaphore_mem>>
        %dma_start3A = arith.constant 0 : i32
        %dma_start3A_156 = tpu.memref_slice %arg5[%add3A_155, %dma_start3A] : memref<10240x128xf32, #tpu.memory_space<hbm>> -> memref<64x128xf32, #tpu.memory_space<hbm>>
        %dma_start3A_157 = arith.constant 0 : i32
        %dma_start3A_158 = tpu.memref_slice %arg5[%add3A_155, %dma_start3A_157] : memref<10240x128xf32, #tpu.memory_space<hbm>> -> memref<64x128xf32, #tpu.memory_space<hbm>>
        tpu.enqueue_dma source(%arg10 : memref<64x128xf32, #tpu.memory_space<vmem>>) target(%dma_start3A_158 : memref<64x128xf32, #tpu.memory_space<hbm>>) target_semaphore(%run_scoped3A : memref<!tpu.dma_semaphore, #tpu.memory_space<semaphore_mem>>)
        %dma_wait3A = arith.constant 0 : i32
        %dma_wait3A_159 = tpu.memref_slice %arg5[%add3A_155, %dma_wait3A] : memref<10240x128xf32, #tpu.memory_space<hbm>> -> memref<64x128xf32, #tpu.memory_space<hbm>>
        %dma_wait3A_160 = arith.constant 0 : i32
        %dma_wait3A_161 = tpu.memref_slice %arg5[%add3A_155, %dma_wait3A_160] : memref<10240x128xf32, #tpu.memory_space<hbm>> -> memref<64x128xf32, #tpu.memory_space<hbm>>
        tpu.wait_dma2 semaphore(%run_scoped3A : memref<!tpu.dma_semaphore, #tpu.memory_space<semaphore_mem>>) src(%arg10 : memref<64x128xf32, #tpu.memory_space<vmem>>) dst(%dma_wait3A_161 : memref<64x128xf32, #tpu.memory_space<hbm>>)
        tpu.yield
      }) : () -> ()
    } else {
    }
    %eq3A_113 = arith.constant 1 : i32
    %eq3A_114 = arith.cmpi eq, %arg0, %eq3A_113 : i32
    %convert_element_type3A_115 = arith.extui %eq3A_114 : i1 to i32
    %cond3A_116 = arith.constant 0 : i32
    %cond3A_117 = arith.cmpi ne, %convert_element_type3A_115, %cond3A_116 : i32
    scf.if %cond3A_117 {
      %add3A_154 = arith.constant 384 : i32
      %add3A_155 = arith.addi %mul3A_5, %add3A_154 : i32
      "tpu.region"() ({
        %run_scoped3A = tpu.sem_alloc : memref<!tpu.dma_semaphore, #tpu.memory_space<semaphore_mem>>
        %dma_start3A = arith.constant 0 : i32
        %dma_start3A_156 = tpu.memref_slice %arg6[%add3A_155, %dma_start3A] : memref<10240x128xf32, #tpu.memory_space<hbm>> -> memref<64x128xf32, #tpu.memory_space<hbm>>
        %dma_start3A_157 = arith.constant 0 : i32
        %dma_start3A_158 = tpu.memref_slice %arg6[%add3A_155, %dma_start3A_157] : memref<10240x128xf32, #tpu.memory_space<hbm>> -> memref<64x128xf32, #tpu.memory_space<hbm>>
        tpu.enqueue_dma source(%arg10 : memref<64x128xf32, #tpu.memory_space<vmem>>) target(%dma_start3A_158 : memref<64x128xf32, #tpu.memory_space<hbm>>) target_semaphore(%run_scoped3A : memref<!tpu.dma_semaphore, #tpu.memory_space<semaphore_mem>>)
        %dma_wait3A = arith.constant 0 : i32
        %dma_wait3A_159 = tpu.memref_slice %arg6[%add3A_155, %dma_wait3A] : memref<10240x128xf32, #tpu.memory_space<hbm>> -> memref<64x128xf32, #tpu.memory_space<hbm>>
        %dma_wait3A_160 = arith.constant 0 : i32
        %dma_wait3A_161 = tpu.memref_slice %arg6[%add3A_155, %dma_wait3A_160] : memref<10240x128xf32, #tpu.memory_space<hbm>> -> memref<64x128xf32, #tpu.memory_space<hbm>>
        tpu.wait_dma2 semaphore(%run_scoped3A : memref<!tpu.dma_semaphore, #tpu.memory_space<semaphore_mem>>) src(%arg10 : memref<64x128xf32, #tpu.memory_space<vmem>>) dst(%dma_wait3A_161 : memref<64x128xf32, #tpu.memory_space<hbm>>)
        tpu.yield
      }) : () -> ()
    } else {
    }
    %add3A_118 = arith.constant 448 : i32
    %add3A_119 = arith.addi %mul3A_5, %add3A_118 : i32
    "tpu.region"() ({
      %run_scoped3A = tpu.sem_alloc : memref<!tpu.dma_semaphore, #tpu.memory_space<semaphore_mem>>
      %dma_start3A = arith.constant 0 : i32
      %dma_start3A_154 = tpu.memref_slice %arg12[%add3A_119, %dma_start3A] : memref<10240x128xf32, #tpu.memory_space<vmem_shared>> -> memref<64x128xf32, #tpu.memory_space<vmem_shared>>
      %dma_start3A_155 = arith.constant 0 : i32
      %dma_start3A_156 = tpu.memref_slice %arg12[%add3A_119, %dma_start3A_155] : memref<10240x128xf32, #tpu.memory_space<vmem_shared>> -> memref<64x128xf32, #tpu.memory_space<vmem_shared>>
      tpu.enqueue_dma source(%dma_start3A_156 : memref<64x128xf32, #tpu.memory_space<vmem_shared>>) target(%arg10 : memref<64x128xf32, #tpu.memory_space<vmem>>) target_semaphore(%run_scoped3A : memref<!tpu.dma_semaphore, #tpu.memory_space<semaphore_mem>>)
      %dma_wait3A = arith.constant 0 : i32
      %dma_wait3A_157 = tpu.memref_slice %arg12[%add3A_119, %dma_wait3A] : memref<10240x128xf32, #tpu.memory_space<vmem_shared>> -> memref<64x128xf32, #tpu.memory_space<vmem_shared>>
      %dma_wait3A_158 = arith.constant 0 : i32
      %dma_wait3A_159 = tpu.memref_slice %arg12[%add3A_119, %dma_wait3A_158] : memref<10240x128xf32, #tpu.memory_space<vmem_shared>> -> memref<64x128xf32, #tpu.memory_space<vmem_shared>>
      tpu.wait_dma2 semaphore(%run_scoped3A : memref<!tpu.dma_semaphore, #tpu.memory_space<semaphore_mem>>) src(%dma_wait3A_159 : memref<64x128xf32, #tpu.memory_space<vmem_shared>>) dst(%arg10 : memref<64x128xf32, #tpu.memory_space<vmem>>)
      tpu.yield
    }) : () -> ()
    %eq3A_120 = arith.constant 0 : i32
    %eq3A_121 = arith.cmpi eq, %arg0, %eq3A_120 : i32
    %convert_element_type3A_122 = arith.extui %eq3A_121 : i1 to i32
    %cond3A_123 = arith.constant 0 : i32
    %cond3A_124 = arith.cmpi ne, %convert_element_type3A_122, %cond3A_123 : i32
    scf.if %cond3A_124 {
      %add3A_154 = arith.constant 448 : i32
      %add3A_155 = arith.addi %mul3A_5, %add3A_154 : i32
      "tpu.region"() ({
        %run_scoped3A = tpu.sem_alloc : memref<!tpu.dma_semaphore, #tpu.memory_space<semaphore_mem>>
        %dma_start3A = arith.constant 0 : i32
        %dma_start3A_156 = tpu.memref_slice %arg5[%add3A_155, %dma_start3A] : memref<10240x128xf32, #tpu.memory_space<hbm>> -> memref<64x128xf32, #tpu.memory_space<hbm>>
        %dma_start3A_157 = arith.constant 0 : i32
        %dma_start3A_158 = tpu.memref_slice %arg5[%add3A_155, %dma_start3A_157] : memref<10240x128xf32, #tpu.memory_space<hbm>> -> memref<64x128xf32, #tpu.memory_space<hbm>>
        tpu.enqueue_dma source(%arg10 : memref<64x128xf32, #tpu.memory_space<vmem>>) target(%dma_start3A_158 : memref<64x128xf32, #tpu.memory_space<hbm>>) target_semaphore(%run_scoped3A : memref<!tpu.dma_semaphore, #tpu.memory_space<semaphore_mem>>)
        %dma_wait3A = arith.constant 0 : i32
        %dma_wait3A_159 = tpu.memref_slice %arg5[%add3A_155, %dma_wait3A] : memref<10240x128xf32, #tpu.memory_space<hbm>> -> memref<64x128xf32, #tpu.memory_space<hbm>>
        %dma_wait3A_160 = arith.constant 0 : i32
        %dma_wait3A_161 = tpu.memref_slice %arg5[%add3A_155, %dma_wait3A_160] : memref<10240x128xf32, #tpu.memory_space<hbm>> -> memref<64x128xf32, #tpu.memory_space<hbm>>
        tpu.wait_dma2 semaphore(%run_scoped3A : memref<!tpu.dma_semaphore, #tpu.memory_space<semaphore_mem>>) src(%arg10 : memref<64x128xf32, #tpu.memory_space<vmem>>) dst(%dma_wait3A_161 : memref<64x128xf32, #tpu.memory_space<hbm>>)
        tpu.yield
      }) : () -> ()
    } else {
    }
    %eq3A_125 = arith.constant 1 : i32
    %eq3A_126 = arith.cmpi eq, %arg0, %eq3A_125 : i32
    %convert_element_type3A_127 = arith.extui %eq3A_126 : i1 to i32
    %cond3A_128 = arith.constant 0 : i32
    %cond3A_129 = arith.cmpi ne, %convert_element_type3A_127, %cond3A_128 : i32
    scf.if %cond3A_129 {
      %add3A_154 = arith.constant 448 : i32
      %add3A_155 = arith.addi %mul3A_5, %add3A_154 : i32
      "tpu.region"() ({
        %run_scoped3A = tpu.sem_alloc : memref<!tpu.dma_semaphore, #tpu.memory_space<semaphore_mem>>
        %dma_start3A = arith.constant 0 : i32
        %dma_start3A_156 = tpu.memref_slice %arg6[%add3A_155, %dma_start3A] : memref<10240x128xf32, #tpu.memory_space<hbm>> -> memref<64x128xf32, #tpu.memory_space<hbm>>
        %dma_start3A_157 = arith.constant 0 : i32
        %dma_start3A_158 = tpu.memref_slice %arg6[%add3A_155, %dma_start3A_157] : memref<10240x128xf32, #tpu.memory_space<hbm>> -> memref<64x128xf32, #tpu.memory_space<hbm>>
        tpu.enqueue_dma source(%arg10 : memref<64x128xf32, #tpu.memory_space<vmem>>) target(%dma_start3A_158 : memref<64x128xf32, #tpu.memory_space<hbm>>) target_semaphore(%run_scoped3A : memref<!tpu.dma_semaphore, #tpu.memory_space<semaphore_mem>>)
        %dma_wait3A = arith.constant 0 : i32
        %dma_wait3A_159 = tpu.memref_slice %arg6[%add3A_155, %dma_wait3A] : memref<10240x128xf32, #tpu.memory_space<hbm>> -> memref<64x128xf32, #tpu.memory_space<hbm>>
        %dma_wait3A_160 = arith.constant 0 : i32
        %dma_wait3A_161 = tpu.memref_slice %arg6[%add3A_155, %dma_wait3A_160] : memref<10240x128xf32, #tpu.memory_space<hbm>> -> memref<64x128xf32, #tpu.memory_space<hbm>>
        tpu.wait_dma2 semaphore(%run_scoped3A : memref<!tpu.dma_semaphore, #tpu.memory_space<semaphore_mem>>) src(%arg10 : memref<64x128xf32, #tpu.memory_space<vmem>>) dst(%dma_wait3A_161 : memref<64x128xf32, #tpu.memory_space<hbm>>)
        tpu.yield
      }) : () -> ()
    } else {
    }
    %add3A_130 = arith.constant 512 : i32
    %add3A_131 = arith.addi %mul3A_5, %add3A_130 : i32
    "tpu.region"() ({
      %run_scoped3A = tpu.sem_alloc : memref<!tpu.dma_semaphore, #tpu.memory_space<semaphore_mem>>
      %dma_start3A = arith.constant 0 : i32
      %dma_start3A_154 = tpu.memref_slice %arg12[%add3A_131, %dma_start3A] : memref<10240x128xf32, #tpu.memory_space<vmem_shared>> -> memref<64x128xf32, #tpu.memory_space<vmem_shared>>
      %dma_start3A_155 = arith.constant 0 : i32
      %dma_start3A_156 = tpu.memref_slice %arg12[%add3A_131, %dma_start3A_155] : memref<10240x128xf32, #tpu.memory_space<vmem_shared>> -> memref<64x128xf32, #tpu.memory_space<vmem_shared>>
      tpu.enqueue_dma source(%dma_start3A_156 : memref<64x128xf32, #tpu.memory_space<vmem_shared>>) target(%arg10 : memref<64x128xf32, #tpu.memory_space<vmem>>) target_semaphore(%run_scoped3A : memref<!tpu.dma_semaphore, #tpu.memory_space<semaphore_mem>>)
      %dma_wait3A = arith.constant 0 : i32
      %dma_wait3A_157 = tpu.memref_slice %arg12[%add3A_131, %dma_wait3A] : memref<10240x128xf32, #tpu.memory_space<vmem_shared>> -> memref<64x128xf32, #tpu.memory_space<vmem_shared>>
      %dma_wait3A_158 = arith.constant 0 : i32
      %dma_wait3A_159 = tpu.memref_slice %arg12[%add3A_131, %dma_wait3A_158] : memref<10240x128xf32, #tpu.memory_space<vmem_shared>> -> memref<64x128xf32, #tpu.memory_space<vmem_shared>>
      tpu.wait_dma2 semaphore(%run_scoped3A : memref<!tpu.dma_semaphore, #tpu.memory_space<semaphore_mem>>) src(%dma_wait3A_159 : memref<64x128xf32, #tpu.memory_space<vmem_shared>>) dst(%arg10 : memref<64x128xf32, #tpu.memory_space<vmem>>)
      tpu.yield
    }) : () -> ()
    %eq3A_132 = arith.constant 0 : i32
    %eq3A_133 = arith.cmpi eq, %arg0, %eq3A_132 : i32
    %convert_element_type3A_134 = arith.extui %eq3A_133 : i1 to i32
    %cond3A_135 = arith.constant 0 : i32
    %cond3A_136 = arith.cmpi ne, %convert_element_type3A_134, %cond3A_135 : i32
    scf.if %cond3A_136 {
      %add3A_154 = arith.constant 512 : i32
      %add3A_155 = arith.addi %mul3A_5, %add3A_154 : i32
      "tpu.region"() ({
        %run_scoped3A = tpu.sem_alloc : memref<!tpu.dma_semaphore, #tpu.memory_space<semaphore_mem>>
        %dma_start3A = arith.constant 0 : i32
        %dma_start3A_156 = tpu.memref_slice %arg5[%add3A_155, %dma_start3A] : memref<10240x128xf32, #tpu.memory_space<hbm>> -> memref<64x128xf32, #tpu.memory_space<hbm>>
        %dma_start3A_157 = arith.constant 0 : i32
        %dma_start3A_158 = tpu.memref_slice %arg5[%add3A_155, %dma_start3A_157] : memref<10240x128xf32, #tpu.memory_space<hbm>> -> memref<64x128xf32, #tpu.memory_space<hbm>>
        tpu.enqueue_dma source(%arg10 : memref<64x128xf32, #tpu.memory_space<vmem>>) target(%dma_start3A_158 : memref<64x128xf32, #tpu.memory_space<hbm>>) target_semaphore(%run_scoped3A : memref<!tpu.dma_semaphore, #tpu.memory_space<semaphore_mem>>)
        %dma_wait3A = arith.constant 0 : i32
        %dma_wait3A_159 = tpu.memref_slice %arg5[%add3A_155, %dma_wait3A] : memref<10240x128xf32, #tpu.memory_space<hbm>> -> memref<64x128xf32, #tpu.memory_space<hbm>>
        %dma_wait3A_160 = arith.constant 0 : i32
        %dma_wait3A_161 = tpu.memref_slice %arg5[%add3A_155, %dma_wait3A_160] : memref<10240x128xf32, #tpu.memory_space<hbm>> -> memref<64x128xf32, #tpu.memory_space<hbm>>
        tpu.wait_dma2 semaphore(%run_scoped3A : memref<!tpu.dma_semaphore, #tpu.memory_space<semaphore_mem>>) src(%arg10 : memref<64x128xf32, #tpu.memory_space<vmem>>) dst(%dma_wait3A_161 : memref<64x128xf32, #tpu.memory_space<hbm>>)
        tpu.yield
      }) : () -> ()
    } else {
    }
    %eq3A_137 = arith.constant 1 : i32
    %eq3A_138 = arith.cmpi eq, %arg0, %eq3A_137 : i32
    %convert_element_type3A_139 = arith.extui %eq3A_138 : i1 to i32
    %cond3A_140 = arith.constant 0 : i32
    %cond3A_141 = arith.cmpi ne, %convert_element_type3A_139, %cond3A_140 : i32
    scf.if %cond3A_141 {
      %add3A_154 = arith.constant 512 : i32
      %add3A_155 = arith.addi %mul3A_5, %add3A_154 : i32
      "tpu.region"() ({
        %run_scoped3A = tpu.sem_alloc : memref<!tpu.dma_semaphore, #tpu.memory_space<semaphore_mem>>
        %dma_start3A = arith.constant 0 : i32
        %dma_start3A_156 = tpu.memref_slice %arg6[%add3A_155, %dma_start3A] : memref<10240x128xf32, #tpu.memory_space<hbm>> -> memref<64x128xf32, #tpu.memory_space<hbm>>
        %dma_start3A_157 = arith.constant 0 : i32
        %dma_start3A_158 = tpu.memref_slice %arg6[%add3A_155, %dma_start3A_157] : memref<10240x128xf32, #tpu.memory_space<hbm>> -> memref<64x128xf32, #tpu.memory_space<hbm>>
        tpu.enqueue_dma source(%arg10 : memref<64x128xf32, #tpu.memory_space<vmem>>) target(%dma_start3A_158 : memref<64x128xf32, #tpu.memory_space<hbm>>) target_semaphore(%run_scoped3A : memref<!tpu.dma_semaphore, #tpu.memory_space<semaphore_mem>>)
        %dma_wait3A = arith.constant 0 : i32
        %dma_wait3A_159 = tpu.memref_slice %arg6[%add3A_155, %dma_wait3A] : memref<10240x128xf32, #tpu.memory_space<hbm>> -> memref<64x128xf32, #tpu.memory_space<hbm>>
        %dma_wait3A_160 = arith.constant 0 : i32
        %dma_wait3A_161 = tpu.memref_slice %arg6[%add3A_155, %dma_wait3A_160] : memref<10240x128xf32, #tpu.memory_space<hbm>> -> memref<64x128xf32, #tpu.memory_space<hbm>>
        tpu.wait_dma2 semaphore(%run_scoped3A : memref<!tpu.dma_semaphore, #tpu.memory_space<semaphore_mem>>) src(%arg10 : memref<64x128xf32, #tpu.memory_space<vmem>>) dst(%dma_wait3A_161 : memref<64x128xf32, #tpu.memory_space<hbm>>)
        tpu.yield
      }) : () -> ()
    } else {
    }
    %add3A_142 = arith.constant 576 : i32
    %add3A_143 = arith.addi %mul3A_5, %add3A_142 : i32
    "tpu.region"() ({
      %run_scoped3A = tpu.sem_alloc : memref<!tpu.dma_semaphore, #tpu.memory_space<semaphore_mem>>
      %dma_start3A = arith.constant 0 : i32
      %dma_start3A_154 = tpu.memref_slice %arg12[%add3A_143, %dma_start3A] : memref<10240x128xf32, #tpu.memory_space<vmem_shared>> -> memref<64x128xf32, #tpu.memory_space<vmem_shared>>
      %dma_start3A_155 = arith.constant 0 : i32
      %dma_start3A_156 = tpu.memref_slice %arg12[%add3A_143, %dma_start3A_155] : memref<10240x128xf32, #tpu.memory_space<vmem_shared>> -> memref<64x128xf32, #tpu.memory_space<vmem_shared>>
      tpu.enqueue_dma source(%dma_start3A_156 : memref<64x128xf32, #tpu.memory_space<vmem_shared>>) target(%arg10 : memref<64x128xf32, #tpu.memory_space<vmem>>) target_semaphore(%run_scoped3A : memref<!tpu.dma_semaphore, #tpu.memory_space<semaphore_mem>>)
      %dma_wait3A = arith.constant 0 : i32
      %dma_wait3A_157 = tpu.memref_slice %arg12[%add3A_143, %dma_wait3A] : memref<10240x128xf32, #tpu.memory_space<vmem_shared>> -> memref<64x128xf32, #tpu.memory_space<vmem_shared>>
      %dma_wait3A_158 = arith.constant 0 : i32
      %dma_wait3A_159 = tpu.memref_slice %arg12[%add3A_143, %dma_wait3A_158] : memref<10240x128xf32, #tpu.memory_space<vmem_shared>> -> memref<64x128xf32, #tpu.memory_space<vmem_shared>>
      tpu.wait_dma2 semaphore(%run_scoped3A : memref<!tpu.dma_semaphore, #tpu.memory_space<semaphore_mem>>) src(%dma_wait3A_159 : memref<64x128xf32, #tpu.memory_space<vmem_shared>>) dst(%arg10 : memref<64x128xf32, #tpu.memory_space<vmem>>)
      tpu.yield
    }) : () -> ()
    %eq3A_144 = arith.constant 0 : i32
    %eq3A_145 = arith.cmpi eq, %arg0, %eq3A_144 : i32
    %convert_element_type3A_146 = arith.extui %eq3A_145 : i1 to i32
    %cond3A_147 = arith.constant 0 : i32
    %cond3A_148 = arith.cmpi ne, %convert_element_type3A_146, %cond3A_147 : i32
    scf.if %cond3A_148 {
      %add3A_154 = arith.constant 576 : i32
      %add3A_155 = arith.addi %mul3A_5, %add3A_154 : i32
      "tpu.region"() ({
        %run_scoped3A = tpu.sem_alloc : memref<!tpu.dma_semaphore, #tpu.memory_space<semaphore_mem>>
        %dma_start3A = arith.constant 0 : i32
        %dma_start3A_156 = tpu.memref_slice %arg5[%add3A_155, %dma_start3A] : memref<10240x128xf32, #tpu.memory_space<hbm>> -> memref<64x128xf32, #tpu.memory_space<hbm>>
        %dma_start3A_157 = arith.constant 0 : i32
        %dma_start3A_158 = tpu.memref_slice %arg5[%add3A_155, %dma_start3A_157] : memref<10240x128xf32, #tpu.memory_space<hbm>> -> memref<64x128xf32, #tpu.memory_space<hbm>>
        tpu.enqueue_dma source(%arg10 : memref<64x128xf32, #tpu.memory_space<vmem>>) target(%dma_start3A_158 : memref<64x128xf32, #tpu.memory_space<hbm>>) target_semaphore(%run_scoped3A : memref<!tpu.dma_semaphore, #tpu.memory_space<semaphore_mem>>)
        %dma_wait3A = arith.constant 0 : i32
        %dma_wait3A_159 = tpu.memref_slice %arg5[%add3A_155, %dma_wait3A] : memref<10240x128xf32, #tpu.memory_space<hbm>> -> memref<64x128xf32, #tpu.memory_space<hbm>>
        %dma_wait3A_160 = arith.constant 0 : i32
        %dma_wait3A_161 = tpu.memref_slice %arg5[%add3A_155, %dma_wait3A_160] : memref<10240x128xf32, #tpu.memory_space<hbm>> -> memref<64x128xf32, #tpu.memory_space<hbm>>
        tpu.wait_dma2 semaphore(%run_scoped3A : memref<!tpu.dma_semaphore, #tpu.memory_space<semaphore_mem>>) src(%arg10 : memref<64x128xf32, #tpu.memory_space<vmem>>) dst(%dma_wait3A_161 : memref<64x128xf32, #tpu.memory_space<hbm>>)
        tpu.yield
      }) : () -> ()
    } else {
    }
    %eq3A_149 = arith.constant 1 : i32
    %eq3A_150 = arith.cmpi eq, %arg0, %eq3A_149 : i32
    %convert_element_type3A_151 = arith.extui %eq3A_150 : i1 to i32
    %cond3A_152 = arith.constant 0 : i32
    %cond3A_153 = arith.cmpi ne, %convert_element_type3A_151, %cond3A_152 : i32
    scf.if %cond3A_153 {
      %add3A_154 = arith.constant 576 : i32
      %add3A_155 = arith.addi %mul3A_5, %add3A_154 : i32
      "tpu.region"() ({
        %run_scoped3A = tpu.sem_alloc : memref<!tpu.dma_semaphore, #tpu.memory_space<semaphore_mem>>
        %dma_start3A = arith.constant 0 : i32
        %dma_start3A_156 = tpu.memref_slice %arg6[%add3A_155, %dma_start3A] : memref<10240x128xf32, #tpu.memory_space<hbm>> -> memref<64x128xf32, #tpu.memory_space<hbm>>
        %dma_start3A_157 = arith.constant 0 : i32
        %dma_start3A_158 = tpu.memref_slice %arg6[%add3A_155, %dma_start3A_157] : memref<10240x128xf32, #tpu.memory_space<hbm>> -> memref<64x128xf32, #tpu.memory_space<hbm>>
        tpu.enqueue_dma source(%arg10 : memref<64x128xf32, #tpu.memory_space<vmem>>) target(%dma_start3A_158 : memref<64x128xf32, #tpu.memory_space<hbm>>) target_semaphore(%run_scoped3A : memref<!tpu.dma_semaphore, #tpu.memory_space<semaphore_mem>>)
        %dma_wait3A = arith.constant 0 : i32
        %dma_wait3A_159 = tpu.memref_slice %arg6[%add3A_155, %dma_wait3A] : memref<10240x128xf32, #tpu.memory_space<hbm>> -> memref<64x128xf32, #tpu.memory_space<hbm>>
        %dma_wait3A_160 = arith.constant 0 : i32
        %dma_wait3A_161 = tpu.memref_slice %arg6[%add3A_155, %dma_wait3A_160] : memref<10240x128xf32, #tpu.memory_space<hbm>> -> memref<64x128xf32, #tpu.memory_space<hbm>>
        tpu.wait_dma2 semaphore(%run_scoped3A : memref<!tpu.dma_semaphore, #tpu.memory_space<semaphore_mem>>) src(%arg10 : memref<64x128xf32, #tpu.memory_space<vmem>>) dst(%dma_wait3A_161 : memref<64x128xf32, #tpu.memory_space<hbm>>)
        tpu.yield
      }) : () -> ()
    } else {
    }
    return
  }
}

#map = affine_map<(d0, d1) -> (0)>
#map1 = affine_map<(d0, d1) -> (0, 0)>
module attributes {stable_mosaic.version = 14 : i64} {
  func.func @conv(%arg0: i32, %arg1: i32, %arg2: memref<320000xi32, #tpu.memory_space<hbm>>, %arg3: memref<320000xi32, #tpu.memory_space<hbm>>, %arg4: memref<10000x128xf32, #tpu.memory_space<hbm>>, %arg5: memref<10000x128xf32, #tpu.memory_space<hbm>>, %arg6: memref<10240x128xf32, #tpu.memory_space<hbm>>, %arg7: memref<10240x128xf32, #tpu.memory_space<hbm>>, %arg8: memref<80xi32, #tpu.memory_space<vmem>>, %arg9: memref<80xi32, #tpu.memory_space<vmem>>, %arg10: memref<80x128xf32, #tpu.memory_space<vmem>>, %arg11: memref<64x128xf32, #tpu.memory_space<vmem>>, %arg12: memref<!tpu.dma_semaphore, #tpu.memory_space<semaphore_mem>>, %arg13: memref<10240x128xf32, #tpu.memory_space<vmem_shared>>) attributes {dimension_semantics = [#tpu.dimension_semantics<core_parallel>, #tpu.dimension_semantics<subcore_parallel>], iteration_bounds = array<i64: 2, 16>, scalar_prefetch = 0 : i64, scratch_operands = 6 : i64, tpu.core_type = #tpu.core_type<sc_vector_subcore>, window_params = [{transform_indices = #map}, {transform_indices = #map}, {transform_indices = #map1}, {transform_indices = #map1}, {transform_indices = #map1}, {transform_indices = #map1}]} {
    %scan3A = arith.constant 0 : i32
    %scan3A_0 = arith.constant 0 : i32
    %scan3A_1 = arith.constant 64 : i32
    %scan3A_2 = arith.addi %scan3A_0, %scan3A_1 : i32
    %scan3A_3 = arith.constant 1 : i32
    scf.for %scan3A_153 = %scan3A_0 to %scan3A_2 step %scan3A_3  : i32 {
      %scan3A_154 = arith.constant 0 : i32
      %scan3A_155 = arith.constant 8 : i32
      %scan3A_156 = arith.addi %scan3A_154, %scan3A_155 : i32
      %scan3A_157 = arith.constant 1 : i32
      scf.for %scan3A_159 = %scan3A_154 to %scan3A_156 step %scan3A_157  : i32 {
        %broadcast_in_dim3A = arith.constant 0.000000e+00 : f32
        %broadcast_in_dim3A_160 = vector.broadcast %broadcast_in_dim3A : f32 to vector<16xf32>
        %mul3A_161 = arith.constant 16 : i32
        %mul3A_162 = arith.muli %scan3A_159, %mul3A_161 : i32
        %swap3A = arith.index_cast %scan3A_153 : i32 to index
        %swap3A_163 = arith.index_cast %mul3A_162 : i32 to index
        %swap3A_164 = tpu.vector_load %arg11[%swap3A, %swap3A_163] {strides = array<i32>} : memref<64x128xf32, #tpu.memory_space<vmem>>, vector<1x16xf32>,
        %swap3A_165 = vector.shape_cast %swap3A_164 : vector<1x16xf32> to vector<16xf32>
        %swap3A_166 = vector.shape_cast %broadcast_in_dim3A_160 : vector<16xf32> to vector<1x16xf32>
        tpu.vector_store %arg11[%swap3A, %swap3A_163], %swap3A_166 {strides = array<i32>} : memref<64x128xf32, #tpu.memory_space<vmem>>, vector<1x16xf32>,
      }
      %scan3A_158 = arith.constant 8 : i32
    }
    %scan3A_4 = arith.constant 64 : i32
    %mul3A = arith.constant 640 : i32
    %mul3A_5 = arith.muli %arg1, %mul3A : i32
    %add3A = arith.constant 0 : i32
    %add3A_6 = arith.addi %mul3A_5, %add3A : i32
    "tpu.region"() ({
      %run_scoped3A = tpu.sem_alloc : memref<!tpu.dma_semaphore, #tpu.memory_space<semaphore_mem>>
      %dma_start3A = arith.constant 0 : i32
      %dma_start3A_153 = tpu.memref_slice %arg13[%add3A_6, %dma_start3A] : memref<10240x128xf32, #tpu.memory_space<vmem_shared>> -> memref<64x128xf32, #tpu.memory_space<vmem_shared>>
      %dma_start3A_154 = arith.constant 0 : i32
      %dma_start3A_155 = tpu.memref_slice %arg13[%add3A_6, %dma_start3A_154] : memref<10240x128xf32, #tpu.memory_space<vmem_shared>> -> memref<64x128xf32, #tpu.memory_space<vmem_shared>>
      tpu.enqueue_dma source(%arg11 : memref<64x128xf32, #tpu.memory_space<vmem>>) target(%dma_start3A_155 : memref<64x128xf32, #tpu.memory_space<vmem_shared>>) target_semaphore(%run_scoped3A : memref<!tpu.dma_semaphore, #tpu.memory_space<semaphore_mem>>)
      %dma_wait3A = arith.constant 0 : i32
      %dma_wait3A_156 = tpu.memref_slice %arg13[%add3A_6, %dma_wait3A] : memref<10240x128xf32, #tpu.memory_space<vmem_shared>> -> memref<64x128xf32, #tpu.memory_space<vmem_shared>>
      %dma_wait3A_157 = arith.constant 0 : i32
      %dma_wait3A_158 = tpu.memref_slice %arg13[%add3A_6, %dma_wait3A_157] : memref<10240x128xf32, #tpu.memory_space<vmem_shared>> -> memref<64x128xf32, #tpu.memory_space<vmem_shared>>
      tpu.wait_dma2 semaphore(%run_scoped3A : memref<!tpu.dma_semaphore, #tpu.memory_space<semaphore_mem>>) src(%arg11 : memref<64x128xf32, #tpu.memory_space<vmem>>) dst(%dma_wait3A_158 : memref<64x128xf32, #tpu.memory_space<vmem_shared>>)
      tpu.yield
    }) : () -> ()
    %add3A_7 = arith.constant 64 : i32
    %add3A_8 = arith.addi %mul3A_5, %add3A_7 : i32
    "tpu.region"() ({
      %run_scoped3A = tpu.sem_alloc : memref<!tpu.dma_semaphore, #tpu.memory_space<semaphore_mem>>
      %dma_start3A = arith.constant 0 : i32
      %dma_start3A_153 = tpu.memref_slice %arg13[%add3A_8, %dma_start3A] : memref<10240x128xf32, #tpu.memory_space<vmem_shared>> -> memref<64x128xf32, #tpu.memory_space<vmem_shared>>
      %dma_start3A_154 = arith.constant 0 : i32
      %dma_start3A_155 = tpu.memref_slice %arg13[%add3A_8, %dma_start3A_154] : memref<10240x128xf32, #tpu.memory_space<vmem_shared>> -> memref<64x128xf32, #tpu.memory_space<vmem_shared>>
      tpu.enqueue_dma source(%arg11 : memref<64x128xf32, #tpu.memory_space<vmem>>) target(%dma_start3A_155 : memref<64x128xf32, #tpu.memory_space<vmem_shared>>) target_semaphore(%run_scoped3A : memref<!tpu.dma_semaphore, #tpu.memory_space<semaphore_mem>>)
      %dma_wait3A = arith.constant 0 : i32
      %dma_wait3A_156 = tpu.memref_slice %arg13[%add3A_8, %dma_wait3A] : memref<10240x128xf32, #tpu.memory_space<vmem_shared>> -> memref<64x128xf32, #tpu.memory_space<vmem_shared>>
      %dma_wait3A_157 = arith.constant 0 : i32
      %dma_wait3A_158 = tpu.memref_slice %arg13[%add3A_8, %dma_wait3A_157] : memref<10240x128xf32, #tpu.memory_space<vmem_shared>> -> memref<64x128xf32, #tpu.memory_space<vmem_shared>>
      tpu.wait_dma2 semaphore(%run_scoped3A : memref<!tpu.dma_semaphore, #tpu.memory_space<semaphore_mem>>) src(%arg11 : memref<64x128xf32, #tpu.memory_space<vmem>>) dst(%dma_wait3A_158 : memref<64x128xf32, #tpu.memory_space<vmem_shared>>)
      tpu.yield
    }) : () -> ()
    %add3A_9 = arith.constant 128 : i32
    %add3A_10 = arith.addi %mul3A_5, %add3A_9 : i32
    "tpu.region"() ({
      %run_scoped3A = tpu.sem_alloc : memref<!tpu.dma_semaphore, #tpu.memory_space<semaphore_mem>>
      %dma_start3A = arith.constant 0 : i32
      %dma_start3A_153 = tpu.memref_slice %arg13[%add3A_10, %dma_start3A] : memref<10240x128xf32, #tpu.memory_space<vmem_shared>> -> memref<64x128xf32, #tpu.memory_space<vmem_shared>>
      %dma_start3A_154 = arith.constant 0 : i32
      %dma_start3A_155 = tpu.memref_slice %arg13[%add3A_10, %dma_start3A_154] : memref<10240x128xf32, #tpu.memory_space<vmem_shared>> -> memref<64x128xf32, #tpu.memory_space<vmem_shared>>
      tpu.enqueue_dma source(%arg11 : memref<64x128xf32, #tpu.memory_space<vmem>>) target(%dma_start3A_155 : memref<64x128xf32, #tpu.memory_space<vmem_shared>>) target_semaphore(%run_scoped3A : memref<!tpu.dma_semaphore, #tpu.memory_space<semaphore_mem>>)
      %dma_wait3A = arith.constant 0 : i32
      %dma_wait3A_156 = tpu.memref_slice %arg13[%add3A_10, %dma_wait3A] : memref<10240x128xf32, #tpu.memory_space<vmem_shared>> -> memref<64x128xf32, #tpu.memory_space<vmem_shared>>
      %dma_wait3A_157 = arith.constant 0 : i32
      %dma_wait3A_158 = tpu.memref_slice %arg13[%add3A_10, %dma_wait3A_157] : memref<10240x128xf32, #tpu.memory_space<vmem_shared>> -> memref<64x128xf32, #tpu.memory_space<vmem_shared>>
      tpu.wait_dma2 semaphore(%run_scoped3A : memref<!tpu.dma_semaphore, #tpu.memory_space<semaphore_mem>>) src(%arg11 : memref<64x128xf32, #tpu.memory_space<vmem>>) dst(%dma_wait3A_158 : memref<64x128xf32, #tpu.memory_space<vmem_shared>>)
      tpu.yield
    }) : () -> ()
    %add3A_11 = arith.constant 192 : i32
    %add3A_12 = arith.addi %mul3A_5, %add3A_11 : i32
    "tpu.region"() ({
      %run_scoped3A = tpu.sem_alloc : memref<!tpu.dma_semaphore, #tpu.memory_space<semaphore_mem>>
      %dma_start3A = arith.constant 0 : i32
      %dma_start3A_153 = tpu.memref_slice %arg13[%add3A_12, %dma_start3A] : memref<10240x128xf32, #tpu.memory_space<vmem_shared>> -> memref<64x128xf32, #tpu.memory_space<vmem_shared>>
      %dma_start3A_154 = arith.constant 0 : i32
      %dma_start3A_155 = tpu.memref_slice %arg13[%add3A_12, %dma_start3A_154] : memref<10240x128xf32, #tpu.memory_space<vmem_shared>> -> memref<64x128xf32, #tpu.memory_space<vmem_shared>>
      tpu.enqueue_dma source(%arg11 : memref<64x128xf32, #tpu.memory_space<vmem>>) target(%dma_start3A_155 : memref<64x128xf32, #tpu.memory_space<vmem_shared>>) target_semaphore(%run_scoped3A : memref<!tpu.dma_semaphore, #tpu.memory_space<semaphore_mem>>)
      %dma_wait3A = arith.constant 0 : i32
      %dma_wait3A_156 = tpu.memref_slice %arg13[%add3A_12, %dma_wait3A] : memref<10240x128xf32, #tpu.memory_space<vmem_shared>> -> memref<64x128xf32, #tpu.memory_space<vmem_shared>>
      %dma_wait3A_157 = arith.constant 0 : i32
      %dma_wait3A_158 = tpu.memref_slice %arg13[%add3A_12, %dma_wait3A_157] : memref<10240x128xf32, #tpu.memory_space<vmem_shared>> -> memref<64x128xf32, #tpu.memory_space<vmem_shared>>
      tpu.wait_dma2 semaphore(%run_scoped3A : memref<!tpu.dma_semaphore, #tpu.memory_space<semaphore_mem>>) src(%arg11 : memref<64x128xf32, #tpu.memory_space<vmem>>) dst(%dma_wait3A_158 : memref<64x128xf32, #tpu.memory_space<vmem_shared>>)
      tpu.yield
    }) : () -> ()
    %add3A_13 = arith.constant 256 : i32
    %add3A_14 = arith.addi %mul3A_5, %add3A_13 : i32
    "tpu.region"() ({
      %run_scoped3A = tpu.sem_alloc : memref<!tpu.dma_semaphore, #tpu.memory_space<semaphore_mem>>
      %dma_start3A = arith.constant 0 : i32
      %dma_start3A_153 = tpu.memref_slice %arg13[%add3A_14, %dma_start3A] : memref<10240x128xf32, #tpu.memory_space<vmem_shared>> -> memref<64x128xf32, #tpu.memory_space<vmem_shared>>
      %dma_start3A_154 = arith.constant 0 : i32
      %dma_start3A_155 = tpu.memref_slice %arg13[%add3A_14, %dma_start3A_154] : memref<10240x128xf32, #tpu.memory_space<vmem_shared>> -> memref<64x128xf32, #tpu.memory_space<vmem_shared>>
      tpu.enqueue_dma source(%arg11 : memref<64x128xf32, #tpu.memory_space<vmem>>) target(%dma_start3A_155 : memref<64x128xf32, #tpu.memory_space<vmem_shared>>) target_semaphore(%run_scoped3A : memref<!tpu.dma_semaphore, #tpu.memory_space<semaphore_mem>>)
      %dma_wait3A = arith.constant 0 : i32
      %dma_wait3A_156 = tpu.memref_slice %arg13[%add3A_14, %dma_wait3A] : memref<10240x128xf32, #tpu.memory_space<vmem_shared>> -> memref<64x128xf32, #tpu.memory_space<vmem_shared>>
      %dma_wait3A_157 = arith.constant 0 : i32
      %dma_wait3A_158 = tpu.memref_slice %arg13[%add3A_14, %dma_wait3A_157] : memref<10240x128xf32, #tpu.memory_space<vmem_shared>> -> memref<64x128xf32, #tpu.memory_space<vmem_shared>>
      tpu.wait_dma2 semaphore(%run_scoped3A : memref<!tpu.dma_semaphore, #tpu.memory_space<semaphore_mem>>) src(%arg11 : memref<64x128xf32, #tpu.memory_space<vmem>>) dst(%dma_wait3A_158 : memref<64x128xf32, #tpu.memory_space<vmem_shared>>)
      tpu.yield
    }) : () -> ()
    %add3A_15 = arith.constant 320 : i32
    %add3A_16 = arith.addi %mul3A_5, %add3A_15 : i32
    "tpu.region"() ({
      %run_scoped3A = tpu.sem_alloc : memref<!tpu.dma_semaphore, #tpu.memory_space<semaphore_mem>>
      %dma_start3A = arith.constant 0 : i32
      %dma_start3A_153 = tpu.memref_slice %arg13[%add3A_16, %dma_start3A] : memref<10240x128xf32, #tpu.memory_space<vmem_shared>> -> memref<64x128xf32, #tpu.memory_space<vmem_shared>>
      %dma_start3A_154 = arith.constant 0 : i32
      %dma_start3A_155 = tpu.memref_slice %arg13[%add3A_16, %dma_start3A_154] : memref<10240x128xf32, #tpu.memory_space<vmem_shared>> -> memref<64x128xf32, #tpu.memory_space<vmem_shared>>
      tpu.enqueue_dma source(%arg11 : memref<64x128xf32, #tpu.memory_space<vmem>>) target(%dma_start3A_155 : memref<64x128xf32, #tpu.memory_space<vmem_shared>>) target_semaphore(%run_scoped3A : memref<!tpu.dma_semaphore, #tpu.memory_space<semaphore_mem>>)
      %dma_wait3A = arith.constant 0 : i32
      %dma_wait3A_156 = tpu.memref_slice %arg13[%add3A_16, %dma_wait3A] : memref<10240x128xf32, #tpu.memory_space<vmem_shared>> -> memref<64x128xf32, #tpu.memory_space<vmem_shared>>
      %dma_wait3A_157 = arith.constant 0 : i32
      %dma_wait3A_158 = tpu.memref_slice %arg13[%add3A_16, %dma_wait3A_157] : memref<10240x128xf32, #tpu.memory_space<vmem_shared>> -> memref<64x128xf32, #tpu.memory_space<vmem_shared>>
      tpu.wait_dma2 semaphore(%run_scoped3A : memref<!tpu.dma_semaphore, #tpu.memory_space<semaphore_mem>>) src(%arg11 : memref<64x128xf32, #tpu.memory_space<vmem>>) dst(%dma_wait3A_158 : memref<64x128xf32, #tpu.memory_space<vmem_shared>>)
      tpu.yield
    }) : () -> ()
    %add3A_17 = arith.constant 384 : i32
    %add3A_18 = arith.addi %mul3A_5, %add3A_17 : i32
    "tpu.region"() ({
      %run_scoped3A = tpu.sem_alloc : memref<!tpu.dma_semaphore, #tpu.memory_space<semaphore_mem>>
      %dma_start3A = arith.constant 0 : i32
      %dma_start3A_153 = tpu.memref_slice %arg13[%add3A_18, %dma_start3A] : memref<10240x128xf32, #tpu.memory_space<vmem_shared>> -> memref<64x128xf32, #tpu.memory_space<vmem_shared>>
      %dma_start3A_154 = arith.constant 0 : i32
      %dma_start3A_155 = tpu.memref_slice %arg13[%add3A_18, %dma_start3A_154] : memref<10240x128xf32, #tpu.memory_space<vmem_shared>> -> memref<64x128xf32, #tpu.memory_space<vmem_shared>>
      tpu.enqueue_dma source(%arg11 : memref<64x128xf32, #tpu.memory_space<vmem>>) target(%dma_start3A_155 : memref<64x128xf32, #tpu.memory_space<vmem_shared>>) target_semaphore(%run_scoped3A : memref<!tpu.dma_semaphore, #tpu.memory_space<semaphore_mem>>)
      %dma_wait3A = arith.constant 0 : i32
      %dma_wait3A_156 = tpu.memref_slice %arg13[%add3A_18, %dma_wait3A] : memref<10240x128xf32, #tpu.memory_space<vmem_shared>> -> memref<64x128xf32, #tpu.memory_space<vmem_shared>>
      %dma_wait3A_157 = arith.constant 0 : i32
      %dma_wait3A_158 = tpu.memref_slice %arg13[%add3A_18, %dma_wait3A_157] : memref<10240x128xf32, #tpu.memory_space<vmem_shared>> -> memref<64x128xf32, #tpu.memory_space<vmem_shared>>
      tpu.wait_dma2 semaphore(%run_scoped3A : memref<!tpu.dma_semaphore, #tpu.memory_space<semaphore_mem>>) src(%arg11 : memref<64x128xf32, #tpu.memory_space<vmem>>) dst(%dma_wait3A_158 : memref<64x128xf32, #tpu.memory_space<vmem_shared>>)
      tpu.yield
    }) : () -> ()
    %add3A_19 = arith.constant 448 : i32
    %add3A_20 = arith.addi %mul3A_5, %add3A_19 : i32
    "tpu.region"() ({
      %run_scoped3A = tpu.sem_alloc : memref<!tpu.dma_semaphore, #tpu.memory_space<semaphore_mem>>
      %dma_start3A = arith.constant 0 : i32
      %dma_start3A_153 = tpu.memref_slice %arg13[%add3A_20, %dma_start3A] : memref<10240x128xf32, #tpu.memory_space<vmem_shared>> -> memref<64x128xf32, #tpu.memory_space<vmem_shared>>
      %dma_start3A_154 = arith.constant 0 : i32
      %dma_start3A_155 = tpu.memref_slice %arg13[%add3A_20, %dma_start3A_154] : memref<10240x128xf32, #tpu.memory_space<vmem_shared>> -> memref<64x128xf32, #tpu.memory_space<vmem_shared>>
      tpu.enqueue_dma source(%arg11 : memref<64x128xf32, #tpu.memory_space<vmem>>) target(%dma_start3A_155 : memref<64x128xf32, #tpu.memory_space<vmem_shared>>) target_semaphore(%run_scoped3A : memref<!tpu.dma_semaphore, #tpu.memory_space<semaphore_mem>>)
      %dma_wait3A = arith.constant 0 : i32
      %dma_wait3A_156 = tpu.memref_slice %arg13[%add3A_20, %dma_wait3A] : memref<10240x128xf32, #tpu.memory_space<vmem_shared>> -> memref<64x128xf32, #tpu.memory_space<vmem_shared>>
      %dma_wait3A_157 = arith.constant 0 : i32
      %dma_wait3A_158 = tpu.memref_slice %arg13[%add3A_20, %dma_wait3A_157] : memref<10240x128xf32, #tpu.memory_space<vmem_shared>> -> memref<64x128xf32, #tpu.memory_space<vmem_shared>>
      tpu.wait_dma2 semaphore(%run_scoped3A : memref<!tpu.dma_semaphore, #tpu.memory_space<semaphore_mem>>) src(%arg11 : memref<64x128xf32, #tpu.memory_space<vmem>>) dst(%dma_wait3A_158 : memref<64x128xf32, #tpu.memory_space<vmem_shared>>)
      tpu.yield
    }) : () -> ()
    %add3A_21 = arith.constant 512 : i32
    %add3A_22 = arith.addi %mul3A_5, %add3A_21 : i32
    "tpu.region"() ({
      %run_scoped3A = tpu.sem_alloc : memref<!tpu.dma_semaphore, #tpu.memory_space<semaphore_mem>>
      %dma_start3A = arith.constant 0 : i32
      %dma_start3A_153 = tpu.memref_slice %arg13[%add3A_22, %dma_start3A] : memref<10240x128xf32, #tpu.memory_space<vmem_shared>> -> memref<64x128xf32, #tpu.memory_space<vmem_shared>>
      %dma_start3A_154 = arith.constant 0 : i32
      %dma_start3A_155 = tpu.memref_slice %arg13[%add3A_22, %dma_start3A_154] : memref<10240x128xf32, #tpu.memory_space<vmem_shared>> -> memref<64x128xf32, #tpu.memory_space<vmem_shared>>
      tpu.enqueue_dma source(%arg11 : memref<64x128xf32, #tpu.memory_space<vmem>>) target(%dma_start3A_155 : memref<64x128xf32, #tpu.memory_space<vmem_shared>>) target_semaphore(%run_scoped3A : memref<!tpu.dma_semaphore, #tpu.memory_space<semaphore_mem>>)
      %dma_wait3A = arith.constant 0 : i32
      %dma_wait3A_156 = tpu.memref_slice %arg13[%add3A_22, %dma_wait3A] : memref<10240x128xf32, #tpu.memory_space<vmem_shared>> -> memref<64x128xf32, #tpu.memory_space<vmem_shared>>
      %dma_wait3A_157 = arith.constant 0 : i32
      %dma_wait3A_158 = tpu.memref_slice %arg13[%add3A_22, %dma_wait3A_157] : memref<10240x128xf32, #tpu.memory_space<vmem_shared>> -> memref<64x128xf32, #tpu.memory_space<vmem_shared>>
      tpu.wait_dma2 semaphore(%run_scoped3A : memref<!tpu.dma_semaphore, #tpu.memory_space<semaphore_mem>>) src(%arg11 : memref<64x128xf32, #tpu.memory_space<vmem>>) dst(%dma_wait3A_158 : memref<64x128xf32, #tpu.memory_space<vmem_shared>>)
      tpu.yield
    }) : () -> ()
    %add3A_23 = arith.constant 576 : i32
    %add3A_24 = arith.addi %mul3A_5, %add3A_23 : i32
    "tpu.region"() ({
      %run_scoped3A = tpu.sem_alloc : memref<!tpu.dma_semaphore, #tpu.memory_space<semaphore_mem>>
      %dma_start3A = arith.constant 0 : i32
      %dma_start3A_153 = tpu.memref_slice %arg13[%add3A_24, %dma_start3A] : memref<10240x128xf32, #tpu.memory_space<vmem_shared>> -> memref<64x128xf32, #tpu.memory_space<vmem_shared>>
      %dma_start3A_154 = arith.constant 0 : i32
      %dma_start3A_155 = tpu.memref_slice %arg13[%add3A_24, %dma_start3A_154] : memref<10240x128xf32, #tpu.memory_space<vmem_shared>> -> memref<64x128xf32, #tpu.memory_space<vmem_shared>>
      tpu.enqueue_dma source(%arg11 : memref<64x128xf32, #tpu.memory_space<vmem>>) target(%dma_start3A_155 : memref<64x128xf32, #tpu.memory_space<vmem_shared>>) target_semaphore(%run_scoped3A : memref<!tpu.dma_semaphore, #tpu.memory_space<semaphore_mem>>)
      %dma_wait3A = arith.constant 0 : i32
      %dma_wait3A_156 = tpu.memref_slice %arg13[%add3A_24, %dma_wait3A] : memref<10240x128xf32, #tpu.memory_space<vmem_shared>> -> memref<64x128xf32, #tpu.memory_space<vmem_shared>>
      %dma_wait3A_157 = arith.constant 0 : i32
      %dma_wait3A_158 = tpu.memref_slice %arg13[%add3A_24, %dma_wait3A_157] : memref<10240x128xf32, #tpu.memory_space<vmem_shared>> -> memref<64x128xf32, #tpu.memory_space<vmem_shared>>
      tpu.wait_dma2 semaphore(%run_scoped3A : memref<!tpu.dma_semaphore, #tpu.memory_space<semaphore_mem>>) src(%arg11 : memref<64x128xf32, #tpu.memory_space<vmem>>) dst(%dma_wait3A_158 : memref<64x128xf32, #tpu.memory_space<vmem_shared>>)
      tpu.yield
    }) : () -> ()
    %barrier3A = arith.constant 0 : index
    tpu.barrier barrier_id(%barrier3A)
    %eq3A = arith.constant 0 : i32
    %eq3A_25 = arith.cmpi eq, %arg0, %eq3A : i32
    %convert_element_type3A = arith.extui %eq3A_25 : i1 to i32
    %cond3A = arith.constant 0 : i32
    %cond3A_26 = arith.cmpi ne, %convert_element_type3A, %cond3A : i32
    scf.if %cond3A_26 {
      %mul3A_153 = arith.constant 20000 : i32
      %mul3A_154 = arith.muli %arg1, %mul3A_153 : i32
      %scan3A_155 = arith.constant 0 : i32
      %scan3A_156 = arith.constant 0 : i32
      %scan3A_157 = arith.constant 250 : i32
      %scan3A_158 = arith.addi %scan3A_156, %scan3A_157 : i32
      %scan3A_159 = arith.constant 1 : i32
      scf.for %scan3A_161 = %scan3A_156 to %scan3A_158 step %scan3A_159  : i32 {
        %mul3A_162 = arith.constant 80 : i32
        %mul3A_163 = arith.muli %scan3A_161, %mul3A_162 : i32
        %add3A_164 = arith.addi %mul3A_154, %mul3A_163 : i32
        "tpu.region"() ({
          %run_scoped3A = tpu.sem_alloc : memref<!tpu.dma_semaphore, #tpu.memory_space<semaphore_mem>>
          %dma_start3A_169 = tpu.memref_slice %arg2[%add3A_164] : memref<320000xi32, #tpu.memory_space<hbm>> -> memref<80xi32, #tpu.memory_space<hbm>>
          %dma_start3A_170 = tpu.memref_slice %arg2[%add3A_164] : memref<320000xi32, #tpu.memory_space<hbm>> -> memref<80xi32, #tpu.memory_space<hbm>>
          tpu.enqueue_dma source(%dma_start3A_170 : memref<80xi32, #tpu.memory_space<hbm>>) target(%arg8 : memref<80xi32, #tpu.memory_space<vmem>>) target_semaphore(%run_scoped3A : memref<!tpu.dma_semaphore, #tpu.memory_space<semaphore_mem>>)
          %dma_wait3A_171 = tpu.memref_slice %arg2[%add3A_164] : memref<320000xi32, #tpu.memory_space<hbm>> -> memref<80xi32, #tpu.memory_space<hbm>>
          %dma_wait3A_172 = tpu.memref_slice %arg2[%add3A_164] : memref<320000xi32, #tpu.memory_space<hbm>> -> memref<80xi32, #tpu.memory_space<hbm>>
          tpu.wait_dma2 semaphore(%run_scoped3A : memref<!tpu.dma_semaphore, #tpu.memory_space<semaphore_mem>>) src(%dma_wait3A_172 : memref<80xi32, #tpu.memory_space<hbm>>) dst(%arg8 : memref<80xi32, #tpu.memory_space<vmem>>)
          tpu.yield
        }) : () -> ()
        "tpu.region"() ({
          %run_scoped3A = tpu.sem_alloc : memref<!tpu.dma_semaphore, #tpu.memory_space<semaphore_mem>>
          %dma_start3A_169 = tpu.memref_slice %arg3[%add3A_164] : memref<320000xi32, #tpu.memory_space<hbm>> -> memref<80xi32, #tpu.memory_space<hbm>>
          %dma_start3A_170 = tpu.memref_slice %arg3[%add3A_164] : memref<320000xi32, #tpu.memory_space<hbm>> -> memref<80xi32, #tpu.memory_space<hbm>>
          tpu.enqueue_dma source(%dma_start3A_170 : memref<80xi32, #tpu.memory_space<hbm>>) target(%arg9 : memref<80xi32, #tpu.memory_space<vmem>>) target_semaphore(%run_scoped3A : memref<!tpu.dma_semaphore, #tpu.memory_space<semaphore_mem>>)
          %dma_wait3A_171 = tpu.memref_slice %arg3[%add3A_164] : memref<320000xi32, #tpu.memory_space<hbm>> -> memref<80xi32, #tpu.memory_space<hbm>>
          %dma_wait3A_172 = tpu.memref_slice %arg3[%add3A_164] : memref<320000xi32, #tpu.memory_space<hbm>> -> memref<80xi32, #tpu.memory_space<hbm>>
          tpu.wait_dma2 semaphore(%run_scoped3A : memref<!tpu.dma_semaphore, #tpu.memory_space<semaphore_mem>>) src(%dma_wait3A_172 : memref<80xi32, #tpu.memory_space<hbm>>) dst(%arg9 : memref<80xi32, #tpu.memory_space<vmem>>)
          tpu.yield
        }) : () -> ()
        %dma_start3A = arith.constant 0 : i32
        %dma_start3A_165 = arith.constant 0 : i32
        %dma_start3A_166 = tpu.memref_slice %arg4[%dma_start3A, %dma_start3A_165] : memref<10000x128xf32, #tpu.memory_space<hbm>> -> memref<10000x128xf32, #tpu.memory_space<hbm>>
        tpu.enqueue_indirect_dma source(%dma_start3A_166 : memref<10000x128xf32, #tpu.memory_space<hbm>>) target(%arg10 : memref<80x128xf32, #tpu.memory_space<vmem>>) offsets(%arg8 : memref<80xi32, #tpu.memory_space<vmem>>) semaphore(%arg12 : memref<!tpu.dma_semaphore, #tpu.memory_space<semaphore_mem>>)
        %dma_wait3A = arith.constant 0 : i32
        %dma_wait3A_167 = arith.constant 0 : i32
        %dma_wait3A_168 = tpu.memref_slice %arg4[%dma_wait3A, %dma_wait3A_167] : memref<10000x128xf32, #tpu.memory_space<hbm>> -> memref<10000x128xf32, #tpu.memory_space<hbm>>
        tpu.wait_indirect_dma semaphore(%arg12 : memref<!tpu.dma_semaphore, #tpu.memory_space<semaphore_mem>>) src(%dma_wait3A_168 : memref<10000x128xf32, #tpu.memory_space<hbm>>) dst(%arg10 : memref<80x128xf32, #tpu.memory_space<vmem>>)
        "tpu.region"() ({
          %run_scoped3A = tpu.sem_alloc : memref<!tpu.dma_semaphore, #tpu.memory_space<semaphore_mem>>
          %dma_start3A_169 = arith.constant 0 : i32
          %dma_start3A_170 = arith.constant 0 : i32
          %dma_start3A_171 = tpu.memref_slice %arg13[%dma_start3A_169, %dma_start3A_170] : memref<10240x128xf32, #tpu.memory_space<vmem_shared>> -> memref<10240x128xf32, #tpu.memory_space<vmem_shared>>
          tpu.enqueue_indirect_dma source(%arg10 : memref<80x128xf32, #tpu.memory_space<vmem>>) target(%dma_start3A_171 : memref<10240x128xf32, #tpu.memory_space<vmem_shared>>) offsets(%arg9 : memref<80xi32, #tpu.memory_space<vmem>>) semaphore(%run_scoped3A : memref<!tpu.dma_semaphore, #tpu.memory_space<semaphore_mem>>) {add = true}
          %dma_wait3A_172 = arith.constant 0 : i32
          %dma_wait3A_173 = arith.constant 0 : i32
          %dma_wait3A_174 = tpu.memref_slice %arg13[%dma_wait3A_172, %dma_wait3A_173] : memref<10240x128xf32, #tpu.memory_space<vmem_shared>> -> memref<10240x128xf32, #tpu.memory_space<vmem_shared>>
          tpu.wait_indirect_dma semaphore(%run_scoped3A : memref<!tpu.dma_semaphore, #tpu.memory_space<semaphore_mem>>) src(%arg10 : memref<80x128xf32, #tpu.memory_space<vmem>>) dst(%dma_wait3A_174 : memref<10240x128xf32, #tpu.memory_space<vmem_shared>>)
          tpu.yield
        }) : () -> ()
      }
      %scan3A_160 = arith.constant 250 : i32
    } else {
    }
    %eq3A_27 = arith.constant 1 : i32
    %eq3A_28 = arith.cmpi eq, %arg0, %eq3A_27 : i32
    %convert_element_type3A_29 = arith.extui %eq3A_28 : i1 to i32
    %cond3A_30 = arith.constant 0 : i32
    %cond3A_31 = arith.cmpi ne, %convert_element_type3A_29, %cond3A_30 : i32
    scf.if %cond3A_31 {
      %mul3A_153 = arith.constant 20000 : i32
      %mul3A_154 = arith.muli %arg1, %mul3A_153 : i32
      %scan3A_155 = arith.constant 0 : i32
      %scan3A_156 = arith.constant 0 : i32
      %scan3A_157 = arith.constant 250 : i32
      %scan3A_158 = arith.addi %scan3A_156, %scan3A_157 : i32
      %scan3A_159 = arith.constant 1 : i32
      scf.for %scan3A_161 = %scan3A_156 to %scan3A_158 step %scan3A_159  : i32 {
        %mul3A_162 = arith.constant 80 : i32
        %mul3A_163 = arith.muli %scan3A_161, %mul3A_162 : i32
        %add3A_164 = arith.addi %mul3A_154, %mul3A_163 : i32
        "tpu.region"() ({
          %run_scoped3A = tpu.sem_alloc : memref<!tpu.dma_semaphore, #tpu.memory_space<semaphore_mem>>
          %dma_start3A_169 = tpu.memref_slice %arg2[%add3A_164] : memref<320000xi32, #tpu.memory_space<hbm>> -> memref<80xi32, #tpu.memory_space<hbm>>
          %dma_start3A_170 = tpu.memref_slice %arg2[%add3A_164] : memref<320000xi32, #tpu.memory_space<hbm>> -> memref<80xi32, #tpu.memory_space<hbm>>
          tpu.enqueue_dma source(%dma_start3A_170 : memref<80xi32, #tpu.memory_space<hbm>>) target(%arg8 : memref<80xi32, #tpu.memory_space<vmem>>) target_semaphore(%run_scoped3A : memref<!tpu.dma_semaphore, #tpu.memory_space<semaphore_mem>>)
          %dma_wait3A_171 = tpu.memref_slice %arg2[%add3A_164] : memref<320000xi32, #tpu.memory_space<hbm>> -> memref<80xi32, #tpu.memory_space<hbm>>
          %dma_wait3A_172 = tpu.memref_slice %arg2[%add3A_164] : memref<320000xi32, #tpu.memory_space<hbm>> -> memref<80xi32, #tpu.memory_space<hbm>>
          tpu.wait_dma2 semaphore(%run_scoped3A : memref<!tpu.dma_semaphore, #tpu.memory_space<semaphore_mem>>) src(%dma_wait3A_172 : memref<80xi32, #tpu.memory_space<hbm>>) dst(%arg8 : memref<80xi32, #tpu.memory_space<vmem>>)
          tpu.yield
        }) : () -> ()
        "tpu.region"() ({
          %run_scoped3A = tpu.sem_alloc : memref<!tpu.dma_semaphore, #tpu.memory_space<semaphore_mem>>
          %dma_start3A_169 = tpu.memref_slice %arg3[%add3A_164] : memref<320000xi32, #tpu.memory_space<hbm>> -> memref<80xi32, #tpu.memory_space<hbm>>
          %dma_start3A_170 = tpu.memref_slice %arg3[%add3A_164] : memref<320000xi32, #tpu.memory_space<hbm>> -> memref<80xi32, #tpu.memory_space<hbm>>
          tpu.enqueue_dma source(%dma_start3A_170 : memref<80xi32, #tpu.memory_space<hbm>>) target(%arg9 : memref<80xi32, #tpu.memory_space<vmem>>) target_semaphore(%run_scoped3A : memref<!tpu.dma_semaphore, #tpu.memory_space<semaphore_mem>>)
          %dma_wait3A_171 = tpu.memref_slice %arg3[%add3A_164] : memref<320000xi32, #tpu.memory_space<hbm>> -> memref<80xi32, #tpu.memory_space<hbm>>
          %dma_wait3A_172 = tpu.memref_slice %arg3[%add3A_164] : memref<320000xi32, #tpu.memory_space<hbm>> -> memref<80xi32, #tpu.memory_space<hbm>>
          tpu.wait_dma2 semaphore(%run_scoped3A : memref<!tpu.dma_semaphore, #tpu.memory_space<semaphore_mem>>) src(%dma_wait3A_172 : memref<80xi32, #tpu.memory_space<hbm>>) dst(%arg9 : memref<80xi32, #tpu.memory_space<vmem>>)
          tpu.yield
        }) : () -> ()
        %dma_start3A = arith.constant 0 : i32
        %dma_start3A_165 = arith.constant 0 : i32
        %dma_start3A_166 = tpu.memref_slice %arg5[%dma_start3A, %dma_start3A_165] : memref<10000x128xf32, #tpu.memory_space<hbm>> -> memref<10000x128xf32, #tpu.memory_space<hbm>>
        tpu.enqueue_indirect_dma source(%dma_start3A_166 : memref<10000x128xf32, #tpu.memory_space<hbm>>) target(%arg10 : memref<80x128xf32, #tpu.memory_space<vmem>>) offsets(%arg8 : memref<80xi32, #tpu.memory_space<vmem>>) semaphore(%arg12 : memref<!tpu.dma_semaphore, #tpu.memory_space<semaphore_mem>>)
        %dma_wait3A = arith.constant 0 : i32
        %dma_wait3A_167 = arith.constant 0 : i32
        %dma_wait3A_168 = tpu.memref_slice %arg5[%dma_wait3A, %dma_wait3A_167] : memref<10000x128xf32, #tpu.memory_space<hbm>> -> memref<10000x128xf32, #tpu.memory_space<hbm>>
        tpu.wait_indirect_dma semaphore(%arg12 : memref<!tpu.dma_semaphore, #tpu.memory_space<semaphore_mem>>) src(%dma_wait3A_168 : memref<10000x128xf32, #tpu.memory_space<hbm>>) dst(%arg10 : memref<80x128xf32, #tpu.memory_space<vmem>>)
        "tpu.region"() ({
          %run_scoped3A = tpu.sem_alloc : memref<!tpu.dma_semaphore, #tpu.memory_space<semaphore_mem>>
          %dma_start3A_169 = arith.constant 0 : i32
          %dma_start3A_170 = arith.constant 0 : i32
          %dma_start3A_171 = tpu.memref_slice %arg13[%dma_start3A_169, %dma_start3A_170] : memref<10240x128xf32, #tpu.memory_space<vmem_shared>> -> memref<10240x128xf32, #tpu.memory_space<vmem_shared>>
          tpu.enqueue_indirect_dma source(%arg10 : memref<80x128xf32, #tpu.memory_space<vmem>>) target(%dma_start3A_171 : memref<10240x128xf32, #tpu.memory_space<vmem_shared>>) offsets(%arg9 : memref<80xi32, #tpu.memory_space<vmem>>) semaphore(%run_scoped3A : memref<!tpu.dma_semaphore, #tpu.memory_space<semaphore_mem>>) {add = true}
          %dma_wait3A_172 = arith.constant 0 : i32
          %dma_wait3A_173 = arith.constant 0 : i32
          %dma_wait3A_174 = tpu.memref_slice %arg13[%dma_wait3A_172, %dma_wait3A_173] : memref<10240x128xf32, #tpu.memory_space<vmem_shared>> -> memref<10240x128xf32, #tpu.memory_space<vmem_shared>>
          tpu.wait_indirect_dma semaphore(%run_scoped3A : memref<!tpu.dma_semaphore, #tpu.memory_space<semaphore_mem>>) src(%arg10 : memref<80x128xf32, #tpu.memory_space<vmem>>) dst(%dma_wait3A_174 : memref<10240x128xf32, #tpu.memory_space<vmem_shared>>)
          tpu.yield
        }) : () -> ()
      }
      %scan3A_160 = arith.constant 250 : i32
    } else {
    }
    %barrier3A_32 = arith.constant 0 : index
    tpu.barrier barrier_id(%barrier3A_32)
    %add3A_33 = arith.constant 0 : i32
    %add3A_34 = arith.addi %mul3A_5, %add3A_33 : i32
    "tpu.region"() ({
      %run_scoped3A = tpu.sem_alloc : memref<!tpu.dma_semaphore, #tpu.memory_space<semaphore_mem>>
      %dma_start3A = arith.constant 0 : i32
      %dma_start3A_153 = tpu.memref_slice %arg13[%add3A_34, %dma_start3A] : memref<10240x128xf32, #tpu.memory_space<vmem_shared>> -> memref<64x128xf32, #tpu.memory_space<vmem_shared>>
      %dma_start3A_154 = arith.constant 0 : i32
      %dma_start3A_155 = tpu.memref_slice %arg13[%add3A_34, %dma_start3A_154] : memref<10240x128xf32, #tpu.memory_space<vmem_shared>> -> memref<64x128xf32, #tpu.memory_space<vmem_shared>>
      tpu.enqueue_dma source(%dma_start3A_155 : memref<64x128xf32, #tpu.memory_space<vmem_shared>>) target(%arg11 : memref<64x128xf32, #tpu.memory_space<vmem>>) target_semaphore(%run_scoped3A : memref<!tpu.dma_semaphore, #tpu.memory_space<semaphore_mem>>)
      %dma_wait3A = arith.constant 0 : i32
      %dma_wait3A_156 = tpu.memref_slice %arg13[%add3A_34, %dma_wait3A] : memref<10240x128xf32, #tpu.memory_space<vmem_shared>> -> memref<64x128xf32, #tpu.memory_space<vmem_shared>>
      %dma_wait3A_157 = arith.constant 0 : i32
      %dma_wait3A_158 = tpu.memref_slice %arg13[%add3A_34, %dma_wait3A_157] : memref<10240x128xf32, #tpu.memory_space<vmem_shared>> -> memref<64x128xf32, #tpu.memory_space<vmem_shared>>
      tpu.wait_dma2 semaphore(%run_scoped3A : memref<!tpu.dma_semaphore, #tpu.memory_space<semaphore_mem>>) src(%dma_wait3A_158 : memref<64x128xf32, #tpu.memory_space<vmem_shared>>) dst(%arg11 : memref<64x128xf32, #tpu.memory_space<vmem>>)
      tpu.yield
    }) : () -> ()
    %eq3A_35 = arith.constant 0 : i32
    %eq3A_36 = arith.cmpi eq, %arg0, %eq3A_35 : i32
    %convert_element_type3A_37 = arith.extui %eq3A_36 : i1 to i32
    %cond3A_38 = arith.constant 0 : i32
    %cond3A_39 = arith.cmpi ne, %convert_element_type3A_37, %cond3A_38 : i32
    scf.if %cond3A_39 {
      %add3A_153 = arith.constant 0 : i32
      %add3A_154 = arith.addi %mul3A_5, %add3A_153 : i32
      "tpu.region"() ({
        %run_scoped3A = tpu.sem_alloc : memref<!tpu.dma_semaphore, #tpu.memory_space<semaphore_mem>>
        %dma_start3A = arith.constant 0 : i32
        %dma_start3A_155 = tpu.memref_slice %arg6[%add3A_154, %dma_start3A] : memref<10240x128xf32, #tpu.memory_space<hbm>> -> memref<64x128xf32, #tpu.memory_space<hbm>>
        %dma_start3A_156 = arith.constant 0 : i32
        %dma_start3A_157 = tpu.memref_slice %arg6[%add3A_154, %dma_start3A_156] : memref<10240x128xf32, #tpu.memory_space<hbm>> -> memref<64x128xf32, #tpu.memory_space<hbm>>
        tpu.enqueue_dma source(%arg11 : memref<64x128xf32, #tpu.memory_space<vmem>>) target(%dma_start3A_157 : memref<64x128xf32, #tpu.memory_space<hbm>>) target_semaphore(%run_scoped3A : memref<!tpu.dma_semaphore, #tpu.memory_space<semaphore_mem>>)
        %dma_wait3A = arith.constant 0 : i32
        %dma_wait3A_158 = tpu.memref_slice %arg6[%add3A_154, %dma_wait3A] : memref<10240x128xf32, #tpu.memory_space<hbm>> -> memref<64x128xf32, #tpu.memory_space<hbm>>
        %dma_wait3A_159 = arith.constant 0 : i32
        %dma_wait3A_160 = tpu.memref_slice %arg6[%add3A_154, %dma_wait3A_159] : memref<10240x128xf32, #tpu.memory_space<hbm>> -> memref<64x128xf32, #tpu.memory_space<hbm>>
        tpu.wait_dma2 semaphore(%run_scoped3A : memref<!tpu.dma_semaphore, #tpu.memory_space<semaphore_mem>>) src(%arg11 : memref<64x128xf32, #tpu.memory_space<vmem>>) dst(%dma_wait3A_160 : memref<64x128xf32, #tpu.memory_space<hbm>>)
        tpu.yield
      }) : () -> ()
    } else {
    }
    %eq3A_40 = arith.constant 1 : i32
    %eq3A_41 = arith.cmpi eq, %arg0, %eq3A_40 : i32
    %convert_element_type3A_42 = arith.extui %eq3A_41 : i1 to i32
    %cond3A_43 = arith.constant 0 : i32
    %cond3A_44 = arith.cmpi ne, %convert_element_type3A_42, %cond3A_43 : i32
    scf.if %cond3A_44 {
      %add3A_153 = arith.constant 0 : i32
      %add3A_154 = arith.addi %mul3A_5, %add3A_153 : i32
      "tpu.region"() ({
        %run_scoped3A = tpu.sem_alloc : memref<!tpu.dma_semaphore, #tpu.memory_space<semaphore_mem>>
        %dma_start3A = arith.constant 0 : i32
        %dma_start3A_155 = tpu.memref_slice %arg7[%add3A_154, %dma_start3A] : memref<10240x128xf32, #tpu.memory_space<hbm>> -> memref<64x128xf32, #tpu.memory_space<hbm>>
        %dma_start3A_156 = arith.constant 0 : i32
        %dma_start3A_157 = tpu.memref_slice %arg7[%add3A_154, %dma_start3A_156] : memref<10240x128xf32, #tpu.memory_space<hbm>> -> memref<64x128xf32, #tpu.memory_space<hbm>>
        tpu.enqueue_dma source(%arg11 : memref<64x128xf32, #tpu.memory_space<vmem>>) target(%dma_start3A_157 : memref<64x128xf32, #tpu.memory_space<hbm>>) target_semaphore(%run_scoped3A : memref<!tpu.dma_semaphore, #tpu.memory_space<semaphore_mem>>)
        %dma_wait3A = arith.constant 0 : i32
        %dma_wait3A_158 = tpu.memref_slice %arg7[%add3A_154, %dma_wait3A] : memref<10240x128xf32, #tpu.memory_space<hbm>> -> memref<64x128xf32, #tpu.memory_space<hbm>>
        %dma_wait3A_159 = arith.constant 0 : i32
        %dma_wait3A_160 = tpu.memref_slice %arg7[%add3A_154, %dma_wait3A_159] : memref<10240x128xf32, #tpu.memory_space<hbm>> -> memref<64x128xf32, #tpu.memory_space<hbm>>
        tpu.wait_dma2 semaphore(%run_scoped3A : memref<!tpu.dma_semaphore, #tpu.memory_space<semaphore_mem>>) src(%arg11 : memref<64x128xf32, #tpu.memory_space<vmem>>) dst(%dma_wait3A_160 : memref<64x128xf32, #tpu.memory_space<hbm>>)
        tpu.yield
      }) : () -> ()
    } else {
    }
    %add3A_45 = arith.constant 64 : i32
    %add3A_46 = arith.addi %mul3A_5, %add3A_45 : i32
    "tpu.region"() ({
      %run_scoped3A = tpu.sem_alloc : memref<!tpu.dma_semaphore, #tpu.memory_space<semaphore_mem>>
      %dma_start3A = arith.constant 0 : i32
      %dma_start3A_153 = tpu.memref_slice %arg13[%add3A_46, %dma_start3A] : memref<10240x128xf32, #tpu.memory_space<vmem_shared>> -> memref<64x128xf32, #tpu.memory_space<vmem_shared>>
      %dma_start3A_154 = arith.constant 0 : i32
      %dma_start3A_155 = tpu.memref_slice %arg13[%add3A_46, %dma_start3A_154] : memref<10240x128xf32, #tpu.memory_space<vmem_shared>> -> memref<64x128xf32, #tpu.memory_space<vmem_shared>>
      tpu.enqueue_dma source(%dma_start3A_155 : memref<64x128xf32, #tpu.memory_space<vmem_shared>>) target(%arg11 : memref<64x128xf32, #tpu.memory_space<vmem>>) target_semaphore(%run_scoped3A : memref<!tpu.dma_semaphore, #tpu.memory_space<semaphore_mem>>)
      %dma_wait3A = arith.constant 0 : i32
      %dma_wait3A_156 = tpu.memref_slice %arg13[%add3A_46, %dma_wait3A] : memref<10240x128xf32, #tpu.memory_space<vmem_shared>> -> memref<64x128xf32, #tpu.memory_space<vmem_shared>>
      %dma_wait3A_157 = arith.constant 0 : i32
      %dma_wait3A_158 = tpu.memref_slice %arg13[%add3A_46, %dma_wait3A_157] : memref<10240x128xf32, #tpu.memory_space<vmem_shared>> -> memref<64x128xf32, #tpu.memory_space<vmem_shared>>
      tpu.wait_dma2 semaphore(%run_scoped3A : memref<!tpu.dma_semaphore, #tpu.memory_space<semaphore_mem>>) src(%dma_wait3A_158 : memref<64x128xf32, #tpu.memory_space<vmem_shared>>) dst(%arg11 : memref<64x128xf32, #tpu.memory_space<vmem>>)
      tpu.yield
    }) : () -> ()
    %eq3A_47 = arith.constant 0 : i32
    %eq3A_48 = arith.cmpi eq, %arg0, %eq3A_47 : i32
    %convert_element_type3A_49 = arith.extui %eq3A_48 : i1 to i32
    %cond3A_50 = arith.constant 0 : i32
    %cond3A_51 = arith.cmpi ne, %convert_element_type3A_49, %cond3A_50 : i32
    scf.if %cond3A_51 {
      %add3A_153 = arith.constant 64 : i32
      %add3A_154 = arith.addi %mul3A_5, %add3A_153 : i32
      "tpu.region"() ({
        %run_scoped3A = tpu.sem_alloc : memref<!tpu.dma_semaphore, #tpu.memory_space<semaphore_mem>>
        %dma_start3A = arith.constant 0 : i32
        %dma_start3A_155 = tpu.memref_slice %arg6[%add3A_154, %dma_start3A] : memref<10240x128xf32, #tpu.memory_space<hbm>> -> memref<64x128xf32, #tpu.memory_space<hbm>>
        %dma_start3A_156 = arith.constant 0 : i32
        %dma_start3A_157 = tpu.memref_slice %arg6[%add3A_154, %dma_start3A_156] : memref<10240x128xf32, #tpu.memory_space<hbm>> -> memref<64x128xf32, #tpu.memory_space<hbm>>
        tpu.enqueue_dma source(%arg11 : memref<64x128xf32, #tpu.memory_space<vmem>>) target(%dma_start3A_157 : memref<64x128xf32, #tpu.memory_space<hbm>>) target_semaphore(%run_scoped3A : memref<!tpu.dma_semaphore, #tpu.memory_space<semaphore_mem>>)
        %dma_wait3A = arith.constant 0 : i32
        %dma_wait3A_158 = tpu.memref_slice %arg6[%add3A_154, %dma_wait3A] : memref<10240x128xf32, #tpu.memory_space<hbm>> -> memref<64x128xf32, #tpu.memory_space<hbm>>
        %dma_wait3A_159 = arith.constant 0 : i32
        %dma_wait3A_160 = tpu.memref_slice %arg6[%add3A_154, %dma_wait3A_159] : memref<10240x128xf32, #tpu.memory_space<hbm>> -> memref<64x128xf32, #tpu.memory_space<hbm>>
        tpu.wait_dma2 semaphore(%run_scoped3A : memref<!tpu.dma_semaphore, #tpu.memory_space<semaphore_mem>>) src(%arg11 : memref<64x128xf32, #tpu.memory_space<vmem>>) dst(%dma_wait3A_160 : memref<64x128xf32, #tpu.memory_space<hbm>>)
        tpu.yield
      }) : () -> ()
    } else {
    }
    %eq3A_52 = arith.constant 1 : i32
    %eq3A_53 = arith.cmpi eq, %arg0, %eq3A_52 : i32
    %convert_element_type3A_54 = arith.extui %eq3A_53 : i1 to i32
    %cond3A_55 = arith.constant 0 : i32
    %cond3A_56 = arith.cmpi ne, %convert_element_type3A_54, %cond3A_55 : i32
    scf.if %cond3A_56 {
      %add3A_153 = arith.constant 64 : i32
      %add3A_154 = arith.addi %mul3A_5, %add3A_153 : i32
      "tpu.region"() ({
        %run_scoped3A = tpu.sem_alloc : memref<!tpu.dma_semaphore, #tpu.memory_space<semaphore_mem>>
        %dma_start3A = arith.constant 0 : i32
        %dma_start3A_155 = tpu.memref_slice %arg7[%add3A_154, %dma_start3A] : memref<10240x128xf32, #tpu.memory_space<hbm>> -> memref<64x128xf32, #tpu.memory_space<hbm>>
        %dma_start3A_156 = arith.constant 0 : i32
        %dma_start3A_157 = tpu.memref_slice %arg7[%add3A_154, %dma_start3A_156] : memref<10240x128xf32, #tpu.memory_space<hbm>> -> memref<64x128xf32, #tpu.memory_space<hbm>>
        tpu.enqueue_dma source(%arg11 : memref<64x128xf32, #tpu.memory_space<vmem>>) target(%dma_start3A_157 : memref<64x128xf32, #tpu.memory_space<hbm>>) target_semaphore(%run_scoped3A : memref<!tpu.dma_semaphore, #tpu.memory_space<semaphore_mem>>)
        %dma_wait3A = arith.constant 0 : i32
        %dma_wait3A_158 = tpu.memref_slice %arg7[%add3A_154, %dma_wait3A] : memref<10240x128xf32, #tpu.memory_space<hbm>> -> memref<64x128xf32, #tpu.memory_space<hbm>>
        %dma_wait3A_159 = arith.constant 0 : i32
        %dma_wait3A_160 = tpu.memref_slice %arg7[%add3A_154, %dma_wait3A_159] : memref<10240x128xf32, #tpu.memory_space<hbm>> -> memref<64x128xf32, #tpu.memory_space<hbm>>
        tpu.wait_dma2 semaphore(%run_scoped3A : memref<!tpu.dma_semaphore, #tpu.memory_space<semaphore_mem>>) src(%arg11 : memref<64x128xf32, #tpu.memory_space<vmem>>) dst(%dma_wait3A_160 : memref<64x128xf32, #tpu.memory_space<hbm>>)
        tpu.yield
      }) : () -> ()
    } else {
    }
    %add3A_57 = arith.constant 128 : i32
    %add3A_58 = arith.addi %mul3A_5, %add3A_57 : i32
    "tpu.region"() ({
      %run_scoped3A = tpu.sem_alloc : memref<!tpu.dma_semaphore, #tpu.memory_space<semaphore_mem>>
      %dma_start3A = arith.constant 0 : i32
      %dma_start3A_153 = tpu.memref_slice %arg13[%add3A_58, %dma_start3A] : memref<10240x128xf32, #tpu.memory_space<vmem_shared>> -> memref<64x128xf32, #tpu.memory_space<vmem_shared>>
      %dma_start3A_154 = arith.constant 0 : i32
      %dma_start3A_155 = tpu.memref_slice %arg13[%add3A_58, %dma_start3A_154] : memref<10240x128xf32, #tpu.memory_space<vmem_shared>> -> memref<64x128xf32, #tpu.memory_space<vmem_shared>>
      tpu.enqueue_dma source(%dma_start3A_155 : memref<64x128xf32, #tpu.memory_space<vmem_shared>>) target(%arg11 : memref<64x128xf32, #tpu.memory_space<vmem>>) target_semaphore(%run_scoped3A : memref<!tpu.dma_semaphore, #tpu.memory_space<semaphore_mem>>)
      %dma_wait3A = arith.constant 0 : i32
      %dma_wait3A_156 = tpu.memref_slice %arg13[%add3A_58, %dma_wait3A] : memref<10240x128xf32, #tpu.memory_space<vmem_shared>> -> memref<64x128xf32, #tpu.memory_space<vmem_shared>>
      %dma_wait3A_157 = arith.constant 0 : i32
      %dma_wait3A_158 = tpu.memref_slice %arg13[%add3A_58, %dma_wait3A_157] : memref<10240x128xf32, #tpu.memory_space<vmem_shared>> -> memref<64x128xf32, #tpu.memory_space<vmem_shared>>
      tpu.wait_dma2 semaphore(%run_scoped3A : memref<!tpu.dma_semaphore, #tpu.memory_space<semaphore_mem>>) src(%dma_wait3A_158 : memref<64x128xf32, #tpu.memory_space<vmem_shared>>) dst(%arg11 : memref<64x128xf32, #tpu.memory_space<vmem>>)
      tpu.yield
    }) : () -> ()
    %eq3A_59 = arith.constant 0 : i32
    %eq3A_60 = arith.cmpi eq, %arg0, %eq3A_59 : i32
    %convert_element_type3A_61 = arith.extui %eq3A_60 : i1 to i32
    %cond3A_62 = arith.constant 0 : i32
    %cond3A_63 = arith.cmpi ne, %convert_element_type3A_61, %cond3A_62 : i32
    scf.if %cond3A_63 {
      %add3A_153 = arith.constant 128 : i32
      %add3A_154 = arith.addi %mul3A_5, %add3A_153 : i32
      "tpu.region"() ({
        %run_scoped3A = tpu.sem_alloc : memref<!tpu.dma_semaphore, #tpu.memory_space<semaphore_mem>>
        %dma_start3A = arith.constant 0 : i32
        %dma_start3A_155 = tpu.memref_slice %arg6[%add3A_154, %dma_start3A] : memref<10240x128xf32, #tpu.memory_space<hbm>> -> memref<64x128xf32, #tpu.memory_space<hbm>>
        %dma_start3A_156 = arith.constant 0 : i32
        %dma_start3A_157 = tpu.memref_slice %arg6[%add3A_154, %dma_start3A_156] : memref<10240x128xf32, #tpu.memory_space<hbm>> -> memref<64x128xf32, #tpu.memory_space<hbm>>
        tpu.enqueue_dma source(%arg11 : memref<64x128xf32, #tpu.memory_space<vmem>>) target(%dma_start3A_157 : memref<64x128xf32, #tpu.memory_space<hbm>>) target_semaphore(%run_scoped3A : memref<!tpu.dma_semaphore, #tpu.memory_space<semaphore_mem>>)
        %dma_wait3A = arith.constant 0 : i32
        %dma_wait3A_158 = tpu.memref_slice %arg6[%add3A_154, %dma_wait3A] : memref<10240x128xf32, #tpu.memory_space<hbm>> -> memref<64x128xf32, #tpu.memory_space<hbm>>
        %dma_wait3A_159 = arith.constant 0 : i32
        %dma_wait3A_160 = tpu.memref_slice %arg6[%add3A_154, %dma_wait3A_159] : memref<10240x128xf32, #tpu.memory_space<hbm>> -> memref<64x128xf32, #tpu.memory_space<hbm>>
        tpu.wait_dma2 semaphore(%run_scoped3A : memref<!tpu.dma_semaphore, #tpu.memory_space<semaphore_mem>>) src(%arg11 : memref<64x128xf32, #tpu.memory_space<vmem>>) dst(%dma_wait3A_160 : memref<64x128xf32, #tpu.memory_space<hbm>>)
        tpu.yield
      }) : () -> ()
    } else {
    }
    %eq3A_64 = arith.constant 1 : i32
    %eq3A_65 = arith.cmpi eq, %arg0, %eq3A_64 : i32
    %convert_element_type3A_66 = arith.extui %eq3A_65 : i1 to i32
    %cond3A_67 = arith.constant 0 : i32
    %cond3A_68 = arith.cmpi ne, %convert_element_type3A_66, %cond3A_67 : i32
    scf.if %cond3A_68 {
      %add3A_153 = arith.constant 128 : i32
      %add3A_154 = arith.addi %mul3A_5, %add3A_153 : i32
      "tpu.region"() ({
        %run_scoped3A = tpu.sem_alloc : memref<!tpu.dma_semaphore, #tpu.memory_space<semaphore_mem>>
        %dma_start3A = arith.constant 0 : i32
        %dma_start3A_155 = tpu.memref_slice %arg7[%add3A_154, %dma_start3A] : memref<10240x128xf32, #tpu.memory_space<hbm>> -> memref<64x128xf32, #tpu.memory_space<hbm>>
        %dma_start3A_156 = arith.constant 0 : i32
        %dma_start3A_157 = tpu.memref_slice %arg7[%add3A_154, %dma_start3A_156] : memref<10240x128xf32, #tpu.memory_space<hbm>> -> memref<64x128xf32, #tpu.memory_space<hbm>>
        tpu.enqueue_dma source(%arg11 : memref<64x128xf32, #tpu.memory_space<vmem>>) target(%dma_start3A_157 : memref<64x128xf32, #tpu.memory_space<hbm>>) target_semaphore(%run_scoped3A : memref<!tpu.dma_semaphore, #tpu.memory_space<semaphore_mem>>)
        %dma_wait3A = arith.constant 0 : i32
        %dma_wait3A_158 = tpu.memref_slice %arg7[%add3A_154, %dma_wait3A] : memref<10240x128xf32, #tpu.memory_space<hbm>> -> memref<64x128xf32, #tpu.memory_space<hbm>>
        %dma_wait3A_159 = arith.constant 0 : i32
        %dma_wait3A_160 = tpu.memref_slice %arg7[%add3A_154, %dma_wait3A_159] : memref<10240x128xf32, #tpu.memory_space<hbm>> -> memref<64x128xf32, #tpu.memory_space<hbm>>
        tpu.wait_dma2 semaphore(%run_scoped3A : memref<!tpu.dma_semaphore, #tpu.memory_space<semaphore_mem>>) src(%arg11 : memref<64x128xf32, #tpu.memory_space<vmem>>) dst(%dma_wait3A_160 : memref<64x128xf32, #tpu.memory_space<hbm>>)
        tpu.yield
      }) : () -> ()
    } else {
    }
    %add3A_69 = arith.constant 192 : i32
    %add3A_70 = arith.addi %mul3A_5, %add3A_69 : i32
    "tpu.region"() ({
      %run_scoped3A = tpu.sem_alloc : memref<!tpu.dma_semaphore, #tpu.memory_space<semaphore_mem>>
      %dma_start3A = arith.constant 0 : i32
      %dma_start3A_153 = tpu.memref_slice %arg13[%add3A_70, %dma_start3A] : memref<10240x128xf32, #tpu.memory_space<vmem_shared>> -> memref<64x128xf32, #tpu.memory_space<vmem_shared>>
      %dma_start3A_154 = arith.constant 0 : i32
      %dma_start3A_155 = tpu.memref_slice %arg13[%add3A_70, %dma_start3A_154] : memref<10240x128xf32, #tpu.memory_space<vmem_shared>> -> memref<64x128xf32, #tpu.memory_space<vmem_shared>>
      tpu.enqueue_dma source(%dma_start3A_155 : memref<64x128xf32, #tpu.memory_space<vmem_shared>>) target(%arg11 : memref<64x128xf32, #tpu.memory_space<vmem>>) target_semaphore(%run_scoped3A : memref<!tpu.dma_semaphore, #tpu.memory_space<semaphore_mem>>)
      %dma_wait3A = arith.constant 0 : i32
      %dma_wait3A_156 = tpu.memref_slice %arg13[%add3A_70, %dma_wait3A] : memref<10240x128xf32, #tpu.memory_space<vmem_shared>> -> memref<64x128xf32, #tpu.memory_space<vmem_shared>>
      %dma_wait3A_157 = arith.constant 0 : i32
      %dma_wait3A_158 = tpu.memref_slice %arg13[%add3A_70, %dma_wait3A_157] : memref<10240x128xf32, #tpu.memory_space<vmem_shared>> -> memref<64x128xf32, #tpu.memory_space<vmem_shared>>
      tpu.wait_dma2 semaphore(%run_scoped3A : memref<!tpu.dma_semaphore, #tpu.memory_space<semaphore_mem>>) src(%dma_wait3A_158 : memref<64x128xf32, #tpu.memory_space<vmem_shared>>) dst(%arg11 : memref<64x128xf32, #tpu.memory_space<vmem>>)
      tpu.yield
    }) : () -> ()
    %eq3A_71 = arith.constant 0 : i32
    %eq3A_72 = arith.cmpi eq, %arg0, %eq3A_71 : i32
    %convert_element_type3A_73 = arith.extui %eq3A_72 : i1 to i32
    %cond3A_74 = arith.constant 0 : i32
    %cond3A_75 = arith.cmpi ne, %convert_element_type3A_73, %cond3A_74 : i32
    scf.if %cond3A_75 {
      %add3A_153 = arith.constant 192 : i32
      %add3A_154 = arith.addi %mul3A_5, %add3A_153 : i32
      "tpu.region"() ({
        %run_scoped3A = tpu.sem_alloc : memref<!tpu.dma_semaphore, #tpu.memory_space<semaphore_mem>>
        %dma_start3A = arith.constant 0 : i32
        %dma_start3A_155 = tpu.memref_slice %arg6[%add3A_154, %dma_start3A] : memref<10240x128xf32, #tpu.memory_space<hbm>> -> memref<64x128xf32, #tpu.memory_space<hbm>>
        %dma_start3A_156 = arith.constant 0 : i32
        %dma_start3A_157 = tpu.memref_slice %arg6[%add3A_154, %dma_start3A_156] : memref<10240x128xf32, #tpu.memory_space<hbm>> -> memref<64x128xf32, #tpu.memory_space<hbm>>
        tpu.enqueue_dma source(%arg11 : memref<64x128xf32, #tpu.memory_space<vmem>>) target(%dma_start3A_157 : memref<64x128xf32, #tpu.memory_space<hbm>>) target_semaphore(%run_scoped3A : memref<!tpu.dma_semaphore, #tpu.memory_space<semaphore_mem>>)
        %dma_wait3A = arith.constant 0 : i32
        %dma_wait3A_158 = tpu.memref_slice %arg6[%add3A_154, %dma_wait3A] : memref<10240x128xf32, #tpu.memory_space<hbm>> -> memref<64x128xf32, #tpu.memory_space<hbm>>
        %dma_wait3A_159 = arith.constant 0 : i32
        %dma_wait3A_160 = tpu.memref_slice %arg6[%add3A_154, %dma_wait3A_159] : memref<10240x128xf32, #tpu.memory_space<hbm>> -> memref<64x128xf32, #tpu.memory_space<hbm>>
        tpu.wait_dma2 semaphore(%run_scoped3A : memref<!tpu.dma_semaphore, #tpu.memory_space<semaphore_mem>>) src(%arg11 : memref<64x128xf32, #tpu.memory_space<vmem>>) dst(%dma_wait3A_160 : memref<64x128xf32, #tpu.memory_space<hbm>>)
        tpu.yield
      }) : () -> ()
    } else {
    }
    %eq3A_76 = arith.constant 1 : i32
    %eq3A_77 = arith.cmpi eq, %arg0, %eq3A_76 : i32
    %convert_element_type3A_78 = arith.extui %eq3A_77 : i1 to i32
    %cond3A_79 = arith.constant 0 : i32
    %cond3A_80 = arith.cmpi ne, %convert_element_type3A_78, %cond3A_79 : i32
    scf.if %cond3A_80 {
      %add3A_153 = arith.constant 192 : i32
      %add3A_154 = arith.addi %mul3A_5, %add3A_153 : i32
      "tpu.region"() ({
        %run_scoped3A = tpu.sem_alloc : memref<!tpu.dma_semaphore, #tpu.memory_space<semaphore_mem>>
        %dma_start3A = arith.constant 0 : i32
        %dma_start3A_155 = tpu.memref_slice %arg7[%add3A_154, %dma_start3A] : memref<10240x128xf32, #tpu.memory_space<hbm>> -> memref<64x128xf32, #tpu.memory_space<hbm>>
        %dma_start3A_156 = arith.constant 0 : i32
        %dma_start3A_157 = tpu.memref_slice %arg7[%add3A_154, %dma_start3A_156] : memref<10240x128xf32, #tpu.memory_space<hbm>> -> memref<64x128xf32, #tpu.memory_space<hbm>>
        tpu.enqueue_dma source(%arg11 : memref<64x128xf32, #tpu.memory_space<vmem>>) target(%dma_start3A_157 : memref<64x128xf32, #tpu.memory_space<hbm>>) target_semaphore(%run_scoped3A : memref<!tpu.dma_semaphore, #tpu.memory_space<semaphore_mem>>)
        %dma_wait3A = arith.constant 0 : i32
        %dma_wait3A_158 = tpu.memref_slice %arg7[%add3A_154, %dma_wait3A] : memref<10240x128xf32, #tpu.memory_space<hbm>> -> memref<64x128xf32, #tpu.memory_space<hbm>>
        %dma_wait3A_159 = arith.constant 0 : i32
        %dma_wait3A_160 = tpu.memref_slice %arg7[%add3A_154, %dma_wait3A_159] : memref<10240x128xf32, #tpu.memory_space<hbm>> -> memref<64x128xf32, #tpu.memory_space<hbm>>
        tpu.wait_dma2 semaphore(%run_scoped3A : memref<!tpu.dma_semaphore, #tpu.memory_space<semaphore_mem>>) src(%arg11 : memref<64x128xf32, #tpu.memory_space<vmem>>) dst(%dma_wait3A_160 : memref<64x128xf32, #tpu.memory_space<hbm>>)
        tpu.yield
      }) : () -> ()
    } else {
    }
    %add3A_81 = arith.constant 256 : i32
    %add3A_82 = arith.addi %mul3A_5, %add3A_81 : i32
    "tpu.region"() ({
      %run_scoped3A = tpu.sem_alloc : memref<!tpu.dma_semaphore, #tpu.memory_space<semaphore_mem>>
      %dma_start3A = arith.constant 0 : i32
      %dma_start3A_153 = tpu.memref_slice %arg13[%add3A_82, %dma_start3A] : memref<10240x128xf32, #tpu.memory_space<vmem_shared>> -> memref<64x128xf32, #tpu.memory_space<vmem_shared>>
      %dma_start3A_154 = arith.constant 0 : i32
      %dma_start3A_155 = tpu.memref_slice %arg13[%add3A_82, %dma_start3A_154] : memref<10240x128xf32, #tpu.memory_space<vmem_shared>> -> memref<64x128xf32, #tpu.memory_space<vmem_shared>>
      tpu.enqueue_dma source(%dma_start3A_155 : memref<64x128xf32, #tpu.memory_space<vmem_shared>>) target(%arg11 : memref<64x128xf32, #tpu.memory_space<vmem>>) target_semaphore(%run_scoped3A : memref<!tpu.dma_semaphore, #tpu.memory_space<semaphore_mem>>)
      %dma_wait3A = arith.constant 0 : i32
      %dma_wait3A_156 = tpu.memref_slice %arg13[%add3A_82, %dma_wait3A] : memref<10240x128xf32, #tpu.memory_space<vmem_shared>> -> memref<64x128xf32, #tpu.memory_space<vmem_shared>>
      %dma_wait3A_157 = arith.constant 0 : i32
      %dma_wait3A_158 = tpu.memref_slice %arg13[%add3A_82, %dma_wait3A_157] : memref<10240x128xf32, #tpu.memory_space<vmem_shared>> -> memref<64x128xf32, #tpu.memory_space<vmem_shared>>
      tpu.wait_dma2 semaphore(%run_scoped3A : memref<!tpu.dma_semaphore, #tpu.memory_space<semaphore_mem>>) src(%dma_wait3A_158 : memref<64x128xf32, #tpu.memory_space<vmem_shared>>) dst(%arg11 : memref<64x128xf32, #tpu.memory_space<vmem>>)
      tpu.yield
    }) : () -> ()
    %eq3A_83 = arith.constant 0 : i32
    %eq3A_84 = arith.cmpi eq, %arg0, %eq3A_83 : i32
    %convert_element_type3A_85 = arith.extui %eq3A_84 : i1 to i32
    %cond3A_86 = arith.constant 0 : i32
    %cond3A_87 = arith.cmpi ne, %convert_element_type3A_85, %cond3A_86 : i32
    scf.if %cond3A_87 {
      %add3A_153 = arith.constant 256 : i32
      %add3A_154 = arith.addi %mul3A_5, %add3A_153 : i32
      "tpu.region"() ({
        %run_scoped3A = tpu.sem_alloc : memref<!tpu.dma_semaphore, #tpu.memory_space<semaphore_mem>>
        %dma_start3A = arith.constant 0 : i32
        %dma_start3A_155 = tpu.memref_slice %arg6[%add3A_154, %dma_start3A] : memref<10240x128xf32, #tpu.memory_space<hbm>> -> memref<64x128xf32, #tpu.memory_space<hbm>>
        %dma_start3A_156 = arith.constant 0 : i32
        %dma_start3A_157 = tpu.memref_slice %arg6[%add3A_154, %dma_start3A_156] : memref<10240x128xf32, #tpu.memory_space<hbm>> -> memref<64x128xf32, #tpu.memory_space<hbm>>
        tpu.enqueue_dma source(%arg11 : memref<64x128xf32, #tpu.memory_space<vmem>>) target(%dma_start3A_157 : memref<64x128xf32, #tpu.memory_space<hbm>>) target_semaphore(%run_scoped3A : memref<!tpu.dma_semaphore, #tpu.memory_space<semaphore_mem>>)
        %dma_wait3A = arith.constant 0 : i32
        %dma_wait3A_158 = tpu.memref_slice %arg6[%add3A_154, %dma_wait3A] : memref<10240x128xf32, #tpu.memory_space<hbm>> -> memref<64x128xf32, #tpu.memory_space<hbm>>
        %dma_wait3A_159 = arith.constant 0 : i32
        %dma_wait3A_160 = tpu.memref_slice %arg6[%add3A_154, %dma_wait3A_159] : memref<10240x128xf32, #tpu.memory_space<hbm>> -> memref<64x128xf32, #tpu.memory_space<hbm>>
        tpu.wait_dma2 semaphore(%run_scoped3A : memref<!tpu.dma_semaphore, #tpu.memory_space<semaphore_mem>>) src(%arg11 : memref<64x128xf32, #tpu.memory_space<vmem>>) dst(%dma_wait3A_160 : memref<64x128xf32, #tpu.memory_space<hbm>>)
        tpu.yield
      }) : () -> ()
    } else {
    }
    %eq3A_88 = arith.constant 1 : i32
    %eq3A_89 = arith.cmpi eq, %arg0, %eq3A_88 : i32
    %convert_element_type3A_90 = arith.extui %eq3A_89 : i1 to i32
    %cond3A_91 = arith.constant 0 : i32
    %cond3A_92 = arith.cmpi ne, %convert_element_type3A_90, %cond3A_91 : i32
    scf.if %cond3A_92 {
      %add3A_153 = arith.constant 256 : i32
      %add3A_154 = arith.addi %mul3A_5, %add3A_153 : i32
      "tpu.region"() ({
        %run_scoped3A = tpu.sem_alloc : memref<!tpu.dma_semaphore, #tpu.memory_space<semaphore_mem>>
        %dma_start3A = arith.constant 0 : i32
        %dma_start3A_155 = tpu.memref_slice %arg7[%add3A_154, %dma_start3A] : memref<10240x128xf32, #tpu.memory_space<hbm>> -> memref<64x128xf32, #tpu.memory_space<hbm>>
        %dma_start3A_156 = arith.constant 0 : i32
        %dma_start3A_157 = tpu.memref_slice %arg7[%add3A_154, %dma_start3A_156] : memref<10240x128xf32, #tpu.memory_space<hbm>> -> memref<64x128xf32, #tpu.memory_space<hbm>>
        tpu.enqueue_dma source(%arg11 : memref<64x128xf32, #tpu.memory_space<vmem>>) target(%dma_start3A_157 : memref<64x128xf32, #tpu.memory_space<hbm>>) target_semaphore(%run_scoped3A : memref<!tpu.dma_semaphore, #tpu.memory_space<semaphore_mem>>)
        %dma_wait3A = arith.constant 0 : i32
        %dma_wait3A_158 = tpu.memref_slice %arg7[%add3A_154, %dma_wait3A] : memref<10240x128xf32, #tpu.memory_space<hbm>> -> memref<64x128xf32, #tpu.memory_space<hbm>>
        %dma_wait3A_159 = arith.constant 0 : i32
        %dma_wait3A_160 = tpu.memref_slice %arg7[%add3A_154, %dma_wait3A_159] : memref<10240x128xf32, #tpu.memory_space<hbm>> -> memref<64x128xf32, #tpu.memory_space<hbm>>
        tpu.wait_dma2 semaphore(%run_scoped3A : memref<!tpu.dma_semaphore, #tpu.memory_space<semaphore_mem>>) src(%arg11 : memref<64x128xf32, #tpu.memory_space<vmem>>) dst(%dma_wait3A_160 : memref<64x128xf32, #tpu.memory_space<hbm>>)
        tpu.yield
      }) : () -> ()
    } else {
    }
    %add3A_93 = arith.constant 320 : i32
    %add3A_94 = arith.addi %mul3A_5, %add3A_93 : i32
    "tpu.region"() ({
      %run_scoped3A = tpu.sem_alloc : memref<!tpu.dma_semaphore, #tpu.memory_space<semaphore_mem>>
      %dma_start3A = arith.constant 0 : i32
      %dma_start3A_153 = tpu.memref_slice %arg13[%add3A_94, %dma_start3A] : memref<10240x128xf32, #tpu.memory_space<vmem_shared>> -> memref<64x128xf32, #tpu.memory_space<vmem_shared>>
      %dma_start3A_154 = arith.constant 0 : i32
      %dma_start3A_155 = tpu.memref_slice %arg13[%add3A_94, %dma_start3A_154] : memref<10240x128xf32, #tpu.memory_space<vmem_shared>> -> memref<64x128xf32, #tpu.memory_space<vmem_shared>>
      tpu.enqueue_dma source(%dma_start3A_155 : memref<64x128xf32, #tpu.memory_space<vmem_shared>>) target(%arg11 : memref<64x128xf32, #tpu.memory_space<vmem>>) target_semaphore(%run_scoped3A : memref<!tpu.dma_semaphore, #tpu.memory_space<semaphore_mem>>)
      %dma_wait3A = arith.constant 0 : i32
      %dma_wait3A_156 = tpu.memref_slice %arg13[%add3A_94, %dma_wait3A] : memref<10240x128xf32, #tpu.memory_space<vmem_shared>> -> memref<64x128xf32, #tpu.memory_space<vmem_shared>>
      %dma_wait3A_157 = arith.constant 0 : i32
      %dma_wait3A_158 = tpu.memref_slice %arg13[%add3A_94, %dma_wait3A_157] : memref<10240x128xf32, #tpu.memory_space<vmem_shared>> -> memref<64x128xf32, #tpu.memory_space<vmem_shared>>
      tpu.wait_dma2 semaphore(%run_scoped3A : memref<!tpu.dma_semaphore, #tpu.memory_space<semaphore_mem>>) src(%dma_wait3A_158 : memref<64x128xf32, #tpu.memory_space<vmem_shared>>) dst(%arg11 : memref<64x128xf32, #tpu.memory_space<vmem>>)
      tpu.yield
    }) : () -> ()
    %eq3A_95 = arith.constant 0 : i32
    %eq3A_96 = arith.cmpi eq, %arg0, %eq3A_95 : i32
    %convert_element_type3A_97 = arith.extui %eq3A_96 : i1 to i32
    %cond3A_98 = arith.constant 0 : i32
    %cond3A_99 = arith.cmpi ne, %convert_element_type3A_97, %cond3A_98 : i32
    scf.if %cond3A_99 {
      %add3A_153 = arith.constant 320 : i32
      %add3A_154 = arith.addi %mul3A_5, %add3A_153 : i32
      "tpu.region"() ({
        %run_scoped3A = tpu.sem_alloc : memref<!tpu.dma_semaphore, #tpu.memory_space<semaphore_mem>>
        %dma_start3A = arith.constant 0 : i32
        %dma_start3A_155 = tpu.memref_slice %arg6[%add3A_154, %dma_start3A] : memref<10240x128xf32, #tpu.memory_space<hbm>> -> memref<64x128xf32, #tpu.memory_space<hbm>>
        %dma_start3A_156 = arith.constant 0 : i32
        %dma_start3A_157 = tpu.memref_slice %arg6[%add3A_154, %dma_start3A_156] : memref<10240x128xf32, #tpu.memory_space<hbm>> -> memref<64x128xf32, #tpu.memory_space<hbm>>
        tpu.enqueue_dma source(%arg11 : memref<64x128xf32, #tpu.memory_space<vmem>>) target(%dma_start3A_157 : memref<64x128xf32, #tpu.memory_space<hbm>>) target_semaphore(%run_scoped3A : memref<!tpu.dma_semaphore, #tpu.memory_space<semaphore_mem>>)
        %dma_wait3A = arith.constant 0 : i32
        %dma_wait3A_158 = tpu.memref_slice %arg6[%add3A_154, %dma_wait3A] : memref<10240x128xf32, #tpu.memory_space<hbm>> -> memref<64x128xf32, #tpu.memory_space<hbm>>
        %dma_wait3A_159 = arith.constant 0 : i32
        %dma_wait3A_160 = tpu.memref_slice %arg6[%add3A_154, %dma_wait3A_159] : memref<10240x128xf32, #tpu.memory_space<hbm>> -> memref<64x128xf32, #tpu.memory_space<hbm>>
        tpu.wait_dma2 semaphore(%run_scoped3A : memref<!tpu.dma_semaphore, #tpu.memory_space<semaphore_mem>>) src(%arg11 : memref<64x128xf32, #tpu.memory_space<vmem>>) dst(%dma_wait3A_160 : memref<64x128xf32, #tpu.memory_space<hbm>>)
        tpu.yield
      }) : () -> ()
    } else {
    }
    %eq3A_100 = arith.constant 1 : i32
    %eq3A_101 = arith.cmpi eq, %arg0, %eq3A_100 : i32
    %convert_element_type3A_102 = arith.extui %eq3A_101 : i1 to i32
    %cond3A_103 = arith.constant 0 : i32
    %cond3A_104 = arith.cmpi ne, %convert_element_type3A_102, %cond3A_103 : i32
    scf.if %cond3A_104 {
      %add3A_153 = arith.constant 320 : i32
      %add3A_154 = arith.addi %mul3A_5, %add3A_153 : i32
      "tpu.region"() ({
        %run_scoped3A = tpu.sem_alloc : memref<!tpu.dma_semaphore, #tpu.memory_space<semaphore_mem>>
        %dma_start3A = arith.constant 0 : i32
        %dma_start3A_155 = tpu.memref_slice %arg7[%add3A_154, %dma_start3A] : memref<10240x128xf32, #tpu.memory_space<hbm>> -> memref<64x128xf32, #tpu.memory_space<hbm>>
        %dma_start3A_156 = arith.constant 0 : i32
        %dma_start3A_157 = tpu.memref_slice %arg7[%add3A_154, %dma_start3A_156] : memref<10240x128xf32, #tpu.memory_space<hbm>> -> memref<64x128xf32, #tpu.memory_space<hbm>>
        tpu.enqueue_dma source(%arg11 : memref<64x128xf32, #tpu.memory_space<vmem>>) target(%dma_start3A_157 : memref<64x128xf32, #tpu.memory_space<hbm>>) target_semaphore(%run_scoped3A : memref<!tpu.dma_semaphore, #tpu.memory_space<semaphore_mem>>)
        %dma_wait3A = arith.constant 0 : i32
        %dma_wait3A_158 = tpu.memref_slice %arg7[%add3A_154, %dma_wait3A] : memref<10240x128xf32, #tpu.memory_space<hbm>> -> memref<64x128xf32, #tpu.memory_space<hbm>>
        %dma_wait3A_159 = arith.constant 0 : i32
        %dma_wait3A_160 = tpu.memref_slice %arg7[%add3A_154, %dma_wait3A_159] : memref<10240x128xf32, #tpu.memory_space<hbm>> -> memref<64x128xf32, #tpu.memory_space<hbm>>
        tpu.wait_dma2 semaphore(%run_scoped3A : memref<!tpu.dma_semaphore, #tpu.memory_space<semaphore_mem>>) src(%arg11 : memref<64x128xf32, #tpu.memory_space<vmem>>) dst(%dma_wait3A_160 : memref<64x128xf32, #tpu.memory_space<hbm>>)
        tpu.yield
      }) : () -> ()
    } else {
    }
    %add3A_105 = arith.constant 384 : i32
    %add3A_106 = arith.addi %mul3A_5, %add3A_105 : i32
    "tpu.region"() ({
      %run_scoped3A = tpu.sem_alloc : memref<!tpu.dma_semaphore, #tpu.memory_space<semaphore_mem>>
      %dma_start3A = arith.constant 0 : i32
      %dma_start3A_153 = tpu.memref_slice %arg13[%add3A_106, %dma_start3A] : memref<10240x128xf32, #tpu.memory_space<vmem_shared>> -> memref<64x128xf32, #tpu.memory_space<vmem_shared>>
      %dma_start3A_154 = arith.constant 0 : i32
      %dma_start3A_155 = tpu.memref_slice %arg13[%add3A_106, %dma_start3A_154] : memref<10240x128xf32, #tpu.memory_space<vmem_shared>> -> memref<64x128xf32, #tpu.memory_space<vmem_shared>>
      tpu.enqueue_dma source(%dma_start3A_155 : memref<64x128xf32, #tpu.memory_space<vmem_shared>>) target(%arg11 : memref<64x128xf32, #tpu.memory_space<vmem>>) target_semaphore(%run_scoped3A : memref<!tpu.dma_semaphore, #tpu.memory_space<semaphore_mem>>)
      %dma_wait3A = arith.constant 0 : i32
      %dma_wait3A_156 = tpu.memref_slice %arg13[%add3A_106, %dma_wait3A] : memref<10240x128xf32, #tpu.memory_space<vmem_shared>> -> memref<64x128xf32, #tpu.memory_space<vmem_shared>>
      %dma_wait3A_157 = arith.constant 0 : i32
      %dma_wait3A_158 = tpu.memref_slice %arg13[%add3A_106, %dma_wait3A_157] : memref<10240x128xf32, #tpu.memory_space<vmem_shared>> -> memref<64x128xf32, #tpu.memory_space<vmem_shared>>
      tpu.wait_dma2 semaphore(%run_scoped3A : memref<!tpu.dma_semaphore, #tpu.memory_space<semaphore_mem>>) src(%dma_wait3A_158 : memref<64x128xf32, #tpu.memory_space<vmem_shared>>) dst(%arg11 : memref<64x128xf32, #tpu.memory_space<vmem>>)
      tpu.yield
    }) : () -> ()
    %eq3A_107 = arith.constant 0 : i32
    %eq3A_108 = arith.cmpi eq, %arg0, %eq3A_107 : i32
    %convert_element_type3A_109 = arith.extui %eq3A_108 : i1 to i32
    %cond3A_110 = arith.constant 0 : i32
    %cond3A_111 = arith.cmpi ne, %convert_element_type3A_109, %cond3A_110 : i32
    scf.if %cond3A_111 {
      %add3A_153 = arith.constant 384 : i32
      %add3A_154 = arith.addi %mul3A_5, %add3A_153 : i32
      "tpu.region"() ({
        %run_scoped3A = tpu.sem_alloc : memref<!tpu.dma_semaphore, #tpu.memory_space<semaphore_mem>>
        %dma_start3A = arith.constant 0 : i32
        %dma_start3A_155 = tpu.memref_slice %arg6[%add3A_154, %dma_start3A] : memref<10240x128xf32, #tpu.memory_space<hbm>> -> memref<64x128xf32, #tpu.memory_space<hbm>>
        %dma_start3A_156 = arith.constant 0 : i32
        %dma_start3A_157 = tpu.memref_slice %arg6[%add3A_154, %dma_start3A_156] : memref<10240x128xf32, #tpu.memory_space<hbm>> -> memref<64x128xf32, #tpu.memory_space<hbm>>
        tpu.enqueue_dma source(%arg11 : memref<64x128xf32, #tpu.memory_space<vmem>>) target(%dma_start3A_157 : memref<64x128xf32, #tpu.memory_space<hbm>>) target_semaphore(%run_scoped3A : memref<!tpu.dma_semaphore, #tpu.memory_space<semaphore_mem>>)
        %dma_wait3A = arith.constant 0 : i32
        %dma_wait3A_158 = tpu.memref_slice %arg6[%add3A_154, %dma_wait3A] : memref<10240x128xf32, #tpu.memory_space<hbm>> -> memref<64x128xf32, #tpu.memory_space<hbm>>
        %dma_wait3A_159 = arith.constant 0 : i32
        %dma_wait3A_160 = tpu.memref_slice %arg6[%add3A_154, %dma_wait3A_159] : memref<10240x128xf32, #tpu.memory_space<hbm>> -> memref<64x128xf32, #tpu.memory_space<hbm>>
        tpu.wait_dma2 semaphore(%run_scoped3A : memref<!tpu.dma_semaphore, #tpu.memory_space<semaphore_mem>>) src(%arg11 : memref<64x128xf32, #tpu.memory_space<vmem>>) dst(%dma_wait3A_160 : memref<64x128xf32, #tpu.memory_space<hbm>>)
        tpu.yield
      }) : () -> ()
    } else {
    }
    %eq3A_112 = arith.constant 1 : i32
    %eq3A_113 = arith.cmpi eq, %arg0, %eq3A_112 : i32
    %convert_element_type3A_114 = arith.extui %eq3A_113 : i1 to i32
    %cond3A_115 = arith.constant 0 : i32
    %cond3A_116 = arith.cmpi ne, %convert_element_type3A_114, %cond3A_115 : i32
    scf.if %cond3A_116 {
      %add3A_153 = arith.constant 384 : i32
      %add3A_154 = arith.addi %mul3A_5, %add3A_153 : i32
      "tpu.region"() ({
        %run_scoped3A = tpu.sem_alloc : memref<!tpu.dma_semaphore, #tpu.memory_space<semaphore_mem>>
        %dma_start3A = arith.constant 0 : i32
        %dma_start3A_155 = tpu.memref_slice %arg7[%add3A_154, %dma_start3A] : memref<10240x128xf32, #tpu.memory_space<hbm>> -> memref<64x128xf32, #tpu.memory_space<hbm>>
        %dma_start3A_156 = arith.constant 0 : i32
        %dma_start3A_157 = tpu.memref_slice %arg7[%add3A_154, %dma_start3A_156] : memref<10240x128xf32, #tpu.memory_space<hbm>> -> memref<64x128xf32, #tpu.memory_space<hbm>>
        tpu.enqueue_dma source(%arg11 : memref<64x128xf32, #tpu.memory_space<vmem>>) target(%dma_start3A_157 : memref<64x128xf32, #tpu.memory_space<hbm>>) target_semaphore(%run_scoped3A : memref<!tpu.dma_semaphore, #tpu.memory_space<semaphore_mem>>)
        %dma_wait3A = arith.constant 0 : i32
        %dma_wait3A_158 = tpu.memref_slice %arg7[%add3A_154, %dma_wait3A] : memref<10240x128xf32, #tpu.memory_space<hbm>> -> memref<64x128xf32, #tpu.memory_space<hbm>>
        %dma_wait3A_159 = arith.constant 0 : i32
        %dma_wait3A_160 = tpu.memref_slice %arg7[%add3A_154, %dma_wait3A_159] : memref<10240x128xf32, #tpu.memory_space<hbm>> -> memref<64x128xf32, #tpu.memory_space<hbm>>
        tpu.wait_dma2 semaphore(%run_scoped3A : memref<!tpu.dma_semaphore, #tpu.memory_space<semaphore_mem>>) src(%arg11 : memref<64x128xf32, #tpu.memory_space<vmem>>) dst(%dma_wait3A_160 : memref<64x128xf32, #tpu.memory_space<hbm>>)
        tpu.yield
      }) : () -> ()
    } else {
    }
    %add3A_117 = arith.constant 448 : i32
    %add3A_118 = arith.addi %mul3A_5, %add3A_117 : i32
    "tpu.region"() ({
      %run_scoped3A = tpu.sem_alloc : memref<!tpu.dma_semaphore, #tpu.memory_space<semaphore_mem>>
      %dma_start3A = arith.constant 0 : i32
      %dma_start3A_153 = tpu.memref_slice %arg13[%add3A_118, %dma_start3A] : memref<10240x128xf32, #tpu.memory_space<vmem_shared>> -> memref<64x128xf32, #tpu.memory_space<vmem_shared>>
      %dma_start3A_154 = arith.constant 0 : i32
      %dma_start3A_155 = tpu.memref_slice %arg13[%add3A_118, %dma_start3A_154] : memref<10240x128xf32, #tpu.memory_space<vmem_shared>> -> memref<64x128xf32, #tpu.memory_space<vmem_shared>>
      tpu.enqueue_dma source(%dma_start3A_155 : memref<64x128xf32, #tpu.memory_space<vmem_shared>>) target(%arg11 : memref<64x128xf32, #tpu.memory_space<vmem>>) target_semaphore(%run_scoped3A : memref<!tpu.dma_semaphore, #tpu.memory_space<semaphore_mem>>)
      %dma_wait3A = arith.constant 0 : i32
      %dma_wait3A_156 = tpu.memref_slice %arg13[%add3A_118, %dma_wait3A] : memref<10240x128xf32, #tpu.memory_space<vmem_shared>> -> memref<64x128xf32, #tpu.memory_space<vmem_shared>>
      %dma_wait3A_157 = arith.constant 0 : i32
      %dma_wait3A_158 = tpu.memref_slice %arg13[%add3A_118, %dma_wait3A_157] : memref<10240x128xf32, #tpu.memory_space<vmem_shared>> -> memref<64x128xf32, #tpu.memory_space<vmem_shared>>
      tpu.wait_dma2 semaphore(%run_scoped3A : memref<!tpu.dma_semaphore, #tpu.memory_space<semaphore_mem>>) src(%dma_wait3A_158 : memref<64x128xf32, #tpu.memory_space<vmem_shared>>) dst(%arg11 : memref<64x128xf32, #tpu.memory_space<vmem>>)
      tpu.yield
    }) : () -> ()
    %eq3A_119 = arith.constant 0 : i32
    %eq3A_120 = arith.cmpi eq, %arg0, %eq3A_119 : i32
    %convert_element_type3A_121 = arith.extui %eq3A_120 : i1 to i32
    %cond3A_122 = arith.constant 0 : i32
    %cond3A_123 = arith.cmpi ne, %convert_element_type3A_121, %cond3A_122 : i32
    scf.if %cond3A_123 {
      %add3A_153 = arith.constant 448 : i32
      %add3A_154 = arith.addi %mul3A_5, %add3A_153 : i32
      "tpu.region"() ({
        %run_scoped3A = tpu.sem_alloc : memref<!tpu.dma_semaphore, #tpu.memory_space<semaphore_mem>>
        %dma_start3A = arith.constant 0 : i32
        %dma_start3A_155 = tpu.memref_slice %arg6[%add3A_154, %dma_start3A] : memref<10240x128xf32, #tpu.memory_space<hbm>> -> memref<64x128xf32, #tpu.memory_space<hbm>>
        %dma_start3A_156 = arith.constant 0 : i32
        %dma_start3A_157 = tpu.memref_slice %arg6[%add3A_154, %dma_start3A_156] : memref<10240x128xf32, #tpu.memory_space<hbm>> -> memref<64x128xf32, #tpu.memory_space<hbm>>
        tpu.enqueue_dma source(%arg11 : memref<64x128xf32, #tpu.memory_space<vmem>>) target(%dma_start3A_157 : memref<64x128xf32, #tpu.memory_space<hbm>>) target_semaphore(%run_scoped3A : memref<!tpu.dma_semaphore, #tpu.memory_space<semaphore_mem>>)
        %dma_wait3A = arith.constant 0 : i32
        %dma_wait3A_158 = tpu.memref_slice %arg6[%add3A_154, %dma_wait3A] : memref<10240x128xf32, #tpu.memory_space<hbm>> -> memref<64x128xf32, #tpu.memory_space<hbm>>
        %dma_wait3A_159 = arith.constant 0 : i32
        %dma_wait3A_160 = tpu.memref_slice %arg6[%add3A_154, %dma_wait3A_159] : memref<10240x128xf32, #tpu.memory_space<hbm>> -> memref<64x128xf32, #tpu.memory_space<hbm>>
        tpu.wait_dma2 semaphore(%run_scoped3A : memref<!tpu.dma_semaphore, #tpu.memory_space<semaphore_mem>>) src(%arg11 : memref<64x128xf32, #tpu.memory_space<vmem>>) dst(%dma_wait3A_160 : memref<64x128xf32, #tpu.memory_space<hbm>>)
        tpu.yield
      }) : () -> ()
    } else {
    }
    %eq3A_124 = arith.constant 1 : i32
    %eq3A_125 = arith.cmpi eq, %arg0, %eq3A_124 : i32
    %convert_element_type3A_126 = arith.extui %eq3A_125 : i1 to i32
    %cond3A_127 = arith.constant 0 : i32
    %cond3A_128 = arith.cmpi ne, %convert_element_type3A_126, %cond3A_127 : i32
    scf.if %cond3A_128 {
      %add3A_153 = arith.constant 448 : i32
      %add3A_154 = arith.addi %mul3A_5, %add3A_153 : i32
      "tpu.region"() ({
        %run_scoped3A = tpu.sem_alloc : memref<!tpu.dma_semaphore, #tpu.memory_space<semaphore_mem>>
        %dma_start3A = arith.constant 0 : i32
        %dma_start3A_155 = tpu.memref_slice %arg7[%add3A_154, %dma_start3A] : memref<10240x128xf32, #tpu.memory_space<hbm>> -> memref<64x128xf32, #tpu.memory_space<hbm>>
        %dma_start3A_156 = arith.constant 0 : i32
        %dma_start3A_157 = tpu.memref_slice %arg7[%add3A_154, %dma_start3A_156] : memref<10240x128xf32, #tpu.memory_space<hbm>> -> memref<64x128xf32, #tpu.memory_space<hbm>>
        tpu.enqueue_dma source(%arg11 : memref<64x128xf32, #tpu.memory_space<vmem>>) target(%dma_start3A_157 : memref<64x128xf32, #tpu.memory_space<hbm>>) target_semaphore(%run_scoped3A : memref<!tpu.dma_semaphore, #tpu.memory_space<semaphore_mem>>)
        %dma_wait3A = arith.constant 0 : i32
        %dma_wait3A_158 = tpu.memref_slice %arg7[%add3A_154, %dma_wait3A] : memref<10240x128xf32, #tpu.memory_space<hbm>> -> memref<64x128xf32, #tpu.memory_space<hbm>>
        %dma_wait3A_159 = arith.constant 0 : i32
        %dma_wait3A_160 = tpu.memref_slice %arg7[%add3A_154, %dma_wait3A_159] : memref<10240x128xf32, #tpu.memory_space<hbm>> -> memref<64x128xf32, #tpu.memory_space<hbm>>
        tpu.wait_dma2 semaphore(%run_scoped3A : memref<!tpu.dma_semaphore, #tpu.memory_space<semaphore_mem>>) src(%arg11 : memref<64x128xf32, #tpu.memory_space<vmem>>) dst(%dma_wait3A_160 : memref<64x128xf32, #tpu.memory_space<hbm>>)
        tpu.yield
      }) : () -> ()
    } else {
    }
    %add3A_129 = arith.constant 512 : i32
    %add3A_130 = arith.addi %mul3A_5, %add3A_129 : i32
    "tpu.region"() ({
      %run_scoped3A = tpu.sem_alloc : memref<!tpu.dma_semaphore, #tpu.memory_space<semaphore_mem>>
      %dma_start3A = arith.constant 0 : i32
      %dma_start3A_153 = tpu.memref_slice %arg13[%add3A_130, %dma_start3A] : memref<10240x128xf32, #tpu.memory_space<vmem_shared>> -> memref<64x128xf32, #tpu.memory_space<vmem_shared>>
      %dma_start3A_154 = arith.constant 0 : i32
      %dma_start3A_155 = tpu.memref_slice %arg13[%add3A_130, %dma_start3A_154] : memref<10240x128xf32, #tpu.memory_space<vmem_shared>> -> memref<64x128xf32, #tpu.memory_space<vmem_shared>>
      tpu.enqueue_dma source(%dma_start3A_155 : memref<64x128xf32, #tpu.memory_space<vmem_shared>>) target(%arg11 : memref<64x128xf32, #tpu.memory_space<vmem>>) target_semaphore(%run_scoped3A : memref<!tpu.dma_semaphore, #tpu.memory_space<semaphore_mem>>)
      %dma_wait3A = arith.constant 0 : i32
      %dma_wait3A_156 = tpu.memref_slice %arg13[%add3A_130, %dma_wait3A] : memref<10240x128xf32, #tpu.memory_space<vmem_shared>> -> memref<64x128xf32, #tpu.memory_space<vmem_shared>>
      %dma_wait3A_157 = arith.constant 0 : i32
      %dma_wait3A_158 = tpu.memref_slice %arg13[%add3A_130, %dma_wait3A_157] : memref<10240x128xf32, #tpu.memory_space<vmem_shared>> -> memref<64x128xf32, #tpu.memory_space<vmem_shared>>
      tpu.wait_dma2 semaphore(%run_scoped3A : memref<!tpu.dma_semaphore, #tpu.memory_space<semaphore_mem>>) src(%dma_wait3A_158 : memref<64x128xf32, #tpu.memory_space<vmem_shared>>) dst(%arg11 : memref<64x128xf32, #tpu.memory_space<vmem>>)
      tpu.yield
    }) : () -> ()
    %eq3A_131 = arith.constant 0 : i32
    %eq3A_132 = arith.cmpi eq, %arg0, %eq3A_131 : i32
    %convert_element_type3A_133 = arith.extui %eq3A_132 : i1 to i32
    %cond3A_134 = arith.constant 0 : i32
    %cond3A_135 = arith.cmpi ne, %convert_element_type3A_133, %cond3A_134 : i32
    scf.if %cond3A_135 {
      %add3A_153 = arith.constant 512 : i32
      %add3A_154 = arith.addi %mul3A_5, %add3A_153 : i32
      "tpu.region"() ({
        %run_scoped3A = tpu.sem_alloc : memref<!tpu.dma_semaphore, #tpu.memory_space<semaphore_mem>>
        %dma_start3A = arith.constant 0 : i32
        %dma_start3A_155 = tpu.memref_slice %arg6[%add3A_154, %dma_start3A] : memref<10240x128xf32, #tpu.memory_space<hbm>> -> memref<64x128xf32, #tpu.memory_space<hbm>>
        %dma_start3A_156 = arith.constant 0 : i32
        %dma_start3A_157 = tpu.memref_slice %arg6[%add3A_154, %dma_start3A_156] : memref<10240x128xf32, #tpu.memory_space<hbm>> -> memref<64x128xf32, #tpu.memory_space<hbm>>
        tpu.enqueue_dma source(%arg11 : memref<64x128xf32, #tpu.memory_space<vmem>>) target(%dma_start3A_157 : memref<64x128xf32, #tpu.memory_space<hbm>>) target_semaphore(%run_scoped3A : memref<!tpu.dma_semaphore, #tpu.memory_space<semaphore_mem>>)
        %dma_wait3A = arith.constant 0 : i32
        %dma_wait3A_158 = tpu.memref_slice %arg6[%add3A_154, %dma_wait3A] : memref<10240x128xf32, #tpu.memory_space<hbm>> -> memref<64x128xf32, #tpu.memory_space<hbm>>
        %dma_wait3A_159 = arith.constant 0 : i32
        %dma_wait3A_160 = tpu.memref_slice %arg6[%add3A_154, %dma_wait3A_159] : memref<10240x128xf32, #tpu.memory_space<hbm>> -> memref<64x128xf32, #tpu.memory_space<hbm>>
        tpu.wait_dma2 semaphore(%run_scoped3A : memref<!tpu.dma_semaphore, #tpu.memory_space<semaphore_mem>>) src(%arg11 : memref<64x128xf32, #tpu.memory_space<vmem>>) dst(%dma_wait3A_160 : memref<64x128xf32, #tpu.memory_space<hbm>>)
        tpu.yield
      }) : () -> ()
    } else {
    }
    %eq3A_136 = arith.constant 1 : i32
    %eq3A_137 = arith.cmpi eq, %arg0, %eq3A_136 : i32
    %convert_element_type3A_138 = arith.extui %eq3A_137 : i1 to i32
    %cond3A_139 = arith.constant 0 : i32
    %cond3A_140 = arith.cmpi ne, %convert_element_type3A_138, %cond3A_139 : i32
    scf.if %cond3A_140 {
      %add3A_153 = arith.constant 512 : i32
      %add3A_154 = arith.addi %mul3A_5, %add3A_153 : i32
      "tpu.region"() ({
        %run_scoped3A = tpu.sem_alloc : memref<!tpu.dma_semaphore, #tpu.memory_space<semaphore_mem>>
        %dma_start3A = arith.constant 0 : i32
        %dma_start3A_155 = tpu.memref_slice %arg7[%add3A_154, %dma_start3A] : memref<10240x128xf32, #tpu.memory_space<hbm>> -> memref<64x128xf32, #tpu.memory_space<hbm>>
        %dma_start3A_156 = arith.constant 0 : i32
        %dma_start3A_157 = tpu.memref_slice %arg7[%add3A_154, %dma_start3A_156] : memref<10240x128xf32, #tpu.memory_space<hbm>> -> memref<64x128xf32, #tpu.memory_space<hbm>>
        tpu.enqueue_dma source(%arg11 : memref<64x128xf32, #tpu.memory_space<vmem>>) target(%dma_start3A_157 : memref<64x128xf32, #tpu.memory_space<hbm>>) target_semaphore(%run_scoped3A : memref<!tpu.dma_semaphore, #tpu.memory_space<semaphore_mem>>)
        %dma_wait3A = arith.constant 0 : i32
        %dma_wait3A_158 = tpu.memref_slice %arg7[%add3A_154, %dma_wait3A] : memref<10240x128xf32, #tpu.memory_space<hbm>> -> memref<64x128xf32, #tpu.memory_space<hbm>>
        %dma_wait3A_159 = arith.constant 0 : i32
        %dma_wait3A_160 = tpu.memref_slice %arg7[%add3A_154, %dma_wait3A_159] : memref<10240x128xf32, #tpu.memory_space<hbm>> -> memref<64x128xf32, #tpu.memory_space<hbm>>
        tpu.wait_dma2 semaphore(%run_scoped3A : memref<!tpu.dma_semaphore, #tpu.memory_space<semaphore_mem>>) src(%arg11 : memref<64x128xf32, #tpu.memory_space<vmem>>) dst(%dma_wait3A_160 : memref<64x128xf32, #tpu.memory_space<hbm>>)
        tpu.yield
      }) : () -> ()
    } else {
    }
    %add3A_141 = arith.constant 576 : i32
    %add3A_142 = arith.addi %mul3A_5, %add3A_141 : i32
    "tpu.region"() ({
      %run_scoped3A = tpu.sem_alloc : memref<!tpu.dma_semaphore, #tpu.memory_space<semaphore_mem>>
      %dma_start3A = arith.constant 0 : i32
      %dma_start3A_153 = tpu.memref_slice %arg13[%add3A_142, %dma_start3A] : memref<10240x128xf32, #tpu.memory_space<vmem_shared>> -> memref<64x128xf32, #tpu.memory_space<vmem_shared>>
      %dma_start3A_154 = arith.constant 0 : i32
      %dma_start3A_155 = tpu.memref_slice %arg13[%add3A_142, %dma_start3A_154] : memref<10240x128xf32, #tpu.memory_space<vmem_shared>> -> memref<64x128xf32, #tpu.memory_space<vmem_shared>>
      tpu.enqueue_dma source(%dma_start3A_155 : memref<64x128xf32, #tpu.memory_space<vmem_shared>>) target(%arg11 : memref<64x128xf32, #tpu.memory_space<vmem>>) target_semaphore(%run_scoped3A : memref<!tpu.dma_semaphore, #tpu.memory_space<semaphore_mem>>)
      %dma_wait3A = arith.constant 0 : i32
      %dma_wait3A_156 = tpu.memref_slice %arg13[%add3A_142, %dma_wait3A] : memref<10240x128xf32, #tpu.memory_space<vmem_shared>> -> memref<64x128xf32, #tpu.memory_space<vmem_shared>>
      %dma_wait3A_157 = arith.constant 0 : i32
      %dma_wait3A_158 = tpu.memref_slice %arg13[%add3A_142, %dma_wait3A_157] : memref<10240x128xf32, #tpu.memory_space<vmem_shared>> -> memref<64x128xf32, #tpu.memory_space<vmem_shared>>
      tpu.wait_dma2 semaphore(%run_scoped3A : memref<!tpu.dma_semaphore, #tpu.memory_space<semaphore_mem>>) src(%dma_wait3A_158 : memref<64x128xf32, #tpu.memory_space<vmem_shared>>) dst(%arg11 : memref<64x128xf32, #tpu.memory_space<vmem>>)
      tpu.yield
    }) : () -> ()
    %eq3A_143 = arith.constant 0 : i32
    %eq3A_144 = arith.cmpi eq, %arg0, %eq3A_143 : i32
    %convert_element_type3A_145 = arith.extui %eq3A_144 : i1 to i32
    %cond3A_146 = arith.constant 0 : i32
    %cond3A_147 = arith.cmpi ne, %convert_element_type3A_145, %cond3A_146 : i32
    scf.if %cond3A_147 {
      %add3A_153 = arith.constant 576 : i32
      %add3A_154 = arith.addi %mul3A_5, %add3A_153 : i32
      "tpu.region"() ({
        %run_scoped3A = tpu.sem_alloc : memref<!tpu.dma_semaphore, #tpu.memory_space<semaphore_mem>>
        %dma_start3A = arith.constant 0 : i32
        %dma_start3A_155 = tpu.memref_slice %arg6[%add3A_154, %dma_start3A] : memref<10240x128xf32, #tpu.memory_space<hbm>> -> memref<64x128xf32, #tpu.memory_space<hbm>>
        %dma_start3A_156 = arith.constant 0 : i32
        %dma_start3A_157 = tpu.memref_slice %arg6[%add3A_154, %dma_start3A_156] : memref<10240x128xf32, #tpu.memory_space<hbm>> -> memref<64x128xf32, #tpu.memory_space<hbm>>
        tpu.enqueue_dma source(%arg11 : memref<64x128xf32, #tpu.memory_space<vmem>>) target(%dma_start3A_157 : memref<64x128xf32, #tpu.memory_space<hbm>>) target_semaphore(%run_scoped3A : memref<!tpu.dma_semaphore, #tpu.memory_space<semaphore_mem>>)
        %dma_wait3A = arith.constant 0 : i32
        %dma_wait3A_158 = tpu.memref_slice %arg6[%add3A_154, %dma_wait3A] : memref<10240x128xf32, #tpu.memory_space<hbm>> -> memref<64x128xf32, #tpu.memory_space<hbm>>
        %dma_wait3A_159 = arith.constant 0 : i32
        %dma_wait3A_160 = tpu.memref_slice %arg6[%add3A_154, %dma_wait3A_159] : memref<10240x128xf32, #tpu.memory_space<hbm>> -> memref<64x128xf32, #tpu.memory_space<hbm>>
        tpu.wait_dma2 semaphore(%run_scoped3A : memref<!tpu.dma_semaphore, #tpu.memory_space<semaphore_mem>>) src(%arg11 : memref<64x128xf32, #tpu.memory_space<vmem>>) dst(%dma_wait3A_160 : memref<64x128xf32, #tpu.memory_space<hbm>>)
        tpu.yield
      }) : () -> ()
    } else {
    }
    %eq3A_148 = arith.constant 1 : i32
    %eq3A_149 = arith.cmpi eq, %arg0, %eq3A_148 : i32
    %convert_element_type3A_150 = arith.extui %eq3A_149 : i1 to i32
    %cond3A_151 = arith.constant 0 : i32
    %cond3A_152 = arith.cmpi ne, %convert_element_type3A_150, %cond3A_151 : i32
    scf.if %cond3A_152 {
      %add3A_153 = arith.constant 576 : i32
      %add3A_154 = arith.addi %mul3A_5, %add3A_153 : i32
      "tpu.region"() ({
        %run_scoped3A = tpu.sem_alloc : memref<!tpu.dma_semaphore, #tpu.memory_space<semaphore_mem>>
        %dma_start3A = arith.constant 0 : i32
        %dma_start3A_155 = tpu.memref_slice %arg7[%add3A_154, %dma_start3A] : memref<10240x128xf32, #tpu.memory_space<hbm>> -> memref<64x128xf32, #tpu.memory_space<hbm>>
        %dma_start3A_156 = arith.constant 0 : i32
        %dma_start3A_157 = tpu.memref_slice %arg7[%add3A_154, %dma_start3A_156] : memref<10240x128xf32, #tpu.memory_space<hbm>> -> memref<64x128xf32, #tpu.memory_space<hbm>>
        tpu.enqueue_dma source(%arg11 : memref<64x128xf32, #tpu.memory_space<vmem>>) target(%dma_start3A_157 : memref<64x128xf32, #tpu.memory_space<hbm>>) target_semaphore(%run_scoped3A : memref<!tpu.dma_semaphore, #tpu.memory_space<semaphore_mem>>)
        %dma_wait3A = arith.constant 0 : i32
        %dma_wait3A_158 = tpu.memref_slice %arg7[%add3A_154, %dma_wait3A] : memref<10240x128xf32, #tpu.memory_space<hbm>> -> memref<64x128xf32, #tpu.memory_space<hbm>>
        %dma_wait3A_159 = arith.constant 0 : i32
        %dma_wait3A_160 = tpu.memref_slice %arg7[%add3A_154, %dma_wait3A_159] : memref<10240x128xf32, #tpu.memory_space<hbm>> -> memref<64x128xf32, #tpu.memory_space<hbm>>
        tpu.wait_dma2 semaphore(%run_scoped3A : memref<!tpu.dma_semaphore, #tpu.memory_space<semaphore_mem>>) src(%arg11 : memref<64x128xf32, #tpu.memory_space<vmem>>) dst(%dma_wait3A_160 : memref<64x128xf32, #tpu.memory_space<hbm>>)
        tpu.yield
      }) : () -> ()
    } else {
    }
    return
  }
}

module attributes {stable_mosaic.version = 14 : i64} {
  func.func @_mm1_body(%arg0: i32, %arg1: memref<400x2xf32, #tpu.memory_space<vmem>>, %arg2: memref<400x128xf32, #tpu.memory_space<vmem>>, %arg3: memref<128x256xf32, #tpu.memory_space<vmem>>, %arg4: memref<400x128xf32, #tpu.memory_space<vmem>>, %arg5: memref<400x128xf32, #tpu.memory_space<vmem>>, %arg6: memref<400x1xf32, #tpu.memory_space<vmem>>) attributes {dimension_semantics = [#tpu.dimension_semantics<arbitrary>], iteration_bounds = array<i64: 25>, scalar_prefetch = 0 : i64, scratch_operands = 0 : i64, tpu.core_type = #tpu.core_type<tc>, window_params = [{transform_indices = @transform_0, window_bounds = array<i64: 400, 2>}, {transform_indices = @transform_1, window_bounds = array<i64: 400, 128>}, {pipeline_mode = #tpu.pipeline_mode<synchronous>, transform_indices = @transform_2, window_bounds = array<i64: 128, 256>}, {transform_indices = @transform_3, window_bounds = array<i64: 400, 128>}, {transform_indices = @transform_4, window_bounds = array<i64: 400, 128>}, {transform_indices = @transform_5, window_bounds = array<i64: 400, 1>}]} {
    %get3A = arith.constant 0 : index
    %get3A_0 = arith.constant 0 : index
    %get3A_1 = vector.load %arg1[%get3A, %get3A_0] : memref<400x2xf32, #tpu.memory_space<vmem>>, vector<400x1xf32>
    %get3A_2 = vector.shape_cast %get3A_1 : vector<400x1xf32> to vector<400xf32>
    %get3A_3 = arith.constant 0 : index
    %get3A_4 = arith.constant 1 : index
    %get3A_5 = vector.load %arg1[%get3A_3, %get3A_4] : memref<400x2xf32, #tpu.memory_space<vmem>>, vector<400x1xf32>
    %get3A_6 = vector.shape_cast %get3A_5 : vector<400x1xf32> to vector<400xf32>
    %add3A = arith.addf %get3A_2, %get3A_6 : vector<400xf32>
    %add3A_7 = arith.constant 1.000000e+00 : f32
    %add3A_8 = vector.broadcast %add3A_7 : f32 to vector<400xf32>
    %add3A_9 = arith.addf %add3A, %add3A_8 : vector<400xf32>
    %rsqrt3A = math.rsqrt %add3A_9 : vector<400xf32>
    %get3A_10 = arith.constant 0 : index
    %get3A_11 = arith.constant 0 : index
    %get3A_12 = vector.load %arg2[%get3A_10, %get3A_11] : memref<400x128xf32, #tpu.memory_space<vmem>>, vector<400x128xf32>
    %get3A_13 = arith.constant 0 : index
    %get3A_14 = arith.constant 0 : index
    %get3A_15 = vector.load %arg3[%get3A_13, %get3A_14] : memref<128x256xf32, #tpu.memory_space<vmem>>, vector<128x256xf32>
    %dot_general3A = arith.constant dense<0.000000e+00> : vector<400x256xf32>
    %dot_general3A_16 = tpu.matmul %get3A_12, %get3A_15, %dot_general3A {dimension_numbers = #tpu.dot_dimension_numbers<[1], [0], [0], [1], [0, 0, 1, 1], [], []>, transpose_lhs_hint = false} : vector<400x128xf32>, vector<128x256xf32>, vector<400x256xf32> -> vector<400x256xf32>
    %broadcast_in_dim3A = vector.shape_cast %rsqrt3A : vector<400xf32> to vector<400x1xf32>
    %mul3A = vector.broadcast %broadcast_in_dim3A : vector<400x1xf32> to vector<400x256xf32>
    %mul3A_17 = arith.mulf %dot_general3A_16, %mul3A : vector<400x256xf32>
    %slice3A = vector.extract_strided_slice %mul3A_17 {offsets = [0, 0], sizes = [400, 128], strides = [1, 1]} : vector<400x256xf32> to vector<400x128xf32>
    %swap3A = arith.constant 0 : index
    %swap3A_18 = arith.constant 0 : index
    %swap3A_19 = vector.load %arg4[%swap3A, %swap3A_18] : memref<400x128xf32, #tpu.memory_space<vmem>>, vector<400x128xf32>
    tpu.vector_store %arg4[%swap3A, %swap3A_18], %slice3A {strides = array<i32>} : memref<400x128xf32, #tpu.memory_space<vmem>>, vector<400x128xf32>,
    %slice3A_20 = vector.extract_strided_slice %mul3A_17 {offsets = [0, 128], sizes = [400, 128], strides = [1, 1]} : vector<400x256xf32> to vector<400x128xf32>
    %swap3A_21 = arith.constant 0 : index
    %swap3A_22 = arith.constant 0 : index
    %swap3A_23 = vector.load %arg5[%swap3A_21, %swap3A_22] : memref<400x128xf32, #tpu.memory_space<vmem>>, vector<400x128xf32>
    tpu.vector_store %arg5[%swap3A_21, %swap3A_22], %slice3A_20 {strides = array<i32>} : memref<400x128xf32, #tpu.memory_space<vmem>>, vector<400x128xf32>,
    %broadcast_in_dim3A_24 = vector.shape_cast %rsqrt3A : vector<400xf32> to vector<400x1xf32>
    %swap3A_25 = arith.constant 0 : index
    %swap3A_26 = arith.constant 0 : index
    %swap3A_27 = vector.load %arg6[%swap3A_25, %swap3A_26] : memref<400x1xf32, #tpu.memory_space<vmem>>, vector<400x1xf32>
    tpu.vector_store %arg6[%swap3A_25, %swap3A_26], %broadcast_in_dim3A_24 {strides = array<i32>} : memref<400x1xf32, #tpu.memory_space<vmem>>, vector<400x1xf32>,
    return
  }
  func.func @transform_0(%arg0: i32) -> (i32, i32) {
    %c0_i32 = arith.constant 0 : i32
    %c0_i32_0 = arith.constant 0 : i32
    return %arg0, %c0_i32 : i32, i32
  }
  func.func @transform_1(%arg0: i32) -> (i32, i32) {
    %c0_i32 = arith.constant 0 : i32
    %c0_i32_0 = arith.constant 0 : i32
    return %arg0, %c0_i32 : i32, i32
  }
  func.func @transform_2(%arg0: i32) -> (i32, i32) {
    %c0_i32 = arith.constant 0 : i32
    %c0_i32_0 = arith.constant 0 : i32
    %c0_i32_1 = arith.constant 0 : i32
    return %c0_i32, %c0_i32_0 : i32, i32
  }
  func.func @transform_3(%arg0: i32) -> (i32, i32) {
    %c0_i32 = arith.constant 0 : i32
    %c0_i32_0 = arith.constant 0 : i32
    return %arg0, %c0_i32 : i32, i32
  }
  func.func @transform_4(%arg0: i32) -> (i32, i32) {
    %c0_i32 = arith.constant 0 : i32
    %c0_i32_0 = arith.constant 0 : i32
    return %arg0, %c0_i32 : i32, i32
  }
  func.func @transform_5(%arg0: i32) -> (i32, i32) {
    %c0_i32 = arith.constant 0 : i32
    %c0_i32_0 = arith.constant 0 : i32
    return %arg0, %c0_i32 : i32, i32
  }
}

module attributes {stable_mosaic.version = 14 : i64} {
  func.func @_mm2_body(%arg0: i32, %arg1: memref<400x128xf32, #tpu.memory_space<vmem>>, %arg2: memref<400x128xf32, #tpu.memory_space<vmem>>, %arg3: memref<400x128xf32, #tpu.memory_space<vmem>>, %arg4: memref<400x128xf32, #tpu.memory_space<vmem>>, %arg5: memref<400x1xf32, #tpu.memory_space<vmem>>, %arg6: memref<1x256xf32, #tpu.memory_space<vmem>>, %arg7: memref<256x128xf32, #tpu.memory_space<vmem>>, %arg8: memref<400x128xf32, #tpu.memory_space<vmem>>) attributes {dimension_semantics = [#tpu.dimension_semantics<arbitrary>], iteration_bounds = array<i64: 25>, scalar_prefetch = 0 : i64, scratch_operands = 0 : i64, tpu.core_type = #tpu.core_type<tc>, window_params = [{transform_indices = @transform_0, window_bounds = array<i64: 400, 128>}, {transform_indices = @transform_1, window_bounds = array<i64: 400, 128>}, {transform_indices = @transform_2, window_bounds = array<i64: 400, 128>}, {transform_indices = @transform_3, window_bounds = array<i64: 400, 128>}, {transform_indices = @transform_4, window_bounds = array<i64: 400, 1>}, {pipeline_mode = #tpu.pipeline_mode<synchronous>, transform_indices = @transform_5, window_bounds = array<i64: 1, 256>}, {pipeline_mode = #tpu.pipeline_mode<synchronous>, transform_indices = @transform_6, window_bounds = array<i64: 256, 128>}, {transform_indices = @transform_7, window_bounds = array<i64: 400, 128>}]} {
    %get3A = arith.constant 0 : index
    %get3A_0 = arith.constant 0 : index
    %get3A_1 = vector.load %arg5[%get3A, %get3A_0] : memref<400x1xf32, #tpu.memory_space<vmem>>, vector<400x1xf32>
    %get3A_2 = arith.constant 0 : index
    %get3A_3 = arith.constant 0 : index
    %get3A_4 = vector.load %arg1[%get3A_2, %get3A_3] : memref<400x128xf32, #tpu.memory_space<vmem>>, vector<400x128xf32>
    %get3A_5 = arith.constant 0 : index
    %get3A_6 = arith.constant 0 : index
    %get3A_7 = vector.load %arg3[%get3A_5, %get3A_6] : memref<400x128xf32, #tpu.memory_space<vmem>>, vector<400x128xf32>
    %add3A = arith.addf %get3A_4, %get3A_7 : vector<400x128xf32>
    %get3A_8 = arith.constant 0 : index
    %get3A_9 = arith.constant 0 : index
    %get3A_10 = vector.load %arg2[%get3A_8, %get3A_9] : memref<400x128xf32, #tpu.memory_space<vmem>>, vector<400x128xf32>
    %get3A_11 = arith.constant 0 : index
    %get3A_12 = arith.constant 0 : index
    %get3A_13 = vector.load %arg4[%get3A_11, %get3A_12] : memref<400x128xf32, #tpu.memory_space<vmem>>, vector<400x128xf32>
    %add3A_14 = arith.addf %get3A_10, %get3A_13 : vector<400x128xf32>
    %concatenate3A = tpu.concatenate %add3A, %add3A_14 in 1 : vector<400x128xf32>, vector<400x128xf32> -> vector<400x256xf32>
    %mul3A = vector.broadcast %get3A_1 : vector<400x1xf32> to vector<400x256xf32>
    %mul3A_15 = arith.mulf %concatenate3A, %mul3A : vector<400x256xf32>
    %get3A_16 = arith.constant 0 : index
    %get3A_17 = arith.constant 0 : index
    %get3A_18 = vector.load %arg6[%get3A_16, %get3A_17] : memref<1x256xf32, #tpu.memory_space<vmem>>, vector<1x256xf32>
    %add3A_19 = vector.broadcast %get3A_18 : vector<1x256xf32> to vector<400x256xf32>
    %add3A_20 = arith.addf %mul3A_15, %add3A_19 : vector<400x256xf32>
    %max3A = arith.constant 0.000000e+00 : f32
    %max3A_21 = vector.broadcast %max3A : f32 to vector<400x256xf32>
    %max3A_22 = arith.maximumf %add3A_20, %max3A_21 : vector<400x256xf32>
    %get3A_23 = arith.constant 0 : index
    %get3A_24 = arith.constant 0 : index
    %get3A_25 = vector.load %arg7[%get3A_23, %get3A_24] : memref<256x128xf32, #tpu.memory_space<vmem>>, vector<256x128xf32>
    %dot_general3A = arith.constant dense<0.000000e+00> : vector<400x128xf32>
    %dot_general3A_26 = tpu.matmul %max3A_22, %get3A_25, %dot_general3A {dimension_numbers = #tpu.dot_dimension_numbers<[1], [0], [0], [1], [0, 0, 1, 1], [], []>, transpose_lhs_hint = false} : vector<400x256xf32>, vector<256x128xf32>, vector<400x128xf32> -> vector<400x128xf32>
    %mul3A_27 = vector.broadcast %get3A_1 : vector<400x1xf32> to vector<400x128xf32>
    %mul3A_28 = arith.mulf %dot_general3A_26, %mul3A_27 : vector<400x128xf32>
    %swap3A = arith.constant 0 : index
    %swap3A_29 = arith.constant 0 : index
    %swap3A_30 = vector.load %arg8[%swap3A, %swap3A_29] : memref<400x128xf32, #tpu.memory_space<vmem>>, vector<400x128xf32>
    tpu.vector_store %arg8[%swap3A, %swap3A_29], %mul3A_28 {strides = array<i32>} : memref<400x128xf32, #tpu.memory_space<vmem>>, vector<400x128xf32>,
    return
  }
  func.func @transform_0(%arg0: i32) -> (i32, i32) {
    %c0_i32 = arith.constant 0 : i32
    %c0_i32_0 = arith.constant 0 : i32
    return %arg0, %c0_i32 : i32, i32
  }
  func.func @transform_1(%arg0: i32) -> (i32, i32) {
    %c0_i32 = arith.constant 0 : i32
    %c0_i32_0 = arith.constant 0 : i32
    return %arg0, %c0_i32 : i32, i32
  }
  func.func @transform_2(%arg0: i32) -> (i32, i32) {
    %c0_i32 = arith.constant 0 : i32
    %c0_i32_0 = arith.constant 0 : i32
    return %arg0, %c0_i32 : i32, i32
  }
  func.func @transform_3(%arg0: i32) -> (i32, i32) {
    %c0_i32 = arith.constant 0 : i32
    %c0_i32_0 = arith.constant 0 : i32
    return %arg0, %c0_i32 : i32, i32
  }
  func.func @transform_4(%arg0: i32) -> (i32, i32) {
    %c0_i32 = arith.constant 0 : i32
    %c0_i32_0 = arith.constant 0 : i32
    return %arg0, %c0_i32 : i32, i32
  }
  func.func @transform_5(%arg0: i32) -> (i32, i32) {
    %c0_i32 = arith.constant 0 : i32
    %c0_i32_0 = arith.constant 0 : i32
    %c0_i32_1 = arith.constant 0 : i32
    return %c0_i32, %c0_i32_0 : i32, i32
  }
  func.func @transform_6(%arg0: i32) -> (i32, i32) {
    %c0_i32 = arith.constant 0 : i32
    %c0_i32_0 = arith.constant 0 : i32
    %c0_i32_1 = arith.constant 0 : i32
    return %c0_i32, %c0_i32_0 : i32, i32
  }
  func.func @transform_7(%arg0: i32) -> (i32, i32) {
    %c0_i32 = arith.constant 0 : i32
    %c0_i32_0 = arith.constant 0 : i32
    return %arg0, %c0_i32 : i32, i32
  }
}

module attributes {stable_mosaic.version = 14 : i64} {
  func.func @_mm3_body(%arg0: i32, %arg1: memref<400x128xf32, #tpu.memory_space<vmem>>, %arg2: memref<400x128xf32, #tpu.memory_space<vmem>>, %arg3: memref<400x128xf32, #tpu.memory_space<vmem>>, %arg4: memref<400x1xf32, #tpu.memory_space<vmem>>, %arg5: memref<1x128xf32, #tpu.memory_space<vmem>>, %arg6: memref<400x128xf32, #tpu.memory_space<vmem>>) attributes {dimension_semantics = [#tpu.dimension_semantics<arbitrary>], iteration_bounds = array<i64: 25>, scalar_prefetch = 0 : i64, scratch_operands = 0 : i64, tpu.core_type = #tpu.core_type<tc>, window_params = [{transform_indices = @transform_0, window_bounds = array<i64: 400, 128>}, {transform_indices = @transform_1, window_bounds = array<i64: 400, 128>}, {transform_indices = @transform_2, window_bounds = array<i64: 400, 128>}, {transform_indices = @transform_3, window_bounds = array<i64: 400, 1>}, {pipeline_mode = #tpu.pipeline_mode<synchronous>, transform_indices = @transform_4, window_bounds = array<i64: 1, 128>}, {transform_indices = @transform_5, window_bounds = array<i64: 400, 128>}]} {
    %get3A = arith.constant 0 : index
    %get3A_0 = arith.constant 0 : index
    %get3A_1 = vector.load %arg1[%get3A, %get3A_0] : memref<400x128xf32, #tpu.memory_space<vmem>>, vector<400x128xf32>
    %get3A_2 = arith.constant 0 : index
    %get3A_3 = arith.constant 0 : index
    %get3A_4 = vector.load %arg2[%get3A_2, %get3A_3] : memref<400x128xf32, #tpu.memory_space<vmem>>, vector<400x128xf32>
    %add3A = arith.addf %get3A_1, %get3A_4 : vector<400x128xf32>
    %get3A_5 = arith.constant 0 : index
    %get3A_6 = arith.constant 0 : index
    %get3A_7 = vector.load %arg3[%get3A_5, %get3A_6] : memref<400x128xf32, #tpu.memory_space<vmem>>, vector<400x128xf32>
    %add3A_8 = arith.addf %add3A, %get3A_7 : vector<400x128xf32>
    %get3A_9 = arith.constant 0 : index
    %get3A_10 = arith.constant 0 : index
    %get3A_11 = vector.load %arg4[%get3A_9, %get3A_10] : memref<400x1xf32, #tpu.memory_space<vmem>>, vector<400x1xf32>
    %mul3A = vector.broadcast %get3A_11 : vector<400x1xf32> to vector<400x128xf32>
    %mul3A_12 = arith.mulf %add3A_8, %mul3A : vector<400x128xf32>
    %get3A_13 = arith.constant 0 : index
    %get3A_14 = arith.constant 0 : index
    %get3A_15 = vector.load %arg5[%get3A_13, %get3A_14] : memref<1x128xf32, #tpu.memory_space<vmem>>, vector<1x128xf32>
    %add3A_16 = vector.broadcast %get3A_15 : vector<1x128xf32> to vector<400x128xf32>
    %add3A_17 = arith.addf %mul3A_12, %add3A_16 : vector<400x128xf32>
    %swap3A = arith.constant 0 : index
    %swap3A_18 = arith.constant 0 : index
    %swap3A_19 = vector.load %arg6[%swap3A, %swap3A_18] : memref<400x128xf32, #tpu.memory_space<vmem>>, vector<400x128xf32>
    tpu.vector_store %arg6[%swap3A, %swap3A_18], %add3A_17 {strides = array<i32>} : memref<400x128xf32, #tpu.memory_space<vmem>>, vector<400x128xf32>,
    return
  }
  func.func @transform_0(%arg0: i32) -> (i32, i32) {
    %c0_i32 = arith.constant 0 : i32
    %c0_i32_0 = arith.constant 0 : i32
    return %arg0, %c0_i32 : i32, i32
  }
  func.func @transform_1(%arg0: i32) -> (i32, i32) {
    %c0_i32 = arith.constant 0 : i32
    %c0_i32_0 = arith.constant 0 : i32
    return %arg0, %c0_i32 : i32, i32
  }
  func.func @transform_2(%arg0: i32) -> (i32, i32) {
    %c0_i32 = arith.constant 0 : i32
    %c0_i32_0 = arith.constant 0 : i32
    return %arg0, %c0_i32 : i32, i32
  }
  func.func @transform_3(%arg0: i32) -> (i32, i32) {
    %c0_i32 = arith.constant 0 : i32
    %c0_i32_0 = arith.constant 0 : i32
    return %arg0, %c0_i32 : i32, i32
  }
  func.func @transform_4(%arg0: i32) -> (i32, i32) {
    %c0_i32 = arith.constant 0 : i32
    %c0_i32_0 = arith.constant 0 : i32
    %c0_i32_1 = arith.constant 0 : i32
    return %c0_i32, %c0_i32_0 : i32, i32
  }
  func.func @transform_5(%arg0: i32) -> (i32, i32) {
    %c0_i32 = arith.constant 0 : i32
    %c0_i32_0 = arith.constant 0 : i32
    return %arg0, %c0_i32 : i32, i32
  }
}

</mosaic_0001>

<sc_bundles>
// kernel: kernel.11.cloned.1.call-start
scs
__scs_entry_jumppad:
0x0: {  	(pc) =	sbr.rel $0x88, $3  }
0x1: {  	(tag) =	ssettag $0x0;
	lr =	simm.s32 $0x1  }
0x2: {  	[smem:$0x3F9B] =	sst lr;
	_ =	strace $0xD0000000  }
0x3: {  	_ = 	snop  }
0x4: {  	_ = 	snop  }
0x5: {  	_ = 	snop  }
0x6: {  	_ = 	snop  }
0x7: {  	_ = 	snop  }
__scs_overlays_trampoline_lowered:
0x8: {  	[smem:$0x3FAA] =	sst s0  }
0x9: {  	[smem:$0x3FAB] =	sst s1  }
0xa: {  	[smem:$0x3FAC] =	sst s2  }
0xb: {  	[smem:$0x3FAD] =	sst s3  }
0xc: {  	[smem:$0x3FAE] =	sst s4  }
0xd: {  	[smem:$0x3FAF] =	sst s5  }
0xe: {  	[smem:$0x3FB0] =	sst s6  }
0xf: {  	[smem:$0x3FB1] =	sst s7  }
0x10: {  	[smem:$0x3FB2] =	sst s8  }
0x11: {  	[smem:$0x3FB3] =	sst s9;
	s0 =	simm.s32 @!p0 $0x0  }
0x12: {  	s1 =	sld [smem:$0x3F99];
	s0 =	simm.s32 @p0 $0x1  }
0x13: {  	[smem:$0x3FB4] =	sst s0;
	s0 =	simm.s32 @!p1 $0x0  }
0x14: {  	s2 =	sld [smem:$0x3F98];
	s0 =	simm.s32 @p1 $0x1  }
0x15: {  	[smem:$0x3FB5] =	sst s0;
	s0 =	simm.s32 @!p2 $0x0  }
0x16: {  	s3 =	sld [smem:$0x3FDB];
	s0 =	simm.s32 @p2 $0x1  }
0x17: {  	s4 =	simm.s32 $0x1BF5;
	[smem:$0x3FB7] =	sst s0  }
0x18: {  	s0 =	sld [smem:$0x3F9A];
	_ =	swait.ge [sflag:s4], $0x0  }
0x19: {  	s7 =	sld [smem:$0x3F9B]  }
0x1a: {  	s8 =	sadd.s32 $0xFFFFE003, lr  }
0x1b: {  	s9 =	sadd.s32 $0xFFFFFEF7, lr;
	s5 =	simm.s32 $0xFFFFFFFF;
	p2 =	slt.u32 s8, $0xFFFFF086  }
0x1c: {  	p1 =	slt.u32 s9, $0xF7A;
	s5 =	simm.s32 @!p2 $0x0  }
0x1d: {  	s5 =	simm.s32 @p1 $0x1;
	p0 =	seq.s32 s7, s2  }
0x1e: {  	s7 =	smul.u32 @!p0 $0xF7A, s2;
	p2 =	seq.s32 @!p0 s5, $0x0  }
0x1f: {  	s9 =	smul.u32 $0xF7A, s1;
	s8 =	simm.s32 @!p0 $0x1BF5;
	p2 =	por !p2, p0  }
0x20: {  	[sflag:s8] =	ssyncset.s32 @!p0 $0xFFFFF086;
	s6 =	sadd.s32 @!p0 s3, s7;
	s7 =	simm.s32 @!p0 $0x108  }
0x21: {  	s3 =	sadd.s32 s3, s9;
	s6 =	sadd.s32 @!p0 $0x88, s6;
	s7 =	simm.s32 @p2 $0x1082  }
0x22: {  	[simem:s7], [sflag:s8] =	dma.local @!p0 [hbm:s6], $0xF7A  }
0x23: {  	s9 =	sor.u32 $0xD0000000, s2;
	s6 =	simm.s32 $0x108;
	_ =	swait.ge @!p0 [sflag:s8], $0x0  }
0x24: {  	s3 =	sadd.s32 $0x88, s3;
	s6 =	simm.s32 @!p1 $0x1082;
	[sflag:s4] =	ssyncset.s32 $0xFFFFF086  }
0x25: {  	[simem:s6], [sflag:s4] =	dma.local [hbm:s3], $0xF7A  }
0x26: {  	[smem:$0x3F9B] =	sst s1;
	(tag) =	ssettag s2;
	_ =	strace s9  }
0x27: {  	s1 =	sld [smem:$0x3FAB]  }
0x28: {  	s2 =	sld [smem:$0x3FAC]  }
0x29: {  	s4 =	sld [smem:$0x3FAE]  }
0x2a: {  	p0 =	seq.s32 s5, $0x0;
	s5 =	sld [smem:$0x3FAF]  }
0x2b: {  	s6 =	sld [smem:$0x3FB0]  }
0x2c: {  	s7 =	sld [smem:$0x3FB1]  }
0x2d: {  	s3 =	simm.s32 $0x108;
	s8 =	sld [smem:$0x3FB2]  }
0x2e: {  	s3 =	simm.s32 @!p0 $0x1082;
	s9 =	sld [smem:$0x3FB3]  }
0x2f: {  	lr =	sadd.s32 s0, s3;
	s0 =	sld [smem:$0x3FAA]  }
0x30: {  	s3 =	sld [smem:$0x3FAD]  }
0x31: {  	[smem:$0x3FB6] =	sst s10  }
0x32: {  	s10 =	sld [smem:$0x3FB4];
	_ =	sdelay $0x3  }
0x33: {  	p0 =	seq.s32 s10, $0x1;
	s10 =	sld [smem:$0x3FB6];
	_ =	sdelay $0x3  }
0x34: {  	[smem:$0x3FB6] =	sst s10  }
0x35: {  	s10 =	sld [smem:$0x3FB5];
	_ =	sdelay $0x3  }
0x36: {  	p1 =	seq.s32 s10, $0x1;
	s10 =	sld [smem:$0x3FB6];
	_ =	sdelay $0x3  }
0x37: {  	[smem:$0x3FB6] =	sst s10  }
0x38: {  	s10 =	sld [smem:$0x3FB7]  }
0x39: {  	_ = 	snop;
	(pc) =	sbr.ind lr, $3  }
0x3a: {  	_ = 	snop  }
0x3b: {  	_ = 	snop  }
0x3c: {  	p2 =	seq.s32 s10, $0x1;
	s10 =	sld [smem:$0x3FB6]  }
0x3d: {  	_ =	shalt  }
0x3e: {  	_ =	shalt  }
0x3f: {  	_ =	shalt  }
0x40: {  	_ =	shalt  }
0x41: {  	_ =	shalt  }
0x42: {  	_ =	shalt  }
0x43: {  	_ =	shalt  }
0x44: {  	_ =	shalt  }
0x45: {  	_ =	shalt  }
0x46: {  	_ =	shalt  }
0x47: {  	_ =	shalt  }
0x48: {  	_ =	shalt  }
0x49: {  	_ =	shalt  }
0x4a: {  	_ =	shalt  }
0x4b: {  	_ =	shalt  }
0x4c: {  	_ =	shalt  }
0x4d: {  	_ =	shalt  }
0x4e: {  	_ =	shalt  }
0x4f: {  	_ =	shalt  }
0x50: {  	_ =	shalt  }
0x51: {  	_ =	shalt  }
0x52: {  	_ =	shalt  }
0x53: {  	_ =	shalt  }
0x54: {  	_ =	shalt  }
0x55: {  	_ =	shalt  }
0x56: {  	_ =	shalt  }
0x57: {  	_ =	shalt  }
0x58: {  	_ =	shalt  }
0x59: {  	_ =	shalt  }
0x5a: {  	_ =	shalt  }
0x5b: {  	_ =	shalt  }
0x5c: {  	_ =	shalt  }
0x5d: {  	_ =	shalt  }
0x5e: {  	_ =	shalt  }
0x5f: {  	_ =	shalt  }
0x60: {  	_ =	shalt  }
0x61: {  	_ =	shalt  }
0x62: {  	_ =	shalt  }
0x63: {  	_ =	shalt  }
0x64: {  	_ =	shalt  }
0x65: {  	_ =	shalt  }
0x66: {  	_ =	shalt  }
0x67: {  	_ =	shalt  }
0x68: {  	_ =	shalt  }
0x69: {  	_ =	shalt  }
0x6a: {  	_ =	shalt  }
0x6b: {  	_ =	shalt  }
0x6c: {  	_ =	shalt  }
0x6d: {  	_ =	shalt  }
0x6e: {  	_ =	shalt  }
0x6f: {  	_ =	shalt  }
0x70: {  	_ =	shalt  }
0x71: {  	_ =	shalt  }
0x72: {  	_ =	shalt  }
0x73: {  	_ =	shalt  }
0x74: {  	_ =	shalt  }
0x75: {  	_ =	shalt  }
0x76: {  	_ =	shalt  }
0x77: {  	_ =	shalt  }
0x78: {  	_ =	shalt  }
0x79: {  	_ =	shalt  }
0x7a: {  	_ =	shalt  }
0x7b: {  	_ =	shalt  }
0x7c: {  	_ =	shalt  }
0x7d: {  	_ =	shalt  }
0x7e: {  	_ =	shalt  }
0x7f: {  	_ =	shalt  }
0x80: {  	_ =	shalt  }
0x81: {  	_ =	shalt  }
0x82: {  	_ =	shalt  }
0x83: {  	_ =	shalt  }
0x84: {  	_ =	shalt  }
0x85: {  	_ =	shalt  }
0x86: {  	_ =	shalt  }
0x87: {  	_ =	shalt  }
.Lfunc_end0:
.L_simem_size_0:
called_computation.1_lowered:
.L_overlay_start_0:
0x88: {  	s2 =	sld [smem:$0x3FD9]  }
0x89: {  	s3 =	sld [smem:$0x3FFE];
	_ =	sdelay $0x1  }
0x8a: {  	s1 =	srdreg.scid  }
0x8b: {  	s0 =	sand.u32 $0x1, s1  }
0x8c: {  	s17 =	sshll.u32 s0, $0xA;
	s2 =	sadd.s32 s3, s2  }
0x8d: {  	s2 =	sadd.s32 s2, s17  }
0x8e: {  	[smem:$0x3FC2] =	sst s2  }
0x8f: {  	_ = 	snop  }
0x90: {  	s2 =	sld [smem:$0x3FD0];
	(tm) =	ssettm $0x1  }
0x91: {  	s18 =	sld [smem:$0x3FFB];
	_ =	sdelay $0x3  }
0x92: {  	_ =	strace s18  }
0x93: {  	s3 =	sld [smem:$0x3FFC];
	_ =	sdelay $0x3  }
0x94: {  	_ =	strace s3  }
0x95: {  	s3 =	sld [smem:$0x3FFD];
	_ =	sdelay $0x3  }
0x96: {  	_ =	strace s3  }
0x97: {  	_ =	strace $0x8FFFFFFF  }
0x98: {  	s19 =	sld [smem:$0x3FDB];
	_ =	sdelay $0x1  }
0x99: {  	s4 =	simm.s32 $_scs_section_size  }
0x9a: {  	s5 =	simm.s32 $_size__tile_overlayer_lowered;
	s6 =	simm.s32 $_tile_overlayer_lowered  }
0x9b: {  	s22 =	simm.s32 $0x1BFF;
	s21 =	sshll.u32 s6, $0x1;
	s3 =	sadd.s32 s4, s19  }
0x9c: {  	s7 =	simm.s32 $0x0;
	s20 =	sshll.u32 s5, $0x1;
	s5 =	sadd.s32 s21, s3  }
0x9d: {  	[timem:s7], [sflag:s22] =	dma.local [hbm:s5], s20  }
0x9e: {  	_ =	swait.ge [sflag:s22], s20  }
0x9f: {  	s4 =	ssub.s32 $0x0, s20;
	[sflag:s22] =	ssyncset.done $0x0  }
0xa0: {  	[sflag:s22] =	ssyncadd.s32 s4;
	_ =	sdelay $0x1  }
0xa1: {  	s23 =	simm.s32 $0x1B8B  }
0xa2: {  	_ =	swait.ge [sflag:s23], $0x1  }
0xa3: {  	[sflag:s23] =	ssyncset.done $0x0  }
0xa4: {  	s25 =	simm.s32 $0x1B8E;
	s24 =	sld [smem:$0x3FFE];
	[sflag:s23] =	ssyncadd.s32 $0xFFFFFFFF  }
0xa5: {  	s26 =	simm.s32 $execute0_lowered;
	[smem:$0x3FD2] =	sst s25  }
0xa6: {  	s5 =	sshll.u32 s26, $0x1;
	_ =	strace $0x80000049;
	[dreg:$0x1] =	wrdreg $0xFFFFFFFF  }
0xa7: {  	s28 =	simm.s32 $_size_execute0_lowered;
	s3 =	sadd.s32 s3, s5;
	[dreg:$0x0] =	wrdreg $0x0  }
0xa8: {  	s5 =	sshll.u32 s28, $0x1;
	[dreg:$0x2] =	wrdreg s3  }
0xa9: {  	[dreg:$0x3] =	wrdreg s5  }
0xaa: {  	[dreg:$0x4] =	wrdreg $0xC0  }
0xab: {  	_ =	task [dreg:s7], $0x5FFFF  }
0xac: {  	[dreg:$0x1] =	wrdreg $0xFFFFFFFF  }
0xad: {  	[dreg:$0x0] =	wrdreg $0x60  }
0xae: {  	[dreg:$0x2] =	wrdreg s24  }
0xaf: {  	[dreg:$0x3] =	wrdreg s2  }
0xb0: {  	[dreg:$0x4] =	wrdreg $0x49000  }
0xb1: {  	[dreg:$0x5] =	wrdreg $0x9  }
0xb2: {  	_ =	task.clear_ibuf [dreg:s7], $0x6FFFF;
	_ =	strace $0x90000049  }
0xb3: {  	s29 =	simm.s32 $0x9;
	_ =	strace $0x8000004B  }
0xb4: {  	_ =	swait.ge [sflag:s29], $0x1  }
0xb5: {  	[sflag:s29] =	ssyncadd.s32 $0xFFFFFFFF  }
0xb6: {  	_ =	strace $0x9000004B  }
0xb7: {  	_ =	sfence  }
0xb8: {  	s30 =	sld [smem:$0x0];
	_ =	sdelay $0x2  }
0xb9: {  	s31 =	sshll.u32 s1, $0xD;
	s1 =	sshrl.u32 s1, $0x2  }
0xba: {  	s3 =	sand.u32 $0x4000, s31;
	s1 =	sadd.s32 s1, s30  }
0xbb: {  	s0 =	sor.u32 s3, s0;
	s1 =	sshll.u32 s1, $0x11  }
0xbc: {  	s0 =	sor.u32 s1, s0  }
0xbd: {  	s0 =	sadd.s32 $0x8F2B, s0  }
0xbe: {  	[sflag:s0] =	ssyncadd.remote.s32 $0x1  }
0xbf: {  	_ =	sfence.sel $0xFFFF  }
0xc0: {  	[dreg:$0x0] =	wrdreg $0xFFFFFFFF;
	(pc) =	sbr.abs _section_cstart, $3  }
0xc1: {  	[dreg:$0x1] =	wrdreg $0xFFFFFFFF  }
0xc2: {  	_ =	task.clear_ibuf [dreg:s7], $0x2FFFF;
	_ =	strace $0x9FFFFFFF  }
0xc3: {  	(tm) =	ssettm $0x7FFFFFFF  }
tec
execute0_lowered:
.L_overlay_start_1:
0x0: {  	(tag) =	ssettag $0x1  }
0x1: {  	s0 =	rddreg [dreg:$0x0]  }
0x2: {  	s2 =	rddreg [dreg:$0x1];
	s23 =	stileid.u32  }
0x3: {  	s3 =	rddreg [dreg:$0x2];
	s1 =	smul.u32 $0x9C4, s23  }
0x4: {  	s4 =	simm.s32 $0x0;
	s5 =	srdreg.scid;
	s7 =	smul.u32 $0x50000, s23  }
0x5: {  	[smem:$0x7FF] =	sst s4;
	s6 =	sand.u32 $0x1, s5;
	s15 =	smul.u32 $0x280, s23  }
0x6: {  	s5 =	sadd.s32 $0x16200, s0;
	s8 =	sadd.s32 $0x3D400, s0;
	s31 =	smul.u32 $0x2800, s23  }
0x7: {  	_ =	strace $0x8000004A;
	[dreg:$0x4] =	wrdreg s8;
	s24 =	ssub.s32 $0x2, s6  }
0x8: {  	p0 =	sne.s32 s6, $0x0;
	s1 =	sadd.s32 s1, s0;
	s9 =	sshrl.u32 s24, $0x1  }
0x9: {  	s7 =	sshrl.u32 s7, $0x2;
	s0 =	sadd.s32 $0x65400, s0;
	s25 =	sor.u32 $0x40, s15  }
0xa: {  	s18 =	sadd.s32 $0x80, s15;
	s19 =	sadd.s32 $0xC0, s15;
	s20 =	sadd.s32 $0x100, s15  }
0xb: {  	s21 =	sadd.s32 $0x140, s15;
	s22 =	sadd.s32 $0x180, s15;
	s6 =	sadd.s32 $0x200, s15  }
0xc: {  	s26 =	sadd.s32 $0x240, s15;
	[dreg:$0x5] =	wrdreg s0;
	s0 =	ssub.s32 s24, s9  }
0xd: {  	s8 =	sadd.s32 s7, s3;
	s16 =	sshll.u32 s25, $0x7;
	s10 =	sshll.u32 s18, $0x7  }
0xe: {  	s11 =	sshll.u32 s19, $0x7;
	s12 =	sshll.u32 s20, $0x7;
	s13 =	sshll.u32 s21, $0x7  }
0xf: {  	s14 =	sshll.u32 s22, $0x7;
	s24 =	sadd.s32 $0x1C0, s15;
	s7 =	sshll.u32 s25, $0x4  }
0x10: {  	s18 =	sshll.u32 s18, $0x4;
	s19 =	sshll.u32 s19, $0x4;
	s20 =	sshll.u32 s20, $0x4  }
0x11: {  	s21 =	sshll.u32 s21, $0x4;
	s22 =	sshll.u32 s22, $0x4;
	s29 =	sadd.s32 $0x2600, s1  }
0x12: {  	s30 =	sadd.s32 $0xC400, s1;
	s1 =	simm.s32 $0x2;
	[dreg:$0x6] =	wrdreg s7  }
0x13: {  	s9 =	sadd.s32 s16, s3;
	s10 =	sadd.s32 s10, s3;
	[dreg:$0x7] =	wrdreg s18  }
0x14: {  	s11 =	sadd.s32 s11, s3;
	s12 =	sadd.s32 s12, s3;
	[dreg:$0x8] =	wrdreg s19  }
0x15: {  	s13 =	sadd.s32 s13, s3;
	s14 =	sadd.s32 s14, s3;
	[dreg:$0x9] =	wrdreg s20  }
0x16: {  	s17 =	sshll.u32 s24, $0x7;
	s16 =	sshll.u32 s6, $0x7;
	[dreg:$0xa] =	wrdreg s21  }
0x17: {  	[dreg:$0xb] =	wrdreg s22;
	s25 =	sshll.u32 s24, $0x4;
	s6 =	sshll.u32 s6, $0x4  }
.Ltmp0:
0x18: {  	s28 =	smax.u32 s0, $0x1;
	s0 =	simm.s32 $0x2900;
	(pc) =	sbr.rel .LBB2_1-.Ltmp0, $4  }
0x19: {  	s7 =	simm.s32 $0x50;
	s18 =	simm.s32 $0x100;
	s19 =	simm.s32 $0x1  }
0x1a: {  	s20 =	simm.s32 $0x0;
	s15 =	sadd.s32 s17, s3;
	[dreg:$0xc] =	wrdreg s25  }
0x1b: {  	s16 =	sadd.s32 s16, s3;
	s17 =	sshll.u32 s26, $0x7;
	[dreg:$0xd] =	wrdreg s6  }
0x1c: {  	v0 =	vimm.f32 $0.0e+00;
	s26 =	sshll.u32 s26, $0x4;
	s6 =	simm.s32 $0x80;
	s17 =	sadd.s32 s17, s3  }
.LBB2_9:
0x1d: {  	s22 =	sadd.s32 s21, s30;
	[sflag:s1] =	ssyncadd.s32 $0xFFFFD800  }
0x1e: {  	[tilespmem:s4], [sflag:$0x2] =	stream.linear.gather [hbm4b:s22+s4], $0x50, $0x38;
	[tilespmem:$0x18900] =	vst v63  }
0x1f: {  	_ =	swait.ge [sflag:s1], $0x50  }
0x20: {  	[sflag:s1] =	ssyncset.done $0x0  }
0x21: {  	s25 =	sadd.s32 s21, s29;
	[sflag:s1] =	ssyncadd.s32 $0xFFFFFFB0  }
0x22: {  	[tilespmem:s6], [sflag:$0x2] =	stream.linear.gather [hbm4b:s25+s4], $0x50, $0x38;
	[tilespmem:$0x18900] =	vst v63  }
0x23: {  	_ =	swait.ge [sflag:s1], $0x50  }
0x24: {  	[sflag:s1] =	ssyncset.done $0x0  }
0x25: {  	[sflag:s1] =	ssyncadd.s32 $0xFFFFFFB0  }
0x26: {  	[tilespmem:s18], [sflag:$0x1] =	stream.indirect.gather [hbm4b:s5+s7], $0x80, s4, s7, $0xb8;
	[tilespmem:$0x18900] =	vst v63  }
0x27: {  	_ =	swait.ge [sflag:s19], $0x2800  }
0x28: {  	[sflag:s19] =	ssyncset.done $0x0  }
0x29: {  	[sflag:s19] =	ssyncadd.s32 $0xFFFFD800  }
0x2a: {  	[spmem:s3] =	stream.indirect.scatter.add.f32 [tilespmem:s18], [sflag:$0x2], $0x80, s6, s7, $0xb8;
	[tilespmem:$0x18900] =	vst v63  }
0x2b: {  	_ =	swait.ge [sflag:s1], $0x2800  }
0x2c: {  	[sflag:s1] =	ssyncset.done $0x0  }
0x2d: {  	s21 =	rddreg [dreg:$0x5];
	[sflag:s1] =	ssyncadd.s32 $0xFFFFD800  }
.LBB2_10:
0x2e: {  	[bflag:$0x0] =	sbarrier.arrive $0xFFFF  }
0x2f: {  	[tilespmem:s0], [sflag:$0x2] =	stream.linear.gather [spmem:s8], $0x2000, $0x38;
	[tilespmem:$0x18900] =	vst v63  }
0x30: {  	_ =	swait.ge [sflag:s1], $0x2000  }
0x31: {  	[sflag:s1] =	ssyncset.done $0x0  }
0x32: {  	s22 =	sadd.s32 s21, s31;
	[sflag:s1] =	ssyncadd.s32 $0xFFFFE000  }
0x33: {  	[hbm4b:s22+s4] =	stream.linear.scatter [tilespmem:s0], [sflag:$0x2], $0x2000, $0x38;
	[tilespmem:$0x18900] =	vst v63  }
0x34: {  	_ =	swait.ge [sflag:s1], $0x2000  }
0x35: {  	[sflag:s1] =	ssyncset.done $0x0  }
0x36: {  	[sflag:s1] =	ssyncadd.s32 $0xFFFFE000  }
0x37: {  	[tilespmem:s0], [sflag:$0x2] =	stream.linear.gather [spmem:s9], $0x2000, $0x38;
	[tilespmem:$0x18900] =	vst v63  }
0x38: {  	_ =	swait.ge [sflag:s1], $0x2000  }
0x39: {  	[sflag:s1] =	ssyncset.done $0x0;
	s23 =	rddreg [dreg:$0x6]  }
0x3a: {  	[sflag:s1] =	ssyncadd.s32 $0xFFFFE000;
	s22 =	sadd.s32 s21, s23  }
0x3b: {  	[hbm4b:s22+s4] =	stream.linear.scatter [tilespmem:s0], [sflag:$0x2], $0x2000, $0x38;
	[tilespmem:$0x18900] =	vst v63  }
0x3c: {  	_ =	swait.ge [sflag:s1], $0x2000  }
0x3d: {  	[sflag:s1] =	ssyncset.done $0x0  }
0x3e: {  	[sflag:s1] =	ssyncadd.s32 $0xFFFFE000  }
0x3f: {  	[tilespmem:s0], [sflag:$0x2] =	stream.linear.gather [spmem:s10], $0x2000, $0x38;
	[tilespmem:$0x18900] =	vst v63  }
0x40: {  	_ =	swait.ge [sflag:s1], $0x2000  }
0x41: {  	[sflag:s1] =	ssyncset.done $0x0;
	s24 =	rddreg [dreg:$0x7]  }
0x42: {  	[sflag:s1] =	ssyncadd.s32 $0xFFFFE000;
	s22 =	sadd.s32 s21, s24  }
0x43: {  	[hbm4b:s22+s4] =	stream.linear.scatter [tilespmem:s0], [sflag:$0x2], $0x2000, $0x38;
	[tilespmem:$0x18900] =	vst v63  }
0x44: {  	_ =	swait.ge [sflag:s1], $0x2000  }
0x45: {  	[sflag:s1] =	ssyncset.done $0x0  }
0x46: {  	[sflag:s1] =	ssyncadd.s32 $0xFFFFE000  }
0x47: {  	[tilespmem:s0], [sflag:$0x2] =	stream.linear.gather [spmem:s11], $0x2000, $0x38;
	[tilespmem:$0x18900] =	vst v63  }
0x48: {  	_ =	swait.ge [sflag:s1], $0x2000  }
0x49: {  	[sflag:s1] =	ssyncset.done $0x0;
	s25 =	rddreg [dreg:$0x8]  }
0x4a: {  	[sflag:s1] =	ssyncadd.s32 $0xFFFFE000;
	s22 =	sadd.s32 s21, s25  }
0x4b: {  	[hbm4b:s22+s4] =	stream.linear.scatter [tilespmem:s0], [sflag:$0x2], $0x2000, $0x38;
	[tilespmem:$0x18900] =	vst v63  }
0x4c: {  	_ =	swait.ge [sflag:s1], $0x2000  }
0x4d: {  	[sflag:s1] =	ssyncset.done $0x0  }
0x4e: {  	[sflag:s1] =	ssyncadd.s32 $0xFFFFE000  }
0x4f: {  	[tilespmem:s0], [sflag:$0x2] =	stream.linear.gather [spmem:s12], $0x2000, $0x38;
	[tilespmem:$0x18900] =	vst v63  }
0x50: {  	_ =	swait.ge [sflag:s1], $0x2000  }
0x51: {  	[sflag:s1] =	ssyncset.done $0x0;
	s23 =	rddreg [dreg:$0x9]  }
0x52: {  	[sflag:s1] =	ssyncadd.s32 $0xFFFFE000;
	s22 =	sadd.s32 s21, s23  }
0x53: {  	[hbm4b:s22+s4] =	stream.linear.scatter [tilespmem:s0], [sflag:$0x2], $0x2000, $0x38;
	[tilespmem:$0x18900] =	vst v63  }
0x54: {  	_ =	swait.ge [sflag:s1], $0x2000  }
0x55: {  	[sflag:s1] =	ssyncset.done $0x0  }
0x56: {  	[sflag:s1] =	ssyncadd.s32 $0xFFFFE000  }
0x57: {  	[tilespmem:s0], [sflag:$0x2] =	stream.linear.gather [spmem:s13], $0x2000, $0x38;
	[tilespmem:$0x18900] =	vst v63  }
0x58: {  	_ =	swait.ge [sflag:s1], $0x2000  }
0x59: {  	[sflag:s1] =	ssyncset.done $0x0;
	s24 =	rddreg [dreg:$0xa]  }
0x5a: {  	[sflag:s1] =	ssyncadd.s32 $0xFFFFE000;
	s22 =	sadd.s32 s21, s24  }
0x5b: {  	[hbm4b:s22+s4] =	stream.linear.scatter [tilespmem:s0], [sflag:$0x2], $0x2000, $0x38;
	[tilespmem:$0x18900] =	vst v63  }
0x5c: {  	_ =	swait.ge [sflag:s1], $0x2000  }
0x5d: {  	[sflag:s1] =	ssyncset.done $0x0  }
0x5e: {  	[sflag:s1] =	ssyncadd.s32 $0xFFFFE000  }
0x5f: {  	[tilespmem:s0], [sflag:$0x2] =	stream.linear.gather [spmem:s14], $0x2000, $0x38;
	[tilespmem:$0x18900] =	vst v63  }
0x60: {  	_ =	swait.ge [sflag:s1], $0x2000  }
0x61: {  	[sflag:s1] =	ssyncset.done $0x0;
	s25 =	rddreg [dreg:$0xb]  }
0x62: {  	[sflag:s1] =	ssyncadd.s32 $0xFFFFE000;
	s22 =	sadd.s32 s21, s25  }
0x63: {  	[hbm4b:s22+s4] =	stream.linear.scatter [tilespmem:s0], [sflag:$0x2], $0x2000, $0x38;
	[tilespmem:$0x18900] =	vst v63  }
0x64: {  	_ =	swait.ge [sflag:s1], $0x2000  }
0x65: {  	[sflag:s1] =	ssyncset.done $0x0  }
0x66: {  	[sflag:s1] =	ssyncadd.s32 $0xFFFFE000  }
0x67: {  	[tilespmem:s0], [sflag:$0x2] =	stream.linear.gather [spmem:s15], $0x2000, $0x38;
	[tilespmem:$0x18900] =	vst v63  }
0x68: {  	_ =	swait.ge [sflag:s1], $0x2000  }
0x69: {  	[sflag:s1] =	ssyncset.done $0x0;
	s23 =	rddreg [dreg:$0xc]  }
0x6a: {  	[sflag:s1] =	ssyncadd.s32 $0xFFFFE000;
	s22 =	sadd.s32 s21, s23  }
0x6b: {  	[hbm4b:s22+s4] =	stream.linear.scatter [tilespmem:s0], [sflag:$0x2], $0x2000, $0x38;
	[tilespmem:$0x18900] =	vst v63  }
0x6c: {  	_ =	swait.ge [sflag:s1], $0x2000  }
0x6d: {  	[sflag:s1] =	ssyncset.done $0x0  }
0x6e: {  	[sflag:s1] =	ssyncadd.s32 $0xFFFFE000  }
0x6f: {  	[tilespmem:s0], [sflag:$0x2] =	stream.linear.gather [spmem:s16], $0x2000, $0x38;
	[tilespmem:$0x18900] =	vst v63  }
0x70: {  	_ =	swait.ge [sflag:s1], $0x2000  }
0x71: {  	[sflag:s1] =	ssyncset.done $0x0;
	s24 =	rddreg [dreg:$0xd]  }
0x72: {  	[sflag:s1] =	ssyncadd.s32 $0xFFFFE000;
	s22 =	sadd.s32 s21, s24  }
0x73: {  	[hbm4b:s22+s4] =	stream.linear.scatter [tilespmem:s0], [sflag:$0x2], $0x2000, $0x38;
	[tilespmem:$0x18900] =	vst v63  }
0x74: {  	_ =	swait.ge [sflag:s1], $0x2000  }
0x75: {  	[sflag:s1] =	ssyncset.done $0x0  }
0x76: {  	[sflag:s1] =	ssyncadd.s32 $0xFFFFE000  }
0x77: {  	[tilespmem:s0], [sflag:$0x2] =	stream.linear.gather [spmem:s17], $0x2000, $0x38;
	[tilespmem:$0x18900] =	vst v63  }
0x78: {  	s20 =	sadd.s32 $0x1, s20;
	_ =	swait.ge [sflag:s1], $0x2000  }
0x79: {  	p1 =	sne.s32 s20, s28;
	[sflag:s1] =	ssyncset.done $0x0  }
.Ltmp1:
0x7a: {  	s25 =	sadd.s32 s21, s26;
	[sflag:s1] =	ssyncadd.s32 $0xFFFFE000;
	(pc) =	sbr.rel @!p1 .LBB2_11-.Ltmp1, $4  }
0x7b: {  	[hbm4b:s25+s4] =	stream.linear.scatter [tilespmem:s0], [sflag:$0x2], $0x2000, $0x38;
	[tilespmem:$0x18900] =	vst v63  }
0x7c: {  	_ =	swait.ge [sflag:s1], $0x2000  }
0x7d: {  	[sflag:s1] =	ssyncset.done $0x0  }
0x7e: {  	[sflag:s1] =	ssyncadd.s32 $0xFFFFE000  }
.LBB2_1:
0x7f: {  	s21 =	simm.s32 $0x0;
	s22 =	simm.s32 $0x200  }
.LBB2_2:
0x80: {  	p1 =	sne.s32 s22, $0x7E00;
	[tilespmem:s21+$0x2970] =	vst v0  }
0x81: {  	[tilespmem:s21+$0x2900] =	vst v0  }
0x82: {  	[tilespmem:s21+$0x2910] =	vst v0  }
.Ltmp2:
0x83: {  	[tilespmem:s21+$0x2920] =	vst v0;
	(pc) =	sbr.rel @p1 .LBB2_2-.Ltmp2, $4  }
0x84: {  	[tilespmem:s21+$0x2930] =	vst v0  }
0x85: {  	[tilespmem:s21+$0x2940] =	vst v0  }
0x86: {  	[tilespmem:s21+$0x2950] =	vst v0  }
0x87: {  	[tilespmem:s21+$0x2960] =	vst v0;
	s21 =	sshra.s32 s22, $0x2;
	s22 =	sadd.s32 $0x200, s22  }
0x88: {  	[tilespmem:s21+$0x2970] =	vst v0  }
0x89: {  	[tilespmem:s21+$0x2900] =	vst v0  }
0x8a: {  	[tilespmem:s21+$0x2910] =	vst v0  }
0x8b: {  	[tilespmem:s21+$0x2920] =	vst v0  }
0x8c: {  	[tilespmem:s21+$0x2930] =	vst v0  }
0x8d: {  	[tilespmem:s21+$0x2940] =	vst v0  }
0x8e: {  	[tilespmem:s21+$0x2950] =	vst v0  }
0x8f: {  	[tilespmem:s21+$0x2960] =	vst v0  }
0x90: {  	[spmem:s8] =	stream.linear.scatter [tilespmem:s0], [sflag:$0x2], $0x2000, $0x38;
	[tilespmem:$0x18900] =	vst v63  }
0x91: {  	_ =	swait.ge [sflag:s1], $0x2000  }
0x92: {  	[sflag:s1] =	ssyncset.done $0x0  }
0x93: {  	[sflag:s1] =	ssyncadd.s32 $0xFFFFE000  }
0x94: {  	[spmem:s9] =	stream.linear.scatter [tilespmem:s0], [sflag:$0x2], $0x2000, $0x38;
	[tilespmem:$0x18900] =	vst v63  }
0x95: {  	_ =	swait.ge [sflag:s1], $0x2000  }
0x96: {  	[sflag:s1] =	ssyncset.done $0x0  }
0x97: {  	[sflag:s1] =	ssyncadd.s32 $0xFFFFE000  }
0x98: {  	[spmem:s10] =	stream.linear.scatter [tilespmem:s0], [sflag:$0x2], $0x2000, $0x38;
	[tilespmem:$0x18900] =	vst v63  }
0x99: {  	_ =	swait.ge [sflag:s1], $0x2000  }
0x9a: {  	[sflag:s1] =	ssyncset.done $0x0  }
0x9b: {  	[sflag:s1] =	ssyncadd.s32 $0xFFFFE000  }
0x9c: {  	[spmem:s11] =	stream.linear.scatter [tilespmem:s0], [sflag:$0x2], $0x2000, $0x38;
	[tilespmem:$0x18900] =	vst v63  }
0x9d: {  	_ =	swait.ge [sflag:s1], $0x2000  }
0x9e: {  	[sflag:s1] =	ssyncset.done $0x0  }
0x9f: {  	[sflag:s1] =	ssyncadd.s32 $0xFFFFE000  }
0xa0: {  	[spmem:s12] =	stream.linear.scatter [tilespmem:s0], [sflag:$0x2], $0x2000, $0x38;
	[tilespmem:$0x18900] =	vst v63  }
0xa1: {  	_ =	swait.ge [sflag:s1], $0x2000  }
0xa2: {  	[sflag:s1] =	ssyncset.done $0x0  }
0xa3: {  	[sflag:s1] =	ssyncadd.s32 $0xFFFFE000  }
0xa4: {  	[spmem:s13] =	stream.linear.scatter [tilespmem:s0], [sflag:$0x2], $0x2000, $0x38;
	[tilespmem:$0x18900] =	vst v63  }
0xa5: {  	_ =	swait.ge [sflag:s1], $0x2000  }
0xa6: {  	[sflag:s1] =	ssyncset.done $0x0  }
0xa7: {  	[sflag:s1] =	ssyncadd.s32 $0xFFFFE000  }
0xa8: {  	[spmem:s14] =	stream.linear.scatter [tilespmem:s0], [sflag:$0x2], $0x2000, $0x38;
	[tilespmem:$0x18900] =	vst v63  }
0xa9: {  	_ =	swait.ge [sflag:s1], $0x2000  }
0xaa: {  	[sflag:s1] =	ssyncset.done $0x0  }
0xab: {  	[sflag:s1] =	ssyncadd.s32 $0xFFFFE000  }
0xac: {  	[spmem:s15] =	stream.linear.scatter [tilespmem:s0], [sflag:$0x2], $0x2000, $0x38;
	[tilespmem:$0x18900] =	vst v63  }
0xad: {  	_ =	swait.ge [sflag:s1], $0x2000  }
0xae: {  	[sflag:s1] =	ssyncset.done $0x0  }
0xaf: {  	[sflag:s1] =	ssyncadd.s32 $0xFFFFE000  }
0xb0: {  	[spmem:s16] =	stream.linear.scatter [tilespmem:s0], [sflag:$0x2], $0x2000, $0x38;
	[tilespmem:$0x18900] =	vst v63  }
0xb1: {  	_ =	swait.ge [sflag:s1], $0x2000  }
0xb2: {  	[sflag:s1] =	ssyncset.done $0x0  }
0xb3: {  	[sflag:s1] =	ssyncadd.s32 $0xFFFFE000  }
0xb4: {  	[spmem:s17] =	stream.linear.scatter [tilespmem:s0], [sflag:$0x2], $0x2000, $0x38;
	[tilespmem:$0x18900] =	vst v63  }
.Ltmp3:
0xb5: {  	_ =	swait.ge [sflag:s1], $0x2000;
	(pc) =	sbr.rel @p0 .LBB2_7-.Ltmp3, $4  }
0xb6: {  	[sflag:s1] =	ssyncset.done $0x0  }
0xb7: {  	[sflag:s1] =	ssyncadd.s32 $0xFFFFE000  }
0xb8: {  	[bflag:$0x0] =	sbarrier.arrive $0xFFFF  }
0xb9: {  	s21 =	sadd.s32 $0x0, s30  }
0xba: {  	[tilespmem:s4], [sflag:$0x2] =	stream.linear.gather [hbm4b:s21+s4], $0x50, $0x38;
	[tilespmem:$0x18900] =	vst v63  }
0xbb: {  	_ =	swait.ge [sflag:s1], $0x50  }
0xbc: {  	[sflag:s1] =	ssyncset.done $0x0  }
0xbd: {  	s25 =	sadd.s32 $0x0, s29;
	[sflag:s1] =	ssyncadd.s32 $0xFFFFFFB0  }
0xbe: {  	[tilespmem:s6], [sflag:$0x2] =	stream.linear.gather [hbm4b:s25+s4], $0x50, $0x38;
	[tilespmem:$0x18900] =	vst v63  }
0xbf: {  	_ =	swait.ge [sflag:s1], $0x50  }
0xc0: {  	[sflag:s1] =	ssyncset.done $0x0  }
0xc1: {  	[sflag:s1] =	ssyncadd.s32 $0xFFFFFFB0  }
0xc2: {  	[tilespmem:s18], [sflag:$0x1] =	stream.indirect.gather [hbm4b:s2+s7], $0x80, s4, s7, $0xb8;
	[tilespmem:$0x18900] =	vst v63  }
0xc3: {  	_ =	swait.ge [sflag:s19], $0x2800  }
0xc4: {  	[sflag:s19] =	ssyncset.done $0x0  }
0xc5: {  	[sflag:s19] =	ssyncadd.s32 $0xFFFFD800  }
0xc6: {  	[spmem:s3] =	stream.indirect.scatter.add.f32 [tilespmem:s18], [sflag:$0x2], $0x80, s6, s7, $0xb8;
	[tilespmem:$0x18900] =	vst v63  }
0xc7: {  	_ =	swait.ge [sflag:s1], $0x2800  }
0xc8: {  	s21 =	simm.s32 $0xA;
	s22 =	simm.s32 $0x14;
	[sflag:s1] =	ssyncset.done $0x0  }
.LBB2_5:
0xc9: {  	s23 =	sadd.s32 s21, s30  }
0xca: {  	[sflag:s1] =	ssyncadd.s32 $0xFFFFD800;
	s24 =	smov.u32 s22;
	s25 =	sadd.s32 $0xA, s22  }
0xcb: {  	[tilespmem:s4], [sflag:$0x2] =	stream.linear.gather [hbm4b:s23+s4], $0x50, $0x38;
	[tilespmem:$0x18900] =	vst v63  }
0xcc: {  	p1 =	seq.s32 s22, $0x9BA;
	_ =	swait.ge [sflag:s1], $0x50  }
0xcd: {  	[sflag:s1] =	ssyncset.done $0x0  }
0xce: {  	s22 =	sadd.s32 s21, s29;
	s21 =	smov.u32 s24;
	[sflag:s1] =	ssyncadd.s32 $0xFFFFFFB0  }
0xcf: {  	[tilespmem:s6], [sflag:$0x2] =	stream.linear.gather [hbm4b:s22+s4], $0x50, $0x38;
	[tilespmem:$0x18900] =	vst v63  }
0xd0: {  	_ =	swait.ge [sflag:s1], $0x50  }
0xd1: {  	[sflag:s1] =	ssyncset.done $0x0  }
0xd2: {  	[sflag:s1] =	ssyncadd.s32 $0xFFFFFFB0  }
0xd3: {  	[tilespmem:s18], [sflag:$0x1] =	stream.indirect.gather [hbm4b:s2+s7], $0x80, s4, s7, $0xb8;
	[tilespmem:$0x18900] =	vst v63  }
0xd4: {  	_ =	swait.ge [sflag:s19], $0x2800  }
.Ltmp4:
0xd5: {  	[sflag:s19] =	ssyncset.done $0x0;
	(pc) =	sbr.rel @!p1 .LBB2_5-.Ltmp4, $4  }
0xd6: {  	[sflag:s19] =	ssyncadd.s32 $0xFFFFD800  }
0xd7: {  	[spmem:s3] =	stream.indirect.scatter.add.f32 [tilespmem:s18], [sflag:$0x2], $0x80, s6, s7, $0xb8;
	[tilespmem:$0x18900] =	vst v63  }
0xd8: {  	_ =	swait.ge [sflag:s1], $0x2800  }
0xd9: {  	s22 =	smov.u32 s25;
	[sflag:s1] =	ssyncset.done $0x0  }
0xda: {  	s22 =	sadd.s32 s21, s30;
	[sflag:s1] =	ssyncadd.s32 $0xFFFFD800  }
0xdb: {  	[tilespmem:s4], [sflag:$0x2] =	stream.linear.gather [hbm4b:s22+s4], $0x50, $0x38;
	[tilespmem:$0x18900] =	vst v63  }
0xdc: {  	_ =	swait.ge [sflag:s1], $0x50  }
0xdd: {  	[sflag:s1] =	ssyncset.done $0x0  }
0xde: {  	s25 =	sadd.s32 s21, s29;
	[sflag:s1] =	ssyncadd.s32 $0xFFFFFFB0  }
0xdf: {  	[tilespmem:s6], [sflag:$0x2] =	stream.linear.gather [hbm4b:s25+s4], $0x50, $0x38;
	[tilespmem:$0x18900] =	vst v63  }
0xe0: {  	_ =	swait.ge [sflag:s1], $0x50  }
0xe1: {  	[sflag:s1] =	ssyncset.done $0x0  }
0xe2: {  	[sflag:s1] =	ssyncadd.s32 $0xFFFFFFB0  }
0xe3: {  	[tilespmem:s18], [sflag:$0x1] =	stream.indirect.gather [hbm4b:s2+s7], $0x80, s4, s7, $0xb8;
	[tilespmem:$0x18900] =	vst v63  }
0xe4: {  	_ =	swait.ge [sflag:s19], $0x2800  }
0xe5: {  	[sflag:s19] =	ssyncset.done $0x0  }
.Ltmp5:
0xe6: {  	[sflag:s19] =	ssyncadd.s32 $0xFFFFD800;
	(pc) =	sbr.rel .LBB2_10-.Ltmp5, $4  }
0xe7: {  	[spmem:s3] =	stream.indirect.scatter.add.f32 [tilespmem:s18], [sflag:$0x2], $0x80, s6, s7, $0xb8;
	[tilespmem:$0x18900] =	vst v63  }
0xe8: {  	_ =	swait.ge [sflag:s1], $0x2800  }
0xe9: {  	[sflag:s1] =	ssyncset.done $0x0  }
0xea: {  	s21 =	rddreg [dreg:$0x4];
	[sflag:s1] =	ssyncadd.s32 $0xFFFFD800  }
.LBB2_7:
0xeb: {  	[tilespmem:s4], [sflag:$0x2] =	stream.linear.gather [hbm4b:s21+s4], $0x50, $0x38;
	[tilespmem:$0x18900] =	vst v63  }
0xec: {  	_ =	swait.ge [sflag:s1], $0x50  }
0xed: {  	[sflag:s1] =	ssyncset.done $0x0  }
0xee: {  	s25 =	sadd.s32 $0x0, s29;
	[sflag:s1] =	ssyncadd.s32 $0xFFFFFFB0  }
0xef: {  	[tilespmem:s6], [sflag:$0x2] =	stream.linear.gather [hbm4b:s25+s4], $0x50, $0x38;
	[tilespmem:$0x18900] =	vst v63  }
0xf0: {  	_ =	swait.ge [sflag:s1], $0x50  }
0xf1: {  	[sflag:s1] =	ssyncset.done $0x0  }
0xf2: {  	[sflag:s1] =	ssyncadd.s32 $0xFFFFFFB0  }
0xf3: {  	[tilespmem:s18], [sflag:$0x1] =	stream.indirect.gather [hbm4b:s5+s7], $0x80, s4, s7, $0xb8;
	[tilespmem:$0x18900] =	vst v63  }
0xf4: {  	_ =	swait.ge [sflag:s19], $0x2800  }
0xf5: {  	[sflag:s19] =	ssyncset.done $0x0  }
0xf6: {  	[sflag:s19] =	ssyncadd.s32 $0xFFFFD800  }
0xf7: {  	[spmem:s3] =	stream.indirect.scatter.add.f32 [tilespmem:s18], [sflag:$0x2], $0x80, s6, s7, $0xb8;
	[tilespmem:$0x18900] =	vst v63  }
0xf8: {  	_ =	swait.ge [sflag:s1], $0x2800  }
0xf9: {  	s21 =	simm.s32 $0xA;
	s22 =	simm.s32 $0x14;
	[sflag:s1] =	ssyncset.done $0x0  }
.LBB2_8:
0xfa: {  	s23 =	sadd.s32 s21, s30  }
0xfb: {  	[sflag:s1] =	ssyncadd.s32 $0xFFFFD800;
	s24 =	smov.u32 s22;
	s25 =	sadd.s32 $0xA, s22  }
0xfc: {  	[tilespmem:s4], [sflag:$0x2] =	stream.linear.gather [hbm4b:s23+s4], $0x50, $0x38;
	[tilespmem:$0x18900] =	vst v63  }
0xfd: {  	p1 =	sne.s32 s22, $0x9BA;
	_ =	swait.ge [sflag:s1], $0x50  }
0xfe: {  	[sflag:s1] =	ssyncset.done $0x0  }
0xff: {  	s22 =	sadd.s32 s21, s29;
	s21 =	smov.u32 s24;
	[sflag:s1] =	ssyncadd.s32 $0xFFFFFFB0  }
0x100: {  	[tilespmem:s6], [sflag:$0x2] =	stream.linear.gather [hbm4b:s22+s4], $0x50, $0x38;
	[tilespmem:$0x18900] =	vst v63  }
0x101: {  	_ =	swait.ge [sflag:s1], $0x50  }
0x102: {  	[sflag:s1] =	ssyncset.done $0x0  }
0x103: {  	[sflag:s1] =	ssyncadd.s32 $0xFFFFFFB0  }
0x104: {  	[tilespmem:s18], [sflag:$0x1] =	stream.indirect.gather [hbm4b:s5+s7], $0x80, s4, s7, $0xb8;
	[tilespmem:$0x18900] =	vst v63  }
0x105: {  	_ =	swait.ge [sflag:s19], $0x2800  }
.Ltmp6:
0x106: {  	[sflag:s19] =	ssyncset.done $0x0;
	(pc) =	sbr.rel @p1 .LBB2_8-.Ltmp6, $4  }
0x107: {  	[sflag:s19] =	ssyncadd.s32 $0xFFFFD800  }
0x108: {  	[spmem:s3] =	stream.indirect.scatter.add.f32 [tilespmem:s18], [sflag:$0x2], $0x80, s6, s7, $0xb8;
	[tilespmem:$0x18900] =	vst v63  }
0x109: {  	_ =	swait.ge [sflag:s1], $0x2800  }
0x10a: {  	s22 =	smov.u32 s25;
	[sflag:s1] =	ssyncset.done $0x0  }
.Ltmp7:
0x10b: {  	_ = 	snop;
	(pc) =	sbr.rel .LBB2_9-.Ltmp7, $1  }
0x10c: {  	_ =	sdelay $0x3  }
.LBB2_11:
0x10d: {  	_ =	sfence.sel $0x180000  }
0x10e: {  	[bflag:$0x0] =	sbarrier.arrive $0xFFFF  }
0x10f: {  	_ =	strace $0x9000004A  }
0x110: {  	s0 =	stileid.u32;
	[bflag:$0x2] =	sbarrier.arrive $0xFFFF  }
0x111: {  	p0 =	sne.s32 s0, $0x0;
	s0 =	rddreg [dreg:$0x3]  }
0x112: {  	s0 =	sadd.s32 @!p0 $0x100000, s0  }
0x113: {  	[sflag:s0] =	ssyncadd.tile.s32 @!p0 $0x1;
	_ =	shalt  }
.Lfunc_end2:
_tile_overlayer_lowered:
.L_overlay_start_2:
0x114: {  	(tag) =	ssettag $0x2  }
0x115: {  	s0 =	rddreg [dreg:$0x0];
	s2 =	stileid.u32  }
0x116: {  	s1 =	rddreg [dreg:$0x1];
	p0 =	sne.s32 s2, $0x0  }
0x117: {  	s3 =	rddreg [dreg:$0x2];
	[bflag:$0x3] =	sbarrier.arrive $0xFFFF;
	s2 =	simm.s32 @!p0 $0x1C02  }
0x118: {  	[timem:s3], [sflag:s2] =	dma.local @!p0 [hbm:s0], s1  }
0x119: {  	s0 =	simm.s32 @!p0 $0x2  }
0x11a: {  	_ =	swait.ge @!p0 [sflag:s0], s1  }
0x11b: {  	s1 =	ssub.s32 @!p0 $0x0, s1;
	[sflag:s0] =	ssyncset.done @!p0 $0x0  }
0x11c: {  	[sflag:s0] =	ssyncadd.s32 @!p0 s1  }
0x11d: {  	[bflag:$0x3] =	sbarrier.arrive $0xFFFF  }
0x11e: {  	_ =	shalt  }

// kernel: kernel.14.cloned.1.call-start
scs
__scs_entry_jumppad:
0x0: {  	(pc) =	sbr.rel $0x88, $3  }
0x1: {  	(tag) =	ssettag $0x0;
	lr =	simm.s32 $0x1  }
0x2: {  	[smem:$0x3F9B] =	sst lr;
	_ =	strace $0xD0000000  }
0x3: {  	_ = 	snop  }
0x4: {  	_ = 	snop  }
0x5: {  	_ = 	snop  }
0x6: {  	_ = 	snop  }
0x7: {  	_ = 	snop  }
__scs_overlays_trampoline_lowered:
0x8: {  	[smem:$0x3FAA] =	sst s0  }
0x9: {  	[smem:$0x3FAB] =	sst s1  }
0xa: {  	[smem:$0x3FAC] =	sst s2  }
0xb: {  	[smem:$0x3FAD] =	sst s3  }
0xc: {  	[smem:$0x3FAE] =	sst s4  }
0xd: {  	[smem:$0x3FAF] =	sst s5  }
0xe: {  	[smem:$0x3FB0] =	sst s6  }
0xf: {  	[smem:$0x3FB1] =	sst s7  }
0x10: {  	[smem:$0x3FB2] =	sst s8  }
0x11: {  	[smem:$0x3FB3] =	sst s9;
	s0 =	simm.s32 @!p0 $0x0  }
0x12: {  	s1 =	sld [smem:$0x3F99];
	s0 =	simm.s32 @p0 $0x1  }
0x13: {  	[smem:$0x3FB4] =	sst s0;
	s0 =	simm.s32 @!p1 $0x0  }
0x14: {  	s2 =	sld [smem:$0x3F98];
	s0 =	simm.s32 @p1 $0x1  }
0x15: {  	[smem:$0x3FB5] =	sst s0;
	s0 =	simm.s32 @!p2 $0x0  }
0x16: {  	s3 =	sld [smem:$0x3FDB];
	s0 =	simm.s32 @p2 $0x1  }
0x17: {  	s4 =	simm.s32 $0x1BF5;
	[smem:$0x3FB7] =	sst s0  }
0x18: {  	s0 =	sld [smem:$0x3F9A];
	_ =	swait.ge [sflag:s4], $0x0  }
0x19: {  	s7 =	sld [smem:$0x3F9B]  }
0x1a: {  	s8 =	sadd.s32 $0xFFFFE003, lr  }
0x1b: {  	s9 =	sadd.s32 $0xFFFFFEF7, lr;
	s5 =	simm.s32 $0xFFFFFFFF;
	p2 =	slt.u32 s8, $0xFFFFF086  }
0x1c: {  	p1 =	slt.u32 s9, $0xF7A;
	s5 =	simm.s32 @!p2 $0x0  }
0x1d: {  	s5 =	simm.s32 @p1 $0x1;
	p0 =	seq.s32 s7, s2  }
0x1e: {  	s7 =	smul.u32 @!p0 $0xF7A, s2;
	p2 =	seq.s32 @!p0 s5, $0x0  }
0x1f: {  	s9 =	smul.u32 $0xF7A, s1;
	s8 =	simm.s32 @!p0 $0x1BF5;
	p2 =	por !p2, p0  }
0x20: {  	[sflag:s8] =	ssyncset.s32 @!p0 $0xFFFFF086;
	s6 =	sadd.s32 @!p0 s3, s7;
	s7 =	simm.s32 @!p0 $0x108  }
0x21: {  	s3 =	sadd.s32 s3, s9;
	s6 =	sadd.s32 @!p0 $0x88, s6;
	s7 =	simm.s32 @p2 $0x1082  }
0x22: {  	[simem:s7], [sflag:s8] =	dma.local @!p0 [hbm:s6], $0xF7A  }
0x23: {  	s9 =	sor.u32 $0xD0000000, s2;
	s6 =	simm.s32 $0x108;
	_ =	swait.ge @!p0 [sflag:s8], $0x0  }
0x24: {  	s3 =	sadd.s32 $0x88, s3;
	s6 =	simm.s32 @!p1 $0x1082;
	[sflag:s4] =	ssyncset.s32 $0xFFFFF086  }
0x25: {  	[simem:s6], [sflag:s4] =	dma.local [hbm:s3], $0xF7A  }
0x26: {  	[smem:$0x3F9B] =	sst s1;
	(tag) =	ssettag s2;
	_ =	strace s9  }
0x27: {  	s1 =	sld [smem:$0x3FAB]  }
0x28: {  	s2 =	sld [smem:$0x3FAC]  }
0x29: {  	s4 =	sld [smem:$0x3FAE]  }
0x2a: {  	p0 =	seq.s32 s5, $0x0;
	s5 =	sld [smem:$0x3FAF]  }
0x2b: {  	s6 =	sld [smem:$0x3FB0]  }
0x2c: {  	s7 =	sld [smem:$0x3FB1]  }
0x2d: {  	s3 =	simm.s32 $0x108;
	s8 =	sld [smem:$0x3FB2]  }
0x2e: {  	s3 =	simm.s32 @!p0 $0x1082;
	s9 =	sld [smem:$0x3FB3]  }
0x2f: {  	lr =	sadd.s32 s0, s3;
	s0 =	sld [smem:$0x3FAA]  }
0x30: {  	s3 =	sld [smem:$0x3FAD]  }
0x31: {  	[smem:$0x3FB6] =	sst s10  }
0x32: {  	s10 =	sld [smem:$0x3FB4];
	_ =	sdelay $0x3  }
0x33: {  	p0 =	seq.s32 s10, $0x1;
	s10 =	sld [smem:$0x3FB6];
	_ =	sdelay $0x3  }
0x34: {  	[smem:$0x3FB6] =	sst s10  }
0x35: {  	s10 =	sld [smem:$0x3FB5];
	_ =	sdelay $0x3  }
0x36: {  	p1 =	seq.s32 s10, $0x1;
	s10 =	sld [smem:$0x3FB6];
	_ =	sdelay $0x3  }
0x37: {  	[smem:$0x3FB6] =	sst s10  }
0x38: {  	s10 =	sld [smem:$0x3FB7]  }
0x39: {  	_ = 	snop;
	(pc) =	sbr.ind lr, $3  }
0x3a: {  	_ = 	snop  }
0x3b: {  	_ = 	snop  }
0x3c: {  	p2 =	seq.s32 s10, $0x1;
	s10 =	sld [smem:$0x3FB6]  }
0x3d: {  	_ =	shalt  }
0x3e: {  	_ =	shalt  }
0x3f: {  	_ =	shalt  }
0x40: {  	_ =	shalt  }
0x41: {  	_ =	shalt  }
0x42: {  	_ =	shalt  }
0x43: {  	_ =	shalt  }
0x44: {  	_ =	shalt  }
0x45: {  	_ =	shalt  }
0x46: {  	_ =	shalt  }
0x47: {  	_ =	shalt  }
0x48: {  	_ =	shalt  }
0x49: {  	_ =	shalt  }
0x4a: {  	_ =	shalt  }
0x4b: {  	_ =	shalt  }
0x4c: {  	_ =	shalt  }
0x4d: {  	_ =	shalt  }
0x4e: {  	_ =	shalt  }
0x4f: {  	_ =	shalt  }
0x50: {  	_ =	shalt  }
0x51: {  	_ =	shalt  }
0x52: {  	_ =	shalt  }
0x53: {  	_ =	shalt  }
0x54: {  	_ =	shalt  }
0x55: {  	_ =	shalt  }
0x56: {  	_ =	shalt  }
0x57: {  	_ =	shalt  }
0x58: {  	_ =	shalt  }
0x59: {  	_ =	shalt  }
0x5a: {  	_ =	shalt  }
0x5b: {  	_ =	shalt  }
0x5c: {  	_ =	shalt  }
0x5d: {  	_ =	shalt  }
0x5e: {  	_ =	shalt  }
0x5f: {  	_ =	shalt  }
0x60: {  	_ =	shalt  }
0x61: {  	_ =	shalt  }
0x62: {  	_ =	shalt  }
0x63: {  	_ =	shalt  }
0x64: {  	_ =	shalt  }
0x65: {  	_ =	shalt  }
0x66: {  	_ =	shalt  }
0x67: {  	_ =	shalt  }
0x68: {  	_ =	shalt  }
0x69: {  	_ =	shalt  }
0x6a: {  	_ =	shalt  }
0x6b: {  	_ =	shalt  }
0x6c: {  	_ =	shalt  }
0x6d: {  	_ =	shalt  }
0x6e: {  	_ =	shalt  }
0x6f: {  	_ =	shalt  }
0x70: {  	_ =	shalt  }
0x71: {  	_ =	shalt  }
0x72: {  	_ =	shalt  }
0x73: {  	_ =	shalt  }
0x74: {  	_ =	shalt  }
0x75: {  	_ =	shalt  }
0x76: {  	_ =	shalt  }
0x77: {  	_ =	shalt  }
0x78: {  	_ =	shalt  }
0x79: {  	_ =	shalt  }
0x7a: {  	_ =	shalt  }
0x7b: {  	_ =	shalt  }
0x7c: {  	_ =	shalt  }
0x7d: {  	_ =	shalt  }
0x7e: {  	_ =	shalt  }
0x7f: {  	_ =	shalt  }
0x80: {  	_ =	shalt  }
0x81: {  	_ =	shalt  }
0x82: {  	_ =	shalt  }
0x83: {  	_ =	shalt  }
0x84: {  	_ =	shalt  }
0x85: {  	_ =	shalt  }
0x86: {  	_ =	shalt  }
0x87: {  	_ =	shalt  }
.Lfunc_end0:
.L_simem_size_0:
called_computation.2_lowered:
.L_overlay_start_0:
0x88: {  	s2 =	sld [smem:$0x3FD9]  }
0x89: {  	s3 =	sld [smem:$0x3FFE];
	_ =	sdelay $0x1  }
0x8a: {  	s1 =	srdreg.scid  }
0x8b: {  	s0 =	sand.u32 $0x1, s1  }
0x8c: {  	s17 =	sshll.u32 s0, $0xA;
	s2 =	sadd.s32 s3, s2  }
0x8d: {  	s2 =	sadd.s32 s2, s17  }
0x8e: {  	[smem:$0x3FC2] =	sst s2  }
0x8f: {  	_ = 	snop  }
0x90: {  	s2 =	sld [smem:$0x3FD0];
	(tm) =	ssettm $0x1  }
0x91: {  	s18 =	sld [smem:$0x3FFB];
	_ =	sdelay $0x3  }
0x92: {  	_ =	strace s18  }
0x93: {  	s3 =	sld [smem:$0x3FFC];
	_ =	sdelay $0x3  }
0x94: {  	_ =	strace s3  }
0x95: {  	s3 =	sld [smem:$0x3FFD];
	_ =	sdelay $0x3  }
0x96: {  	_ =	strace s3  }
0x97: {  	_ =	strace $0x8FFFFFFF  }
0x98: {  	s19 =	sld [smem:$0x3FDB];
	_ =	sdelay $0x1  }
0x99: {  	s4 =	simm.s32 $_scs_section_size  }
0x9a: {  	s5 =	simm.s32 $_size__tile_overlayer_lowered;
	s6 =	simm.s32 $_tile_overlayer_lowered  }
0x9b: {  	s22 =	simm.s32 $0x1BFF;
	s21 =	sshll.u32 s6, $0x1;
	s3 =	sadd.s32 s4, s19  }
0x9c: {  	s7 =	simm.s32 $0x0;
	s20 =	sshll.u32 s5, $0x1;
	s5 =	sadd.s32 s21, s3  }
0x9d: {  	[timem:s7], [sflag:s22] =	dma.local [hbm:s5], s20  }
0x9e: {  	_ =	swait.ge [sflag:s22], s20  }
0x9f: {  	s4 =	ssub.s32 $0x0, s20;
	[sflag:s22] =	ssyncset.done $0x0  }
0xa0: {  	[sflag:s22] =	ssyncadd.s32 s4;
	_ =	sdelay $0x1  }
0xa1: {  	s23 =	simm.s32 $0x1B8B  }
0xa2: {  	_ =	swait.ge [sflag:s23], $0x1  }
0xa3: {  	[sflag:s23] =	ssyncset.done $0x0  }
0xa4: {  	s25 =	simm.s32 $0x1B8E;
	s24 =	sld [smem:$0x3FFE];
	[sflag:s23] =	ssyncadd.s32 $0xFFFFFFFF  }
0xa5: {  	s26 =	simm.s32 $execute0_lowered;
	[smem:$0x3FD2] =	sst s25  }
0xa6: {  	s5 =	sshll.u32 s26, $0x1;
	_ =	strace $0x8000004C;
	[dreg:$0x1] =	wrdreg $0xFFFFFFFF  }
0xa7: {  	s28 =	simm.s32 $_size_execute0_lowered;
	s3 =	sadd.s32 s3, s5;
	[dreg:$0x0] =	wrdreg $0x0  }
0xa8: {  	s5 =	sshll.u32 s28, $0x1;
	[dreg:$0x2] =	wrdreg s3  }
0xa9: {  	[dreg:$0x3] =	wrdreg s5  }
0xaa: {  	[dreg:$0x4] =	wrdreg $0xC0  }
0xab: {  	_ =	task [dreg:s7], $0x5FFFF  }
0xac: {  	[dreg:$0x1] =	wrdreg $0xFFFFFFFF  }
0xad: {  	[dreg:$0x0] =	wrdreg $0x60  }
0xae: {  	[dreg:$0x2] =	wrdreg s24  }
0xaf: {  	[dreg:$0x3] =	wrdreg s2  }
0xb0: {  	[dreg:$0x4] =	wrdreg $0x49000  }
0xb1: {  	[dreg:$0x5] =	wrdreg $0x9  }
0xb2: {  	_ =	task.clear_ibuf [dreg:s7], $0x6FFFF;
	_ =	strace $0x9000004C  }
0xb3: {  	s29 =	simm.s32 $0x9;
	_ =	strace $0x8000004E  }
0xb4: {  	_ =	swait.ge [sflag:s29], $0x1  }
0xb5: {  	[sflag:s29] =	ssyncadd.s32 $0xFFFFFFFF  }
0xb6: {  	_ =	strace $0x9000004E  }
0xb7: {  	_ =	sfence  }
0xb8: {  	s30 =	sld [smem:$0x0];
	_ =	sdelay $0x2  }
0xb9: {  	s31 =	sshll.u32 s1, $0xD;
	s1 =	sshrl.u32 s1, $0x2  }
0xba: {  	s3 =	sand.u32 $0x4000, s31;
	s1 =	sadd.s32 s1, s30  }
0xbb: {  	s0 =	sor.u32 s3, s0;
	s1 =	sshll.u32 s1, $0x11  }
0xbc: {  	s0 =	sor.u32 s1, s0  }
0xbd: {  	s0 =	sadd.s32 $0x8F2B, s0  }
0xbe: {  	[sflag:s0] =	ssyncadd.remote.s32 $0x1  }
0xbf: {  	_ =	sfence.sel $0xFFFF  }
0xc0: {  	[dreg:$0x0] =	wrdreg $0xFFFFFFFF;
	(pc) =	sbr.abs _section_cstart, $3  }
0xc1: {  	[dreg:$0x1] =	wrdreg $0xFFFFFFFF  }
0xc2: {  	_ =	task.clear_ibuf [dreg:s7], $0x2FFFF;
	_ =	strace $0x9FFFFFFF  }
0xc3: {  	(tm) =	ssettm $0x7FFFFFFF  }
tec
execute0_lowered:
.L_overlay_start_1:
0x0: {  	(tag) =	ssettag $0x1  }
0x1: {  	s4 =	rddreg [dreg:$0x0]  }
0x2: {  	s0 =	srdreg.scid;
	s1 =	rddreg [dreg:$0x1]  }
0x3: {  	s9 =	stileid.u32;
	s2 =	rddreg [dreg:$0x2]  }
0x4: {  	s3 =	simm.s32 $0x0;
	s11 =	simm.s32 $0x16200;
	s29 =	simm.s32 $0x2900  }
0x5: {  	s30 =	simm.s32 $0x2;
	s31 =	simm.s32 $0x80;
	s6 =	smul.u32 $0x2710, s9  }
0x6: {  	s0 =	sand.u32 $0x1, s0;
	s8 =	smul.u32 $0x280, s9;
	[smem:$0x7FF] =	sst s3  }
0x7: {  	s5 =	smul.u32 $0x27100, s0;
	s26 =	ssub.s32 $0x2, s0;
	p0 =	seq.s32 s0, $0x0  }
0x8: {  	s7 =	sshrl.u32 s26, $0x1;
	s10 =	sor.u32 $0x40, s8;
	s17 =	sadd.s32 $0x80, s8  }
0x9: {  	s18 =	sadd.s32 $0xC0, s8;
	s19 =	sadd.s32 $0x100, s8;
	s20 =	sadd.s32 $0x140, s8  }
0xa: {  	s21 =	sadd.s32 $0x180, s8;
	s22 =	sadd.s32 $0x1C0, s8;
	s23 =	sadd.s32 $0x200, s8  }
0xb: {  	s24 =	sadd.s32 $0x240, s8;
	s8 =	smul.u32 $0x2800, s9;
	s11 =	simm.s32 @!p0 $0x3E200  }
0xc: {  	s5 =	sadd.s32 s6, s5;
	s6 =	ssub.s32 s26, s7;
	s7 =	smul.u32 $0x50000, s9  }
0xd: {  	s26 =	sshll.u32 s10, $0x4;
	s9 =	sshll.u32 s17, $0x4;
	s12 =	sshll.u32 s18, $0x4  }
0xe: {  	s13 =	sshll.u32 s19, $0x4;
	s14 =	sshll.u32 s20, $0x4;
	s15 =	sshll.u32 s21, $0x4  }
0xf: {  	s16 =	sshll.u32 s22, $0x4;
	s25 =	sshll.u32 s23, $0x4;
	s17 =	sshll.u32 s17, $0x7  }
0x10: {  	s18 =	sshll.u32 s18, $0x7;
	s19 =	sshll.u32 s19, $0x7;
	s20 =	sshll.u32 s20, $0x7  }
0x11: {  	s21 =	sshll.u32 s21, $0x7;
	s22 =	sshll.u32 s22, $0x7;
	s5 =	sshrl.u32 s5, $0x3  }
0x12: {  	s17 =	sadd.s32 s17, s2;
	s5 =	sadd.s32 s5, s4;
	s4 =	sadd.s32 s11, s4  }
0x13: {  	s18 =	sadd.s32 s18, s2;
	s19 =	sadd.s32 s19, s2;
	s0 =	sadd.s32 s4, s8  }
0x14: {  	s20 =	sadd.s32 s20, s2;
	s26 =	sadd.s32 s4, s26;
	[dreg:$0x4] =	wrdreg s0  }
0x15: {  	s21 =	sadd.s32 s21, s2;
	s8 =	sadd.s32 s4, s9;
	[dreg:$0x5] =	wrdreg s26  }
0x16: {  	s22 =	sadd.s32 s22, s2;
	s9 =	sadd.s32 s4, s12;
	[dreg:$0x6] =	wrdreg s8  }
0x17: {  	s11 =	sadd.s32 s4, s13;
	s12 =	sadd.s32 s4, s14;
	[dreg:$0x7] =	wrdreg s9  }
0x18: {  	s13 =	sadd.s32 s4, s15;
	s14 =	sshll.u32 s24, $0x4;
	[dreg:$0x8] =	wrdreg s11  }
0x19: {  	s15 =	sshrl.u32 s7, $0x2;
	s28 =	sadd.s32 $0xC400, s5;
	[dreg:$0x9] =	wrdreg s12  }
0x1a: {  	[dreg:$0xa] =	wrdreg s13;
	s12 =	sadd.s32 s4, s16;
	s13 =	sadd.s32 s4, s25  }
0x1b: {  	s14 =	sadd.s32 s4, s14;
	s15 =	sadd.s32 s15, s2;
	s16 =	sshll.u32 s10, $0x7  }
0x1c: {  	s25 =	sshll.u32 s23, $0x7;
	s26 =	sshll.u32 s24, $0x7;
	s10 =	simm.s32 $0x50  }
0x1d: {  	s0 =	simm.s32 $0x100;
	s4 =	simm.s32 $0x1;
	_ =	strace $0x8000004D  }
0x1e: {  	s16 =	sadd.s32 s16, s2;
	s23 =	sadd.s32 s25, s2;
	s24 =	sadd.s32 s26, s2  }
0x1f: {  	v0 =	vimm.f32 $0.0e+00;
	s25 =	smax.u32 s6, $0x1;
	s26 =	sadd.s32 $0x2600, s5;
	s5 =	simm.s32 $0x0  }
.LBB2_1:
0x20: {  	s6 =	simm.s32 $0x0;
	s7 =	simm.s32 $0x200  }
.LBB2_2:
0x21: {  	p0 =	sne.s32 s7, $0x7E00;
	[tilespmem:s6+$0x2970] =	vst v0  }
0x22: {  	[tilespmem:s6+$0x2900] =	vst v0  }
0x23: {  	[tilespmem:s6+$0x2910] =	vst v0  }
.Ltmp0:
0x24: {  	[tilespmem:s6+$0x2920] =	vst v0;
	(pc) =	sbr.rel @p0 .LBB2_2-.Ltmp0, $4  }
0x25: {  	[tilespmem:s6+$0x2930] =	vst v0  }
0x26: {  	[tilespmem:s6+$0x2940] =	vst v0  }
0x27: {  	[tilespmem:s6+$0x2950] =	vst v0  }
0x28: {  	[tilespmem:s6+$0x2960] =	vst v0;
	s6 =	sshra.s32 s7, $0x2;
	s7 =	sadd.s32 $0x200, s7  }
0x29: {  	[tilespmem:s6+$0x2970] =	vst v0  }
0x2a: {  	[tilespmem:s6+$0x2900] =	vst v0  }
0x2b: {  	[tilespmem:s6+$0x2910] =	vst v0  }
0x2c: {  	[tilespmem:s6+$0x2920] =	vst v0  }
0x2d: {  	[tilespmem:s6+$0x2930] =	vst v0  }
0x2e: {  	[tilespmem:s6+$0x2940] =	vst v0  }
0x2f: {  	[tilespmem:s6+$0x2950] =	vst v0  }
0x30: {  	[tilespmem:s6+$0x2960] =	vst v0  }
0x31: {  	[spmem:s15] =	stream.linear.scatter [tilespmem:s29], [sflag:$0x2], $0x2000, $0x38;
	[tilespmem:$0x18900] =	vst v63  }
0x32: {  	_ =	swait.ge [sflag:s30], $0x2000  }
0x33: {  	[sflag:s30] =	ssyncset.done $0x0  }
0x34: {  	[sflag:s30] =	ssyncadd.s32 $0xFFFFE000  }
0x35: {  	[spmem:s16] =	stream.linear.scatter [tilespmem:s29], [sflag:$0x2], $0x2000, $0x38;
	[tilespmem:$0x18900] =	vst v63  }
0x36: {  	_ =	swait.ge [sflag:s30], $0x2000  }
0x37: {  	[sflag:s30] =	ssyncset.done $0x0  }
0x38: {  	[sflag:s30] =	ssyncadd.s32 $0xFFFFE000  }
0x39: {  	[spmem:s17] =	stream.linear.scatter [tilespmem:s29], [sflag:$0x2], $0x2000, $0x38;
	[tilespmem:$0x18900] =	vst v63  }
0x3a: {  	_ =	swait.ge [sflag:s30], $0x2000  }
0x3b: {  	[sflag:s30] =	ssyncset.done $0x0  }
0x3c: {  	[sflag:s30] =	ssyncadd.s32 $0xFFFFE000  }
0x3d: {  	[spmem:s18] =	stream.linear.scatter [tilespmem:s29], [sflag:$0x2], $0x2000, $0x38;
	[tilespmem:$0x18900] =	vst v63  }
0x3e: {  	_ =	swait.ge [sflag:s30], $0x2000  }
0x3f: {  	[sflag:s30] =	ssyncset.done $0x0  }
0x40: {  	[sflag:s30] =	ssyncadd.s32 $0xFFFFE000  }
0x41: {  	[spmem:s19] =	stream.linear.scatter [tilespmem:s29], [sflag:$0x2], $0x2000, $0x38;
	[tilespmem:$0x18900] =	vst v63  }
0x42: {  	_ =	swait.ge [sflag:s30], $0x2000  }
0x43: {  	[sflag:s30] =	ssyncset.done $0x0  }
0x44: {  	[sflag:s30] =	ssyncadd.s32 $0xFFFFE000  }
0x45: {  	[spmem:s20] =	stream.linear.scatter [tilespmem:s29], [sflag:$0x2], $0x2000, $0x38;
	[tilespmem:$0x18900] =	vst v63  }
0x46: {  	_ =	swait.ge [sflag:s30], $0x2000  }
0x47: {  	[sflag:s30] =	ssyncset.done $0x0  }
0x48: {  	[sflag:s30] =	ssyncadd.s32 $0xFFFFE000  }
0x49: {  	[spmem:s21] =	stream.linear.scatter [tilespmem:s29], [sflag:$0x2], $0x2000, $0x38;
	[tilespmem:$0x18900] =	vst v63  }
0x4a: {  	_ =	swait.ge [sflag:s30], $0x2000  }
0x4b: {  	[sflag:s30] =	ssyncset.done $0x0  }
0x4c: {  	[sflag:s30] =	ssyncadd.s32 $0xFFFFE000  }
0x4d: {  	[spmem:s22] =	stream.linear.scatter [tilespmem:s29], [sflag:$0x2], $0x2000, $0x38;
	[tilespmem:$0x18900] =	vst v63  }
0x4e: {  	_ =	swait.ge [sflag:s30], $0x2000  }
0x4f: {  	[sflag:s30] =	ssyncset.done $0x0  }
0x50: {  	[sflag:s30] =	ssyncadd.s32 $0xFFFFE000  }
0x51: {  	[spmem:s23] =	stream.linear.scatter [tilespmem:s29], [sflag:$0x2], $0x2000, $0x38;
	[tilespmem:$0x18900] =	vst v63  }
0x52: {  	_ =	swait.ge [sflag:s30], $0x2000  }
0x53: {  	[sflag:s30] =	ssyncset.done $0x0  }
0x54: {  	[sflag:s30] =	ssyncadd.s32 $0xFFFFE000  }
0x55: {  	[spmem:s24] =	stream.linear.scatter [tilespmem:s29], [sflag:$0x2], $0x2000, $0x38;
	[tilespmem:$0x18900] =	vst v63  }
0x56: {  	_ =	swait.ge [sflag:s30], $0x2000  }
0x57: {  	[sflag:s30] =	ssyncset.done $0x0  }
0x58: {  	[sflag:s30] =	ssyncadd.s32 $0xFFFFE000  }
0x59: {  	s9 =	sadd.s32 $0x0, s28;
	[bflag:$0x0] =	sbarrier.arrive $0xFFFF  }
0x5a: {  	[tilespmem:s3], [sflag:$0x2] =	stream.linear.gather [hbm4b:s9+s3], $0x50, $0x38;
	[tilespmem:$0x18900] =	vst v63  }
0x5b: {  	_ =	swait.ge [sflag:s30], $0x50  }
0x5c: {  	[sflag:s30] =	ssyncset.done $0x0  }
0x5d: {  	s11 =	sadd.s32 $0x0, s26;
	[sflag:s30] =	ssyncadd.s32 $0xFFFFFFB0  }
0x5e: {  	[tilespmem:s31], [sflag:$0x2] =	stream.linear.gather [hbm4b:s11+s3], $0x50, $0x38;
	[tilespmem:$0x18900] =	vst v63  }
0x5f: {  	_ =	swait.ge [sflag:s30], $0x50  }
0x60: {  	[sflag:s30] =	ssyncset.done $0x0  }
0x61: {  	[sflag:s30] =	ssyncadd.s32 $0xFFFFFFB0  }
0x62: {  	[tilespmem:s0], [sflag:$0x1] =	stream.indirect.gather [hbm4b:s1+s10], $0x80, s3, s10, $0xb8;
	[tilespmem:$0x18900] =	vst v63  }
0x63: {  	_ =	swait.ge [sflag:s4], $0x2800  }
0x64: {  	[sflag:s4] =	ssyncset.done $0x0  }
0x65: {  	[sflag:s4] =	ssyncadd.s32 $0xFFFFD800  }
0x66: {  	[spmem:s2] =	stream.indirect.scatter.add.f32 [tilespmem:s0], [sflag:$0x2], $0x80, s31, s10, $0xb8;
	[tilespmem:$0x18900] =	vst v63  }
0x67: {  	_ =	swait.ge [sflag:s30], $0x2800  }
0x68: {  	s6 =	simm.s32 $0xA;
	s7 =	simm.s32 $0x14;
	[sflag:s30] =	ssyncset.done $0x0  }
.LBB2_4:
0x69: {  	s8 =	sadd.s32 s6, s28  }
0x6a: {  	[sflag:s30] =	ssyncadd.s32 $0xFFFFD800;
	s9 =	smov.u32 s7;
	s11 =	sadd.s32 $0xA, s7  }
0x6b: {  	[tilespmem:s3], [sflag:$0x2] =	stream.linear.gather [hbm4b:s8+s3], $0x50, $0x38;
	[tilespmem:$0x18900] =	vst v63  }
0x6c: {  	p0 =	sne.s32 s7, $0x4D8;
	_ =	swait.ge [sflag:s30], $0x50  }
0x6d: {  	[sflag:s30] =	ssyncset.done $0x0  }
0x6e: {  	s7 =	sadd.s32 s6, s26;
	s6 =	smov.u32 s9;
	[sflag:s30] =	ssyncadd.s32 $0xFFFFFFB0  }
0x6f: {  	[tilespmem:s31], [sflag:$0x2] =	stream.linear.gather [hbm4b:s7+s3], $0x50, $0x38;
	[tilespmem:$0x18900] =	vst v63  }
0x70: {  	_ =	swait.ge [sflag:s30], $0x50  }
0x71: {  	[sflag:s30] =	ssyncset.done $0x0  }
0x72: {  	[sflag:s30] =	ssyncadd.s32 $0xFFFFFFB0  }
0x73: {  	[tilespmem:s0], [sflag:$0x1] =	stream.indirect.gather [hbm4b:s1+s10], $0x80, s3, s10, $0xb8;
	[tilespmem:$0x18900] =	vst v63  }
0x74: {  	_ =	swait.ge [sflag:s4], $0x2800  }
.Ltmp1:
0x75: {  	[sflag:s4] =	ssyncset.done $0x0;
	(pc) =	sbr.rel @p0 .LBB2_4-.Ltmp1, $4  }
0x76: {  	[sflag:s4] =	ssyncadd.s32 $0xFFFFD800  }
0x77: {  	[spmem:s2] =	stream.indirect.scatter.add.f32 [tilespmem:s0], [sflag:$0x2], $0x80, s31, s10, $0xb8;
	[tilespmem:$0x18900] =	vst v63  }
0x78: {  	_ =	swait.ge [sflag:s30], $0x2800  }
0x79: {  	s7 =	smov.u32 s11;
	[sflag:s30] =	ssyncset.done $0x0  }
0x7a: {  	s7 =	sadd.s32 s6, s28;
	[sflag:s30] =	ssyncadd.s32 $0xFFFFD800  }
0x7b: {  	[tilespmem:s3], [sflag:$0x2] =	stream.linear.gather [hbm4b:s7+s3], $0x50, $0x38;
	[tilespmem:$0x18900] =	vst v63  }
0x7c: {  	_ =	swait.ge [sflag:s30], $0x50  }
0x7d: {  	[sflag:s30] =	ssyncset.done $0x0  }
0x7e: {  	s7 =	sadd.s32 s6, s26;
	[sflag:s30] =	ssyncadd.s32 $0xFFFFFFB0  }
0x7f: {  	[tilespmem:s31], [sflag:$0x2] =	stream.linear.gather [hbm4b:s7+s3], $0x50, $0x38;
	[tilespmem:$0x18900] =	vst v63  }
0x80: {  	_ =	swait.ge [sflag:s30], $0x50  }
0x81: {  	[sflag:s30] =	ssyncset.done $0x0  }
0x82: {  	[sflag:s30] =	ssyncadd.s32 $0xFFFFFFB0  }
0x83: {  	[tilespmem:s0], [sflag:$0x1] =	stream.indirect.gather [hbm4b:s1+s10], $0x80, s3, s10, $0xb8;
	[tilespmem:$0x18900] =	vst v63  }
0x84: {  	_ =	swait.ge [sflag:s4], $0x2800  }
0x85: {  	[sflag:s4] =	ssyncset.done $0x0  }
0x86: {  	[sflag:s4] =	ssyncadd.s32 $0xFFFFD800  }
0x87: {  	[spmem:s2] =	stream.indirect.scatter.add.f32 [tilespmem:s0], [sflag:$0x2], $0x80, s31, s10, $0xb8;
	[tilespmem:$0x18900] =	vst v63  }
0x88: {  	_ =	swait.ge [sflag:s30], $0x2800  }
0x89: {  	[sflag:s30] =	ssyncset.done $0x0  }
0x8a: {  	[sflag:s30] =	ssyncadd.s32 $0xFFFFD800  }
0x8b: {  	[bflag:$0x0] =	sbarrier.arrive $0xFFFF  }
0x8c: {  	[tilespmem:s29], [sflag:$0x2] =	stream.linear.gather [spmem:s15], $0x2000, $0x38;
	[tilespmem:$0x18900] =	vst v63  }
0x8d: {  	_ =	swait.ge [sflag:s30], $0x2000  }
0x8e: {  	[sflag:s30] =	ssyncset.done $0x0  }
0x8f: {  	s8 =	rddreg [dreg:$0x4];
	[sflag:s30] =	ssyncadd.s32 $0xFFFFE000  }
0x90: {  	[hbm4b:s8+s3] =	stream.linear.scatter [tilespmem:s29], [sflag:$0x2], $0x2000, $0x38;
	[tilespmem:$0x18900] =	vst v63  }
0x91: {  	_ =	swait.ge [sflag:s30], $0x2000  }
0x92: {  	[sflag:s30] =	ssyncset.done $0x0  }
0x93: {  	[sflag:s30] =	ssyncadd.s32 $0xFFFFE000  }
0x94: {  	[tilespmem:s29], [sflag:$0x2] =	stream.linear.gather [spmem:s16], $0x2000, $0x38;
	[tilespmem:$0x18900] =	vst v63  }
0x95: {  	_ =	swait.ge [sflag:s30], $0x2000  }
0x96: {  	[sflag:s30] =	ssyncset.done $0x0  }
0x97: {  	s9 =	rddreg [dreg:$0x5];
	[sflag:s30] =	ssyncadd.s32 $0xFFFFE000  }
0x98: {  	[hbm4b:s9+s3] =	stream.linear.scatter [tilespmem:s29], [sflag:$0x2], $0x2000, $0x38;
	[tilespmem:$0x18900] =	vst v63  }
0x99: {  	_ =	swait.ge [sflag:s30], $0x2000  }
0x9a: {  	[sflag:s30] =	ssyncset.done $0x0  }
0x9b: {  	[sflag:s30] =	ssyncadd.s32 $0xFFFFE000  }
0x9c: {  	[tilespmem:s29], [sflag:$0x2] =	stream.linear.gather [spmem:s17], $0x2000, $0x38;
	[tilespmem:$0x18900] =	vst v63  }
0x9d: {  	_ =	swait.ge [sflag:s30], $0x2000  }
0x9e: {  	[sflag:s30] =	ssyncset.done $0x0  }
0x9f: {  	s11 =	rddreg [dreg:$0x6];
	[sflag:s30] =	ssyncadd.s32 $0xFFFFE000  }
0xa0: {  	[hbm4b:s11+s3] =	stream.linear.scatter [tilespmem:s29], [sflag:$0x2], $0x2000, $0x38;
	[tilespmem:$0x18900] =	vst v63  }
0xa1: {  	_ =	swait.ge [sflag:s30], $0x2000  }
0xa2: {  	[sflag:s30] =	ssyncset.done $0x0  }
0xa3: {  	[sflag:s30] =	ssyncadd.s32 $0xFFFFE000  }
0xa4: {  	[tilespmem:s29], [sflag:$0x2] =	stream.linear.gather [spmem:s18], $0x2000, $0x38;
	[tilespmem:$0x18900] =	vst v63  }
0xa5: {  	_ =	swait.ge [sflag:s30], $0x2000  }
0xa6: {  	[sflag:s30] =	ssyncset.done $0x0  }
0xa7: {  	s7 =	rddreg [dreg:$0x7];
	[sflag:s30] =	ssyncadd.s32 $0xFFFFE000  }
0xa8: {  	[hbm4b:s7+s3] =	stream.linear.scatter [tilespmem:s29], [sflag:$0x2], $0x2000, $0x38;
	[tilespmem:$0x18900] =	vst v63  }
0xa9: {  	_ =	swait.ge [sflag:s30], $0x2000  }
0xaa: {  	[sflag:s30] =	ssyncset.done $0x0  }
0xab: {  	[sflag:s30] =	ssyncadd.s32 $0xFFFFE000  }
0xac: {  	[tilespmem:s29], [sflag:$0x2] =	stream.linear.gather [spmem:s19], $0x2000, $0x38;
	[tilespmem:$0x18900] =	vst v63  }
0xad: {  	_ =	swait.ge [sflag:s30], $0x2000  }
0xae: {  	[sflag:s30] =	ssyncset.done $0x0  }
0xaf: {  	s8 =	rddreg [dreg:$0x8];
	[sflag:s30] =	ssyncadd.s32 $0xFFFFE000  }
0xb0: {  	[hbm4b:s8+s3] =	stream.linear.scatter [tilespmem:s29], [sflag:$0x2], $0x2000, $0x38;
	[tilespmem:$0x18900] =	vst v63  }
0xb1: {  	_ =	swait.ge [sflag:s30], $0x2000  }
0xb2: {  	[sflag:s30] =	ssyncset.done $0x0  }
0xb3: {  	[sflag:s30] =	ssyncadd.s32 $0xFFFFE000  }
0xb4: {  	[tilespmem:s29], [sflag:$0x2] =	stream.linear.gather [spmem:s20], $0x2000, $0x38;
	[tilespmem:$0x18900] =	vst v63  }
0xb5: {  	_ =	swait.ge [sflag:s30], $0x2000  }
0xb6: {  	[sflag:s30] =	ssyncset.done $0x0  }
0xb7: {  	s9 =	rddreg [dreg:$0x9];
	[sflag:s30] =	ssyncadd.s32 $0xFFFFE000  }
0xb8: {  	[hbm4b:s9+s3] =	stream.linear.scatter [tilespmem:s29], [sflag:$0x2], $0x2000, $0x38;
	[tilespmem:$0x18900] =	vst v63  }
0xb9: {  	_ =	swait.ge [sflag:s30], $0x2000  }
0xba: {  	[sflag:s30] =	ssyncset.done $0x0  }
0xbb: {  	[sflag:s30] =	ssyncadd.s32 $0xFFFFE000  }
0xbc: {  	[tilespmem:s29], [sflag:$0x2] =	stream.linear.gather [spmem:s21], $0x2000, $0x38;
	[tilespmem:$0x18900] =	vst v63  }
0xbd: {  	_ =	swait.ge [sflag:s30], $0x2000  }
0xbe: {  	[sflag:s30] =	ssyncset.done $0x0  }
0xbf: {  	s11 =	rddreg [dreg:$0xa];
	[sflag:s30] =	ssyncadd.s32 $0xFFFFE000  }
0xc0: {  	[hbm4b:s11+s3] =	stream.linear.scatter [tilespmem:s29], [sflag:$0x2], $0x2000, $0x38;
	[tilespmem:$0x18900] =	vst v63  }
0xc1: {  	_ =	swait.ge [sflag:s30], $0x2000  }
0xc2: {  	[sflag:s30] =	ssyncset.done $0x0  }
0xc3: {  	[sflag:s30] =	ssyncadd.s32 $0xFFFFE000  }
0xc4: {  	[tilespmem:s29], [sflag:$0x2] =	stream.linear.gather [spmem:s22], $0x2000, $0x38;
	[tilespmem:$0x18900] =	vst v63  }
0xc5: {  	_ =	swait.ge [sflag:s30], $0x2000  }
0xc6: {  	[sflag:s30] =	ssyncset.done $0x0  }
0xc7: {  	[sflag:s30] =	ssyncadd.s32 $0xFFFFE000  }
0xc8: {  	[hbm4b:s12+s3] =	stream.linear.scatter [tilespmem:s29], [sflag:$0x2], $0x2000, $0x38;
	[tilespmem:$0x18900] =	vst v63  }
0xc9: {  	_ =	swait.ge [sflag:s30], $0x2000  }
0xca: {  	[sflag:s30] =	ssyncset.done $0x0  }
0xcb: {  	[sflag:s30] =	ssyncadd.s32 $0xFFFFE000  }
0xcc: {  	[tilespmem:s29], [sflag:$0x2] =	stream.linear.gather [spmem:s23], $0x2000, $0x38;
	[tilespmem:$0x18900] =	vst v63  }
0xcd: {  	_ =	swait.ge [sflag:s30], $0x2000  }
0xce: {  	[sflag:s30] =	ssyncset.done $0x0  }
0xcf: {  	[sflag:s30] =	ssyncadd.s32 $0xFFFFE000  }
0xd0: {  	[hbm4b:s13+s3] =	stream.linear.scatter [tilespmem:s29], [sflag:$0x2], $0x2000, $0x38;
	[tilespmem:$0x18900] =	vst v63  }
0xd1: {  	_ =	swait.ge [sflag:s30], $0x2000  }
0xd2: {  	[sflag:s30] =	ssyncset.done $0x0  }
0xd3: {  	[sflag:s30] =	ssyncadd.s32 $0xFFFFE000  }
0xd4: {  	[tilespmem:s29], [sflag:$0x2] =	stream.linear.gather [spmem:s24], $0x2000, $0x38;
	[tilespmem:$0x18900] =	vst v63  }
0xd5: {  	s5 =	sadd.s32 $0x1, s5;
	_ =	swait.ge [sflag:s30], $0x2000  }
0xd6: {  	p0 =	sne.s32 s5, s25;
	[sflag:s30] =	ssyncset.done $0x0  }
.Ltmp2:
0xd7: {  	[sflag:s30] =	ssyncadd.s32 $0xFFFFE000;
	(pc) =	sbr.rel @p0 .LBB2_1-.Ltmp2, $4  }
0xd8: {  	[hbm4b:s14+s3] =	stream.linear.scatter [tilespmem:s29], [sflag:$0x2], $0x2000, $0x38;
	[tilespmem:$0x18900] =	vst v63  }
0xd9: {  	_ =	swait.ge [sflag:s30], $0x2000  }
0xda: {  	[sflag:s30] =	ssyncset.done $0x0  }
0xdb: {  	[sflag:s30] =	ssyncadd.s32 $0xFFFFE000  }
0xdc: {  	_ =	sfence.sel $0x180000  }
0xdd: {  	[bflag:$0x0] =	sbarrier.arrive $0xFFFF  }
0xde: {  	_ =	strace $0x9000004D  }
0xdf: {  	s0 =	stileid.u32;
	[bflag:$0x2] =	sbarrier.arrive $0xFFFF  }
0xe0: {  	p0 =	sne.s32 s0, $0x0;
	s0 =	rddreg [dreg:$0x3]  }
0xe1: {  	s0 =	sadd.s32 @!p0 $0x100000, s0  }
0xe2: {  	[sflag:s0] =	ssyncadd.tile.s32 @!p0 $0x1;
	_ =	shalt  }
.Lfunc_end2:
_tile_overlayer_lowered:
.L_overlay_start_2:
0xe3: {  	(tag) =	ssettag $0x2  }
0xe4: {  	s0 =	rddreg [dreg:$0x0];
	s2 =	stileid.u32  }
0xe5: {  	s1 =	rddreg [dreg:$0x1];
	p0 =	sne.s32 s2, $0x0  }
0xe6: {  	s3 =	rddreg [dreg:$0x2];
	[bflag:$0x3] =	sbarrier.arrive $0xFFFF;
	s2 =	simm.s32 @!p0 $0x1C02  }
0xe7: {  	[timem:s3], [sflag:s2] =	dma.local @!p0 [hbm:s0], s1  }
0xe8: {  	s0 =	simm.s32 @!p0 $0x2  }
0xe9: {  	_ =	swait.ge @!p0 [sflag:s0], s1  }
0xea: {  	s1 =	ssub.s32 @!p0 $0x0, s1;
	[sflag:s0] =	ssyncset.done @!p0 $0x0  }
0xeb: {  	[sflag:s0] =	ssyncadd.s32 @!p0 s1  }
0xec: {  	[bflag:$0x3] =	sbarrier.arrive $0xFFFF  }
0xed: {  	_ =	shalt  }

// kernel: kernel.8.cloned.1.call-start
scs
__scs_entry_jumppad:
0x0: {  	(pc) =	sbr.rel $0x88, $3  }
0x1: {  	(tag) =	ssettag $0x0;
	lr =	simm.s32 $0x1  }
0x2: {  	[smem:$0x3F9B] =	sst lr;
	_ =	strace $0xD0000000  }
0x3: {  	_ = 	snop  }
0x4: {  	_ = 	snop  }
0x5: {  	_ = 	snop  }
0x6: {  	_ = 	snop  }
0x7: {  	_ = 	snop  }
__scs_overlays_trampoline_lowered:
0x8: {  	[smem:$0x3FAA] =	sst s0  }
0x9: {  	[smem:$0x3FAB] =	sst s1  }
0xa: {  	[smem:$0x3FAC] =	sst s2  }
0xb: {  	[smem:$0x3FAD] =	sst s3  }
0xc: {  	[smem:$0x3FAE] =	sst s4  }
0xd: {  	[smem:$0x3FAF] =	sst s5  }
0xe: {  	[smem:$0x3FB0] =	sst s6  }
0xf: {  	[smem:$0x3FB1] =	sst s7  }
0x10: {  	[smem:$0x3FB2] =	sst s8  }
0x11: {  	[smem:$0x3FB3] =	sst s9;
	s0 =	simm.s32 @!p0 $0x0  }
0x12: {  	s1 =	sld [smem:$0x3F99];
	s0 =	simm.s32 @p0 $0x1  }
0x13: {  	[smem:$0x3FB4] =	sst s0;
	s0 =	simm.s32 @!p1 $0x0  }
0x14: {  	s2 =	sld [smem:$0x3F98];
	s0 =	simm.s32 @p1 $0x1  }
0x15: {  	[smem:$0x3FB5] =	sst s0;
	s0 =	simm.s32 @!p2 $0x0  }
0x16: {  	s3 =	sld [smem:$0x3FDB];
	s0 =	simm.s32 @p2 $0x1  }
0x17: {  	s4 =	simm.s32 $0x1BF5;
	[smem:$0x3FB7] =	sst s0  }
0x18: {  	s0 =	sld [smem:$0x3F9A];
	_ =	swait.ge [sflag:s4], $0x0  }
0x19: {  	s7 =	sld [smem:$0x3F9B]  }
0x1a: {  	s8 =	sadd.s32 $0xFFFFE003, lr  }
0x1b: {  	s9 =	sadd.s32 $0xFFFFFEF7, lr;
	s5 =	simm.s32 $0xFFFFFFFF;
	p2 =	slt.u32 s8, $0xFFFFF086  }
0x1c: {  	p1 =	slt.u32 s9, $0xF7A;
	s5 =	simm.s32 @!p2 $0x0  }
0x1d: {  	s5 =	simm.s32 @p1 $0x1;
	p0 =	seq.s32 s7, s2  }
0x1e: {  	s7 =	smul.u32 @!p0 $0xF7A, s2;
	p2 =	seq.s32 @!p0 s5, $0x0  }
0x1f: {  	s9 =	smul.u32 $0xF7A, s1;
	s8 =	simm.s32 @!p0 $0x1BF5;
	p2 =	por !p2, p0  }
0x20: {  	[sflag:s8] =	ssyncset.s32 @!p0 $0xFFFFF086;
	s6 =	sadd.s32 @!p0 s3, s7;
	s7 =	simm.s32 @!p0 $0x108  }
0x21: {  	s3 =	sadd.s32 s3, s9;
	s6 =	sadd.s32 @!p0 $0x88, s6;
	s7 =	simm.s32 @p2 $0x1082  }
0x22: {  	[simem:s7], [sflag:s8] =	dma.local @!p0 [hbm:s6], $0xF7A  }
0x23: {  	s9 =	sor.u32 $0xD0000000, s2;
	s6 =	simm.s32 $0x108;
	_ =	swait.ge @!p0 [sflag:s8], $0x0  }
0x24: {  	s3 =	sadd.s32 $0x88, s3;
	s6 =	simm.s32 @!p1 $0x1082;
	[sflag:s4] =	ssyncset.s32 $0xFFFFF086  }
0x25: {  	[simem:s6], [sflag:s4] =	dma.local [hbm:s3], $0xF7A  }
0x26: {  	[smem:$0x3F9B] =	sst s1;
	(tag) =	ssettag s2;
	_ =	strace s9  }
0x27: {  	s1 =	sld [smem:$0x3FAB]  }
0x28: {  	s2 =	sld [smem:$0x3FAC]  }
0x29: {  	s4 =	sld [smem:$0x3FAE]  }
0x2a: {  	p0 =	seq.s32 s5, $0x0;
	s5 =	sld [smem:$0x3FAF]  }
0x2b: {  	s6 =	sld [smem:$0x3FB0]  }
0x2c: {  	s7 =	sld [smem:$0x3FB1]  }
0x2d: {  	s3 =	simm.s32 $0x108;
	s8 =	sld [smem:$0x3FB2]  }
0x2e: {  	s3 =	simm.s32 @!p0 $0x1082;
	s9 =	sld [smem:$0x3FB3]  }
0x2f: {  	lr =	sadd.s32 s0, s3;
	s0 =	sld [smem:$0x3FAA]  }
0x30: {  	s3 =	sld [smem:$0x3FAD]  }
0x31: {  	[smem:$0x3FB6] =	sst s10  }
0x32: {  	s10 =	sld [smem:$0x3FB4];
	_ =	sdelay $0x3  }
0x33: {  	p0 =	seq.s32 s10, $0x1;
	s10 =	sld [smem:$0x3FB6];
	_ =	sdelay $0x3  }
0x34: {  	[smem:$0x3FB6] =	sst s10  }
0x35: {  	s10 =	sld [smem:$0x3FB5];
	_ =	sdelay $0x3  }
0x36: {  	p1 =	seq.s32 s10, $0x1;
	s10 =	sld [smem:$0x3FB6];
	_ =	sdelay $0x3  }
0x37: {  	[smem:$0x3FB6] =	sst s10  }
0x38: {  	s10 =	sld [smem:$0x3FB7]  }
0x39: {  	_ = 	snop;
	(pc) =	sbr.ind lr, $3  }
0x3a: {  	_ = 	snop  }
0x3b: {  	_ = 	snop  }
0x3c: {  	p2 =	seq.s32 s10, $0x1;
	s10 =	sld [smem:$0x3FB6]  }
0x3d: {  	_ =	shalt  }
0x3e: {  	_ =	shalt  }
0x3f: {  	_ =	shalt  }
0x40: {  	_ =	shalt  }
0x41: {  	_ =	shalt  }
0x42: {  	_ =	shalt  }
0x43: {  	_ =	shalt  }
0x44: {  	_ =	shalt  }
0x45: {  	_ =	shalt  }
0x46: {  	_ =	shalt  }
0x47: {  	_ =	shalt  }
0x48: {  	_ =	shalt  }
0x49: {  	_ =	shalt  }
0x4a: {  	_ =	shalt  }
0x4b: {  	_ =	shalt  }
0x4c: {  	_ =	shalt  }
0x4d: {  	_ =	shalt  }
0x4e: {  	_ =	shalt  }
0x4f: {  	_ =	shalt  }
0x50: {  	_ =	shalt  }
0x51: {  	_ =	shalt  }
0x52: {  	_ =	shalt  }
0x53: {  	_ =	shalt  }
0x54: {  	_ =	shalt  }
0x55: {  	_ =	shalt  }
0x56: {  	_ =	shalt  }
0x57: {  	_ =	shalt  }
0x58: {  	_ =	shalt  }
0x59: {  	_ =	shalt  }
0x5a: {  	_ =	shalt  }
0x5b: {  	_ =	shalt  }
0x5c: {  	_ =	shalt  }
0x5d: {  	_ =	shalt  }
0x5e: {  	_ =	shalt  }
0x5f: {  	_ =	shalt  }
0x60: {  	_ =	shalt  }
0x61: {  	_ =	shalt  }
0x62: {  	_ =	shalt  }
0x63: {  	_ =	shalt  }
0x64: {  	_ =	shalt  }
0x65: {  	_ =	shalt  }
0x66: {  	_ =	shalt  }
0x67: {  	_ =	shalt  }
0x68: {  	_ =	shalt  }
0x69: {  	_ =	shalt  }
0x6a: {  	_ =	shalt  }
0x6b: {  	_ =	shalt  }
0x6c: {  	_ =	shalt  }
0x6d: {  	_ =	shalt  }
0x6e: {  	_ =	shalt  }
0x6f: {  	_ =	shalt  }
0x70: {  	_ =	shalt  }
0x71: {  	_ =	shalt  }
0x72: {  	_ =	shalt  }
0x73: {  	_ =	shalt  }
0x74: {  	_ =	shalt  }
0x75: {  	_ =	shalt  }
0x76: {  	_ =	shalt  }
0x77: {  	_ =	shalt  }
0x78: {  	_ =	shalt  }
0x79: {  	_ =	shalt  }
0x7a: {  	_ =	shalt  }
0x7b: {  	_ =	shalt  }
0x7c: {  	_ =	shalt  }
0x7d: {  	_ =	shalt  }
0x7e: {  	_ =	shalt  }
0x7f: {  	_ =	shalt  }
0x80: {  	_ =	shalt  }
0x81: {  	_ =	shalt  }
0x82: {  	_ =	shalt  }
0x83: {  	_ =	shalt  }
0x84: {  	_ =	shalt  }
0x85: {  	_ =	shalt  }
0x86: {  	_ =	shalt  }
0x87: {  	_ =	shalt  }
.Lfunc_end0:
.L_simem_size_0:
called_computation_lowered:
.L_overlay_start_0:
0x88: {  	s2 =	sld [smem:$0x3FD9]  }
0x89: {  	s3 =	sld [smem:$0x3FFE];
	_ =	sdelay $0x1  }
0x8a: {  	s1 =	srdreg.scid  }
0x8b: {  	s0 =	sand.u32 $0x1, s1  }
0x8c: {  	s17 =	sshll.u32 s0, $0xA;
	s2 =	sadd.s32 s3, s2  }
0x8d: {  	s2 =	sadd.s32 s2, s17  }
0x8e: {  	[smem:$0x3FC2] =	sst s2  }
0x8f: {  	_ = 	snop  }
0x90: {  	s2 =	sld [smem:$0x3FD0];
	(tm) =	ssettm $0x1  }
0x91: {  	s18 =	sld [smem:$0x3FFB];
	_ =	sdelay $0x3  }
0x92: {  	_ =	strace s18  }
0x93: {  	s3 =	sld [smem:$0x3FFC];
	_ =	sdelay $0x3  }
0x94: {  	_ =	strace s3  }
0x95: {  	s3 =	sld [smem:$0x3FFD];
	_ =	sdelay $0x3  }
0x96: {  	_ =	strace s3  }
0x97: {  	_ =	strace $0x8FFFFFFF  }
0x98: {  	s19 =	sld [smem:$0x3FDB];
	_ =	sdelay $0x1  }
0x99: {  	s4 =	simm.s32 $_scs_section_size  }
0x9a: {  	s5 =	simm.s32 $_size__tile_overlayer_lowered;
	s6 =	simm.s32 $_tile_overlayer_lowered  }
0x9b: {  	s22 =	simm.s32 $0x1BFF;
	s21 =	sshll.u32 s6, $0x1;
	s3 =	sadd.s32 s4, s19  }
0x9c: {  	s7 =	simm.s32 $0x0;
	s20 =	sshll.u32 s5, $0x1;
	s5 =	sadd.s32 s21, s3  }
0x9d: {  	[timem:s7], [sflag:s22] =	dma.local [hbm:s5], s20  }
0x9e: {  	_ =	swait.ge [sflag:s22], s20  }
0x9f: {  	s4 =	ssub.s32 $0x0, s20;
	[sflag:s22] =	ssyncset.done $0x0  }
0xa0: {  	[sflag:s22] =	ssyncadd.s32 s4;
	_ =	sdelay $0x1  }
0xa1: {  	s23 =	simm.s32 $0x1B8B  }
0xa2: {  	_ =	swait.ge [sflag:s23], $0x1  }
0xa3: {  	[sflag:s23] =	ssyncset.done $0x0  }
0xa4: {  	s25 =	simm.s32 $0x1B8E;
	s24 =	sld [smem:$0x3FFE];
	[sflag:s23] =	ssyncadd.s32 $0xFFFFFFFF  }
0xa5: {  	s26 =	simm.s32 $execute0_lowered;
	[smem:$0x3FD2] =	sst s25  }
0xa6: {  	s5 =	sshll.u32 s26, $0x1;
	_ =	strace $0x80000046;
	[dreg:$0x1] =	wrdreg $0xFFFFFFFF  }
0xa7: {  	s28 =	simm.s32 $_size_execute0_lowered;
	s3 =	sadd.s32 s3, s5;
	[dreg:$0x0] =	wrdreg $0x0  }
0xa8: {  	s5 =	sshll.u32 s28, $0x1;
	[dreg:$0x2] =	wrdreg s3  }
0xa9: {  	[dreg:$0x3] =	wrdreg s5  }
0xaa: {  	[dreg:$0x4] =	wrdreg $0xC0  }
0xab: {  	_ =	task [dreg:s7], $0x5FFFF  }
0xac: {  	[dreg:$0x1] =	wrdreg $0xFFFFFFFF  }
0xad: {  	[dreg:$0x0] =	wrdreg $0x60  }
0xae: {  	[dreg:$0x2] =	wrdreg s24  }
0xaf: {  	[dreg:$0x3] =	wrdreg s2  }
0xb0: {  	[dreg:$0x4] =	wrdreg $0x34800  }
0xb1: {  	[dreg:$0x5] =	wrdreg $0x9  }
0xb2: {  	_ =	task.clear_ibuf [dreg:s7], $0x6FFFF;
	_ =	strace $0x90000046  }
0xb3: {  	s29 =	simm.s32 $0x9;
	_ =	strace $0x80000048  }
0xb4: {  	_ =	swait.ge [sflag:s29], $0x1  }
0xb5: {  	[sflag:s29] =	ssyncadd.s32 $0xFFFFFFFF  }
0xb6: {  	_ =	strace $0x90000048  }
0xb7: {  	_ =	sfence  }
0xb8: {  	s30 =	sld [smem:$0x0];
	_ =	sdelay $0x2  }
0xb9: {  	s31 =	sshll.u32 s1, $0xD;
	s1 =	sshrl.u32 s1, $0x2  }
0xba: {  	s3 =	sand.u32 $0x4000, s31;
	s1 =	sadd.s32 s1, s30  }
0xbb: {  	s0 =	sor.u32 s3, s0;
	s1 =	sshll.u32 s1, $0x11  }
0xbc: {  	s0 =	sor.u32 s1, s0  }
0xbd: {  	s0 =	sadd.s32 $0x8F2B, s0  }
0xbe: {  	[sflag:s0] =	ssyncadd.remote.s32 $0x1  }
0xbf: {  	_ =	sfence.sel $0xFFFF  }
0xc0: {  	[dreg:$0x0] =	wrdreg $0xFFFFFFFF;
	(pc) =	sbr.abs _section_cstart, $3  }
0xc1: {  	[dreg:$0x1] =	wrdreg $0xFFFFFFFF  }
0xc2: {  	_ =	task.clear_ibuf [dreg:s7], $0x2FFFF;
	_ =	strace $0x9FFFFFFF  }
0xc3: {  	(tm) =	ssettm $0x7FFFFFFF  }
tec
execute0_lowered:
.L_overlay_start_1:
0x0: {  	(tag) =	ssettag $0x1  }
0x1: {  	s0 =	srdreg.scid;
	s3 =	rddreg [dreg:$0x0]  }
0x2: {  	s10 =	rddreg [dreg:$0x1];
	s13 =	stileid.u32  }
0x3: {  	s1 =	rddreg [dreg:$0x2];
	s2 =	simm.s32 $0x0;
	s12 =	simm.s32 $0x800  }
0x4: {  	s14 =	simm.s32 $0x3000;
	s4 =	sand.u32 $0x1, s0;
	[smem:$0x7FF] =	sst s2  }
0x5: {  	s31 =	sshll.u32 s13, $0xA;
	s11 =	sshll.u32 s13, $0x7;
	s8 =	sadd.s32 $0x500, s10  }
0x6: {  	p1 =	sgt.u32 s13, $0x9;
	s0 =	sshll.u32 s4, $0x4;
	s6 =	ssub.s32 $0x2, s4  }
0x7: {  	p0 =	seq.s32 s4, $0x1;
	s5 =	sor.u32 s13, s0;
	s0 =	rddreg [dreg:$0x3]  }
0x8: {  	_ =	strace $0x80000047;
	s7 =	sshrl.u32 s6, $0x1;
	s5 =	smul.u32 $0x2710, s5  }
0x9: {  	s10 =	smov.u32 @p0 s8;
	p0 =	sne.s32 s13, $0x0;
	s13 =	simm.s32 $0x50  }
0xa: {  	s30 =	ssub.s32 s6, s7;
	s10 =	sadd.s32 s11, s10;
	s5 =	sshrl.u32 s5, $0x3  }
0xb: {  	v0 =	vlaneseq.u32;
	s11 =	simm.s32 $0x1;
	s4 =	smax.u32 s30, $0x1;
	s9 =	sadd.s32 s5, s3  }
0xc: {  	v1 =	vimm.f32 $0.0e+00;
	v6 =	vimm.f32 $1.000000000e+00;
	v2 =	vor.u32 $0x10, v0;
	s3 =	sadd.s32 s31, s1;
	s5 =	sadd.s32 $0x2600, s9;
	s6 =	sadd.s32 $0x26FA, s9  }
0xd: {  	v3 =	vor.u32 $0x20, v0;
	v4 =	vor.u32 $0x30, v0;
	v5 =	vor.u32 $0x40, v0;
	s7 =	sadd.s32 $0x27F4, s9;
	s8 =	sadd.s32 $0x28EE, s9;
	s9 =	sadd.s32 $0x29E8, s9  }
.LBB2_1:
0xe: {  	s15 =	simm.s32 $0x70;
	s16 =	simm.s32 $0x3C0  }
.LBB2_2:
0xf: {  	p2 =	sne.s32 s16, $0x9FC0;
	[tilespmem:s15+$0x800] =	vst v1  }
0x10: {  	[tilespmem:s15+$0x790] =	vst v1  }
0x11: {  	[tilespmem:s15+$0x7A0] =	vst v1  }
.Ltmp0:
0x12: {  	[tilespmem:s15+$0x7B0] =	vst v1;
	(pc) =	sbr.rel @p2 .LBB2_2-.Ltmp0, $4  }
0x13: {  	[tilespmem:s15+$0x7C0] =	vst v1  }
0x14: {  	[tilespmem:s15+$0x7D0] =	vst v1  }
0x15: {  	[tilespmem:s15+$0x7E0] =	vst v1  }
0x16: {  	[tilespmem:s15+$0x7F0] =	vst v1;
	s15 =	sshra.s32 s16, $0x2;
	s16 =	sadd.s32 $0x200, s16  }
0x17: {  	[tilespmem:s15+$0x800] =	vst v1  }
0x18: {  	[tilespmem:s15+$0x790] =	vst v1  }
0x19: {  	[tilespmem:s15+$0x7A0] =	vst v1  }
0x1a: {  	[tilespmem:s15+$0x7B0] =	vst v1  }
0x1b: {  	[tilespmem:s15+$0x7C0] =	vst v1  }
0x1c: {  	[tilespmem:s15+$0x7D0] =	vst v1  }
0x1d: {  	[tilespmem:s15+$0x7E0] =	vst v1  }
0x1e: {  	[tilespmem:s15+$0x7F0] =	vst v1  }
0x1f: {  	[tilespmem:$0x3000] =	vst v0  }
0x20: {  	[tilespmem:$0x3010] =	vst v2  }
0x21: {  	[tilespmem:$0x3020] =	vst v3  }
0x22: {  	[tilespmem:$0x3030] =	vst v4  }
0x23: {  	s15 =	simm.s32 @!p0 $0x800;
	[tilespmem:$0x3040] =	vst v5  }
0x24: {  	[spmem:s1] =	stream.linear.scatter @!p0 [tilespmem:s15], [sflag:$0x1], $0x2800, $0x38;
	[tilespmem:$0x3700] =	vst v63  }
0x25: {  	s15 =	simm.s32 @!p0 $0x1  }
0x26: {  	_ =	swait.ge @!p0 [sflag:s15], $0x2800  }
0x27: {  	[sflag:s15] =	ssyncset.done @!p0 $0x0  }
0x28: {  	[sflag:s15] =	ssyncadd.s32 @!p0 $0xFFFFD800  }
0x29: {  	s31 =	simm.s32 $0x0;
	[bflag:$0x0] =	sbarrier.arrive $0xFFFF  }
0x2a: {  	[tilespmem:s31], [sflag:$0x1] =	stream.linear.gather [hbm4b:s5+s31], $0x7D0, $0x38;
	[tilespmem:$0x3700] =	vst v63  }
0x2b: {  	_ =	swait.ge [sflag:s11], $0x7D0  }
0x2c: {  	[sflag:s11] =	ssyncset.done $0x0  }
0x2d: {  	s16 =	simm.s32 $0x0;
	s15 =	simm.s32 $0x40;
	[sflag:s11] =	ssyncadd.s32 $0xFFFFF830  }
.LBB2_4:
0x2e: {  	p2 =	sne.s32 s15, $0x1F00;
	v7 =	vld [tilespmem:s16+$0x0];
	_ =	sdelay $0x3  }
.Ltmp1:
0x2f: {  	(pc) =	sbr.rel @p2 .LBB2_4-.Ltmp1, $2  }
0x30: {  	_ =	sdelay $0x2  }
0x31: {  	s16 =	sshra.s32 s15, $0x2;
	s15 =	sadd.s32 $0x40, s15;
	[tilespmem:v7+s12+$0x0] =	vst.idx.add.f32.msk $0xffff, v6  }
0x32: {  	v7 =	vld [tilespmem:s16+$0x0];
	_ =	sdelay $0x7  }
0x33: {  	s15 =	simm.s32 $0x0;
	[tilespmem:v7+s12+$0x0] =	vst.idx.add.f32.msk $0xffff, v6  }
0x34: {  	[tilespmem:s15], [sflag:$0x1] =	stream.linear.gather [hbm4b:s6+s15], $0x7D0, $0x38;
	[tilespmem:$0x3700] =	vst v63  }
0x35: {  	_ =	swait.ge [sflag:s11], $0x7D0  }
0x36: {  	[sflag:s11] =	ssyncset.done $0x0  }
0x37: {  	s16 =	simm.s32 $0x0;
	s15 =	simm.s32 $0x40;
	[sflag:s11] =	ssyncadd.s32 $0xFFFFF830  }
.LBB2_6:
0x38: {  	p2 =	sne.s32 s15, $0x1F00;
	v7 =	vld [tilespmem:s16+$0x0];
	_ =	sdelay $0x3  }
.Ltmp2:
0x39: {  	(pc) =	sbr.rel @p2 .LBB2_6-.Ltmp2, $2  }
0x3a: {  	_ =	sdelay $0x2  }
0x3b: {  	s16 =	sshra.s32 s15, $0x2;
	s15 =	sadd.s32 $0x40, s15;
	[tilespmem:v7+s12+$0x0] =	vst.idx.add.f32.msk $0xffff, v6  }
0x3c: {  	v7 =	vld [tilespmem:s16+$0x0];
	_ =	sdelay $0x7  }
0x3d: {  	s15 =	simm.s32 $0x0;
	[tilespmem:v7+s12+$0x0] =	vst.idx.add.f32.msk $0xffff, v6  }
0x3e: {  	[tilespmem:s15], [sflag:$0x1] =	stream.linear.gather [hbm4b:s7+s15], $0x7D0, $0x38;
	[tilespmem:$0x3700] =	vst v63  }
0x3f: {  	_ =	swait.ge [sflag:s11], $0x7D0  }
0x40: {  	[sflag:s11] =	ssyncset.done $0x0  }
0x41: {  	s16 =	simm.s32 $0x0;
	s15 =	simm.s32 $0x40;
	[sflag:s11] =	ssyncadd.s32 $0xFFFFF830  }
.LBB2_8:
0x42: {  	p2 =	sne.s32 s15, $0x1F00;
	v7 =	vld [tilespmem:s16+$0x0];
	_ =	sdelay $0x3  }
.Ltmp3:
0x43: {  	(pc) =	sbr.rel @p2 .LBB2_8-.Ltmp3, $2  }
0x44: {  	_ =	sdelay $0x2  }
0x45: {  	s16 =	sshra.s32 s15, $0x2;
	s15 =	sadd.s32 $0x40, s15;
	[tilespmem:v7+s12+$0x0] =	vst.idx.add.f32.msk $0xffff, v6  }
0x46: {  	v7 =	vld [tilespmem:s16+$0x0];
	_ =	sdelay $0x7  }
0x47: {  	s15 =	simm.s32 $0x0;
	[tilespmem:v7+s12+$0x0] =	vst.idx.add.f32.msk $0xffff, v6  }
0x48: {  	[tilespmem:s15], [sflag:$0x1] =	stream.linear.gather [hbm4b:s8+s15], $0x7D0, $0x38;
	[tilespmem:$0x3700] =	vst v63  }
0x49: {  	_ =	swait.ge [sflag:s11], $0x7D0  }
0x4a: {  	[sflag:s11] =	ssyncset.done $0x0  }
0x4b: {  	s16 =	simm.s32 $0x0;
	s15 =	simm.s32 $0x40;
	[sflag:s11] =	ssyncadd.s32 $0xFFFFF830  }
.LBB2_10:
0x4c: {  	p2 =	sne.s32 s15, $0x1F00;
	v7 =	vld [tilespmem:s16+$0x0];
	_ =	sdelay $0x3  }
.Ltmp4:
0x4d: {  	(pc) =	sbr.rel @p2 .LBB2_10-.Ltmp4, $2  }
0x4e: {  	_ =	sdelay $0x2  }
0x4f: {  	s16 =	sshra.s32 s15, $0x2;
	s15 =	sadd.s32 $0x40, s15;
	[tilespmem:v7+s12+$0x0] =	vst.idx.add.f32.msk $0xffff, v6  }
0x50: {  	v7 =	vld [tilespmem:s16+$0x0];
	_ =	sdelay $0x7  }
0x51: {  	s15 =	simm.s32 $0x0;
	[tilespmem:v7+s12+$0x0] =	vst.idx.add.f32.msk $0xffff, v6  }
0x52: {  	[tilespmem:s15], [sflag:$0x1] =	stream.linear.gather [hbm4b:s9+s15], $0x7D0, $0x38;
	[tilespmem:$0x3700] =	vst v63  }
0x53: {  	_ =	swait.ge [sflag:s11], $0x7D0  }
0x54: {  	[sflag:s11] =	ssyncset.done $0x0  }
0x55: {  	s16 =	simm.s32 $0x0;
	s15 =	simm.s32 $0x40;
	[sflag:s11] =	ssyncadd.s32 $0xFFFFF830  }
.LBB2_12:
0x56: {  	p2 =	sne.s32 s15, $0x1F00;
	v7 =	vld [tilespmem:s16+$0x0];
	_ =	sdelay $0x3  }
.Ltmp5:
0x57: {  	(pc) =	sbr.rel @p2 .LBB2_12-.Ltmp5, $2  }
0x58: {  	_ =	sdelay $0x2  }
0x59: {  	s16 =	sshra.s32 s15, $0x2;
	s15 =	sadd.s32 $0x40, s15;
	[tilespmem:v7+s12+$0x0] =	vst.idx.add.f32.msk $0xffff, v6  }
0x5a: {  	v7 =	vld [tilespmem:s16+$0x0];
	_ =	sdelay $0x7  }
0x5b: {  	[tilespmem:v7+s12+$0x0] =	vst.idx.add.f32.msk $0xffff, v6  }
0x5c: {  	[spmem:s1] =	stream.indirect.scatter.add.f32 [tilespmem:s12], [sflag:$0x1], $0x80, s14, s13, $0xb8;
	[tilespmem:$0x3700] =	vst v63  }
0x5d: {  	_ =	swait.ge [sflag:s11], $0x2800  }
0x5e: {  	[sflag:s11] =	ssyncset.done $0x0  }
0x5f: {  	[sflag:s11] =	ssyncadd.s32 $0xFFFFD800  }
0x60: {  	s15 =	simm.s32 @!p1 $0x3080;
	s16 =	simm.s32 @!p1 $0x1;
	[bflag:$0x0] =	sbarrier.arrive $0xFFFF  }
0x61: {  	[tilespmem:s15], [sflag:$0x1] =	stream.linear.gather @!p1 [spmem:s3], $0x400, $0x38;
	[tilespmem:$0x3700] =	vst v63  }
0x62: {  	s2 =	sadd.s32 $0x1, s2;
	_ =	swait.ge @!p1 [sflag:s16], $0x400  }
0x63: {  	p2 =	sne.s32 s2, s4;
	[sflag:s16] =	ssyncset.done @!p1 $0x0  }
.Ltmp6:
0x64: {  	s17 =	simm.s32 @!p1 $0x0;
	[sflag:s16] =	ssyncadd.s32 @!p1 $0xFFFFFC00;
	(pc) =	sbr.rel @p2 .LBB2_1-.Ltmp6, $4  }
0x65: {  	[hbm4b:s10+s17] =	stream.linear.scatter @!p1 [tilespmem:s15], [sflag:$0x1], $0x400, $0x38;
	[tilespmem:$0x3700] =	vst v63  }
0x66: {  	_ =	swait.ge @!p1 [sflag:s16], $0x400  }
0x67: {  	[sflag:s16] =	ssyncset.done @!p1 $0x0  }
0x68: {  	[sflag:s16] =	ssyncadd.s32 @!p1 $0xFFFFFC00  }
0x69: {  	_ =	sfence.sel $0x180000  }
0x6a: {  	[bflag:$0x0] =	sbarrier.arrive $0xFFFF  }
0x6b: {  	_ =	strace $0x90000047  }
0x6c: {  	s0 =	sadd.s32 @!p0 $0x100000, s0;
	[bflag:$0x2] =	sbarrier.arrive $0xFFFF  }
0x6d: {  	[sflag:s0] =	ssyncadd.tile.s32 @!p0 $0x1;
	_ =	shalt  }
.Lfunc_end2:
_tile_overlayer_lowered:
.L_overlay_start_2:
0x6e: {  	(tag) =	ssettag $0x2  }
0x6f: {  	s0 =	rddreg [dreg:$0x0];
	s2 =	stileid.u32  }
0x70: {  	s1 =	rddreg [dreg:$0x1];
	p0 =	sne.s32 s2, $0x0  }
0x71: {  	s3 =	rddreg [dreg:$0x2];
	[bflag:$0x3] =	sbarrier.arrive $0xFFFF;
	s2 =	simm.s32 @!p0 $0x1C01  }
0x72: {  	[timem:s3], [sflag:s2] =	dma.local @!p0 [hbm:s0], s1  }
0x73: {  	s0 =	simm.s32 @!p0 $0x1  }
0x74: {  	_ =	swait.ge @!p0 [sflag:s0], s1  }
0x75: {  	s1 =	ssub.s32 @!p0 $0x0, s1;
	[sflag:s0] =	ssyncset.done @!p0 $0x0  }
0x76: {  	[sflag:s0] =	ssyncadd.s32 @!p0 s1  }
0x77: {  	[bflag:$0x3] =	sbarrier.arrive $0xFFFF  }
0x78: {  	_ =	shalt  }

</sc_bundles>
